<compile_context>
chip_gen: v7x
topology: tpu7x:2x2x1
jax: 0.10.2.dev20260603
libtpu: 0.0.44.dev20260713+nightly
codegen_flags: <defaults>
</compile_context>

<pallas_src>
import functools

import numpy as np
import jax
import jax.numpy as jnp
from jax import lax
from jax.experimental import pallas as pl
from jax.experimental.pallas import tpu as pltpu
from jax.experimental.pallas import tpu_sc as plsc

B = 4
A = 9
H = W = 32
N = A * H * W
NPRE = 6000
NPOST = 300
NMS_THRESH = 0.7
NCHUNK = N // 16
NITER4 = NCHUNK // 4
OUTW = NPOST * 5 + 4
INT_MIN = np.int32(-2147483648)
BIGPOS = np.int32(1 << 30)


def _anchor_table():
    base = np.array([1.0, 1.0, 16.0, 16.0]) - 1
    w = base[2] - base[0] + 1.0
    h = base[3] - base[1] + 1.0
    xc = base[0] + 0.5 * (w - 1)
    yc = base[1] + 0.5 * (h - 1)
    ratios = np.array([0.5, 1.0, 2.0])
    ws = np.round(np.sqrt(w * h / ratios))
    hs = np.round(ws * ratios)
    ra = np.stack([xc - 0.5 * (ws - 1), yc - 0.5 * (hs - 1),
                   xc + 0.5 * (ws - 1), yc + 0.5 * (hs - 1)], axis=1)
    scales = np.array([8.0, 16.0, 32.0])
    rows = []
    for i in range(3):
        a = ra[i]
        w2 = a[2] - a[0] + 1.0
        h2 = a[3] - a[1] + 1.0
        xc2 = a[0] + 0.5 * (w2 - 1)
        yc2 = a[1] + 0.5 * (h2 - 1)
        ws2 = w2 * scales
        hs2 = h2 * scales
        rows.append(np.stack([xc2 - 0.5 * (ws2 - 1), yc2 - 0.5 * (hs2 - 1),
                              xc2 + 0.5 * (ws2 - 1), yc2 + 0.5 * (hs2 - 1)],
                             axis=1))
    return np.concatenate(rows, axis=0).astype(np.float32)


_ANCH = _anchor_table()
_AW = np.zeros(16, np.float32); _AW[:A] = _ANCH[:, 2] - _ANCH[:, 0] + 1.0
_AH = np.zeros(16, np.float32); _AH[:A] = _ANCH[:, 3] - _ANCH[:, 1] + 1.0
_ACX = np.zeros(16, np.float32); _ACX[:A] = _ANCH[:, 0] + 0.5 * _AW[:A]
_ACY = np.zeros(16, np.float32); _ACY[:A] = _ANCH[:, 1] + 0.5 * _AH[:A]

@functools.cache
def _mesh():
    return plsc.VectorSubcoreMesh(core_axis_name="c", subcore_axis_name="s",
                                  num_cores=2, num_subcores=16)


def _sc_body(sc_hbm, dx_hbm, dy_hbm, ew_hbm, eh_hbm, wmax_hbm, hmax_hbm,
             aw_hbm, ah_hbm, acx_hbm, acy_hbm, out_hbm,
             vx1, vy1, vx2, vy2, vsc, vs, vout,
             vaw, vah, vacx, vacy, vwmax, vhmax):
    cid = lax.axis_index("c")
    sid = lax.axis_index("s")
    wid = sid * 2 + cid

    @pl.when(wid < B)
    def _():
        i16 = lax.iota(jnp.int32, 16)
        one = jnp.int32(1)
        zero = jnp.int32(0)

        pltpu.sync_copy(sc_hbm.at[wid], vsc)
        pltpu.sync_copy(dx_hbm.at[wid], vx1)
        pltpu.sync_copy(dy_hbm.at[wid], vy1)
        pltpu.sync_copy(ew_hbm.at[wid], vx2)
        pltpu.sync_copy(eh_hbm.at[wid], vy2)
        pltpu.sync_copy(wmax_hbm.at[wid], vwmax)
        pltpu.sync_copy(hmax_hbm.at[wid], vhmax)
        pltpu.sync_copy(aw_hbm, vaw)
        pltpu.sync_copy(ah_hbm, vah)
        pltpu.sync_copy(acx_hbm, vacx)
        pltpu.sync_copy(acy_hbm, vacy)

        wmaxv = vwmax[...]
        hmaxv = vhmax[...]
        zf = jnp.zeros((16,), jnp.float32)
        bf = wid.astype(jnp.float32)

        def initout(i, _):
            jv = i * 16 + i16
            row = jnp.where((jv % 5 == 0) & (jv < NPOST * 5), bf, 0.0)
            vout[pl.ds(i * 16, 16)] = row
            return 0
        lax.fori_loop(0, OUTW // 16, initout, 0)

        def decode(i, _):
            for u in range(4):
                base = i * 64 + u * 16
                sl = pl.ds(base, 16)
                kvec = base + i16
                a = kvec % A
                cell = kvec // A
                sxv = ((cell % W) * 16).astype(jnp.float32)
                syv = ((cell // W) * 16).astype(jnp.float32)
                awg = plsc.load_gather(vaw, [a])
                ahg = plsc.load_gather(vah, [a])
                cxg = sxv + plsc.load_gather(vacx, [a])
                cyg = syv + plsc.load_gather(vacy, [a])
                dxv = vx1[sl]
                dyv = vy1[sl]
                ewv = vx2[sl]
                ehv = vy2[sl]
                pcx = dxv * awg + cxg
                pcy = dyv * ahg + cyg
                pw = ewv * awg
                ph = ehv * ahg
                x1 = jnp.minimum(jnp.maximum(pcx - 0.5 * pw, zf), wmaxv)
                y1 = jnp.minimum(jnp.maximum(pcy - 0.5 * ph, zf), hmaxv)
                x2 = jnp.minimum(jnp.maximum(pcx + 0.5 * pw, zf), wmaxv)
                y2 = jnp.minimum(jnp.maximum(pcy + 0.5 * ph, zf), hmaxv)
                vx1[sl] = x1
                vy1[sl] = y1
                vx2[sl] = x2
                vy2[sl] = y2
                bits = plsc.bitcast(vsc[sl], jnp.int32)
                vs[sl] = jnp.where(bits >= 0, bits,
                                   bits ^ jnp.int32(0x7FFFFFFF))
            return 0
        lax.fori_loop(0, NITER4, decode, 0)

        def count_ge(ts):
            def cbody(i, acc):
                for u in range(4):
                    spv = vs[pl.ds(i * 64 + u * 16, 16)]
                    acc = acc + jnp.where(spv >= ts, one, zero)
                return acc
            acc = lax.fori_loop(0, NITER4, cbody, jnp.zeros((16,), jnp.int32))
            return jnp.sum(acc)

        def bis(bit, tb):
            cand = tb | (one << (31 - bit))
            cnt = count_ge(cand ^ INT_MIN)
            return jnp.where(cnt >= NPRE, cand, tb)
        tb = lax.fori_loop(0, 32, bis, zero)
        ts = tb ^ INT_MIN

        def count_gt(ts_):
            def cbody(i, acc):
                for u in range(4):
                    spv = vs[pl.ds(i * 64 + u * 16, 16)]
                    acc = acc + jnp.where(spv > ts_, one, zero)
                return acc
            acc = lax.fori_loop(0, NITER4, cbody, jnp.zeros((16,), jnp.int32))
            return jnp.sum(acc)
        quota = jnp.int32(NPRE) - count_gt(ts)

        zvec = jnp.zeros((16,), jnp.int32)

        def icomp(i, carry):
            nl, tie_seen, bestval, bestpos = carry
            for u in range(4):
                sl = pl.ds(i * 64 + u * 16, 16)
                spv = vs[sl]
                gt = spv > ts
                tie = spv == ts
                tcum = plsc.cumsum(jnp.where(tie, one, zero))
                keep = gt | (tie & ((tie_seen + tcum) <= quota))
                csum = plsc.cumsum(jnp.where(keep, one, zero))
                newpos = nl + csum - 1
                plsc.store_scatter(vx1, [newpos], vx1[sl], mask=keep)
                plsc.store_scatter(vy1, [newpos], vy1[sl], mask=keep)
                plsc.store_scatter(vx2, [newpos], vx2[sl], mask=keep)
                plsc.store_scatter(vy2, [newpos], vy2[sl], mask=keep)
                plsc.store_scatter(vs, [newpos], spv, mask=keep)
                upd = keep & (spv > bestval)
                bestval = jnp.where(upd, spv, bestval)
                bestpos = jnp.where(upd, newpos, bestpos)
                nl = nl + plsc.all_reduce_population_count(keep)
                tie_seen = tie_seen + plsc.all_reduce_population_count(tie)
            return nl, tie_seen, bestval, bestpos

        nlv, _, bestval, bestpos = lax.fori_loop(
            0, NITER4, icomp,
            (zvec, zvec, jnp.full((16,), INT_MIN, jnp.int32),
             jnp.full((16,), BIGPOS, jnp.int32)))
        newlen = jnp.max(nlv)

        dumkey = jnp.full((16,), INT_MIN, jnp.int32)

        def pad_dummies(pos):
            for j in range(4):
                plsc.store_scatter(vs, [pos + j * 16 + i16], dumkey)

        pad_dummies(newlen)
        ln0 = ((newlen + 63) // 64) * 64
        m0 = jnp.max(bestval)
        p0 = jnp.min(jnp.where(bestval == m0, bestpos, BIGPOS))

        thr = jnp.float32(NMS_THRESH)

        def cond(st):
            k, ln, m, p = st
            return (k < NPOST) & (m != INT_MIN)

        def step(st):
            k, ln, m, p = st
            pvec = jnp.full((16,), p, jnp.int32)
            px1 = plsc.load_gather(vx1, [pvec])
            py1 = plsc.load_gather(vy1, [pvec])
            px2 = plsc.load_gather(vx2, [pvec])
            py2 = plsc.load_gather(vy2, [pvec])
            parea = (px2 - px1 + 1.0) * (py2 - py1 + 1.0)

            ov = jnp.where(i16 == 0, bf,
                 jnp.where(i16 == 1, px1,
                 jnp.where(i16 == 2, py1,
                 jnp.where(i16 == 3, px2, py2))))
            plsc.store_scatter(vout, [k * 5 + i16], ov, mask=i16 < 5)

            def spass(i, carry):
                nl, bestval, bestpos = carry
                for u in range(4):
                    sl = pl.ds(i * 64 + u * 16, 16)
                    x1 = vx1[sl]
                    y1 = vy1[sl]
                    x2 = vx2[sl]
                    y2 = vy2[sl]
                    spv = vs[sl]
                    ar = (x2 - x1 + 1.0) * (y2 - y1 + 1.0)
                    iw = jnp.maximum(0.0, jnp.minimum(x2, px2)
                                     - jnp.maximum(x1, px1) + 1.0)
                    ih = jnp.maximum(0.0, jnp.minimum(y2, py2)
                                     - jnp.maximum(y1, py1) + 1.0)
                    inter = iw * ih
                    iou = inter / (parea + ar - inter)
                    keep = (iou <= thr) & (spv != INT_MIN)
                    csum = plsc.cumsum(jnp.where(keep, one, zero))
                    newpos = nl + csum - 1
                    plsc.store_scatter(vx1, [newpos], x1, mask=keep)
                    plsc.store_scatter(vy1, [newpos], y1, mask=keep)
                    plsc.store_scatter(vx2, [newpos], x2, mask=keep)
                    plsc.store_scatter(vy2, [newpos], y2, mask=keep)
                    plsc.store_scatter(vs, [newpos], spv, mask=keep)
                    upd = keep & (spv > bestval)
                    bestval = jnp.where(upd, spv, bestval)
                    bestpos = jnp.where(upd, newpos, bestpos)
                    nl = nl + plsc.all_reduce_population_count(keep)
                return nl, bestval, bestpos

            nlv, bestval, bestpos = lax.fori_loop(
                0, ln // 64, spass,
                (zvec, jnp.full((16,), INT_MIN, jnp.int32),
                 jnp.full((16,), BIGPOS, jnp.int32)))
            newlen = jnp.max(nlv)
            pad_dummies(newlen)
            ln2 = ((newlen + 63) // 64) * 64
            m2 = jnp.max(bestval)
            p2 = jnp.min(jnp.where(bestval == m2, bestpos, BIGPOS))
            return k + 1, ln2, m2, p2

        lax.while_loop(cond, step, (zero, ln0, m0, p0))

        pltpu.sync_copy(vout, out_hbm.at[wid])


@functools.cache
def _sc_call():
    return pl.kernel(
    _sc_body,
    out_type=jax.ShapeDtypeStruct((B, OUTW), jnp.float32),
    mesh=_mesh(),
    scratch_types=[
        pltpu.VMEM((N,), jnp.float32),
        pltpu.VMEM((N,), jnp.float32),
        pltpu.VMEM((N,), jnp.float32),
        pltpu.VMEM((N,), jnp.float32),
        pltpu.VMEM((N,), jnp.float32),
        pltpu.VMEM((N,), jnp.int32),
        pltpu.VMEM((OUTW,), jnp.float32),
        pltpu.VMEM((16,), jnp.float32),
        pltpu.VMEM((16,), jnp.float32),
        pltpu.VMEM((16,), jnp.float32),
        pltpu.VMEM((16,), jnp.float32),
        pltpu.VMEM((16,), jnp.float32),
        pltpu.VMEM((16,), jnp.float32),
    ],
    name="rpn_proposal_sc",
    compiler_params=pltpu.CompilerParams(needs_layout_passes=False),
    )


def kernel(scores, bbox_deltas, im_info, is_training):
    del is_training
    sc = jnp.transpose(scores[:, A:2 * A], (0, 2, 3, 1)).reshape(B, N)
    d = jnp.transpose(bbox_deltas, (0, 2, 3, 1)).reshape(B, N, 4)
    dx = d[..., 0]
    dy = d[..., 1]
    ew = jnp.exp(d[..., 2])
    eh = jnp.exp(d[..., 3])
    wmax = jnp.broadcast_to((im_info[:, 1] - 1.0)[:, None], (B, 16))
    hmax = jnp.broadcast_to((im_info[:, 0] - 1.0)[:, None], (B, 16))
    out = _sc_call()(sc, dx, dy, ew, eh, wmax, hmax,
                   jnp.asarray(_AW), jnp.asarray(_AH),
                   jnp.asarray(_ACX), jnp.asarray(_ACY))
    return out[:, :NPOST * 5].reshape(B, NPOST, 5)

# --- scband reference (transcript-rebuilt; emitter-appended) ---
"""Pipeline reference for scband-proposal-layer-55353538511020 (READ-ONLY COPY).

The authoritative reference and input builder live on the scoring server;
editing this copy changes nothing except your own understanding.
"""

import jax, jax.numpy as jnp
import numpy as np

FEAT_STRIDE = 16
SCALES = np.array([8.0, 16.0, 32.0])
RATIOS = np.array([0.5, 1.0, 2.0])
PRE_NMS_TOPN = 6000
POST_NMS_TOPN = 300
NMS_THRESH = 0.7


def _whctrs(a):
    w = a[2] - a[0] + 1.0
    h = a[3] - a[1] + 1.0
    return w, h, a[0] + 0.5 * (w - 1), a[1] + 0.5 * (h - 1)


def _mkanchors(ws, hs, xc, yc):
    ws = ws[:, None]
    hs = hs[:, None]
    return np.hstack((xc - 0.5 * (ws - 1), yc - 0.5 * (hs - 1), xc + 0.5 * (ws - 1), yc + 0.5 * (hs - 1)))


def _ratio_enum(a, ratios):
    w, h, xc, yc = _whctrs(a)
    sz = w * h
    szr = sz / ratios
    ws = np.round(np.sqrt(szr))
    hs = np.round(ws * ratios)
    return _mkanchors(ws, hs, xc, yc)


def _scale_enum(a, scales):
    w, h, xc, yc = _whctrs(a)
    return _mkanchors(w * scales, h * scales, xc, yc)


def generate_anchors(feature_stride=16, scales=SCALES, ratios=RATIOS):
    base = np.array([1.0, 1.0, feature_stride, feature_stride]) - 1
    ra = _ratio_enum(base, ratios)
    return np.vstack([_scale_enum(ra[i], scales) for i in range(ra.shape[0])]).astype(np.float32)


ANCHORS = jnp.asarray(generate_anchors(16, SCALES, RATIOS))
NUM_ANCHORS = ANCHORS.shape[0]


def bbox_transform_inv(boxes, deltas):
    widths = boxes[..., 2] - boxes[..., 0] + 1.0
    heights = boxes[..., 3] - boxes[..., 1] + 1.0
    ctr_x = boxes[..., 0] + 0.5 * widths
    ctr_y = boxes[..., 1] + 0.5 * heights
    dx, dy, dw, dh = deltas[..., 0], deltas[..., 1], deltas[..., 2], deltas[..., 3]
    pcx = dx * widths + ctr_x
    pcy = dy * heights + ctr_y
    pw = jnp.exp(dw) * widths
    ph = jnp.exp(dh) * heights
    return jnp.stack([pcx - 0.5 * pw, pcy - 0.5 * ph, pcx + 0.5 * pw, pcy + 0.5 * ph], axis=-1)


def clip_boxes(boxes, im_info):
    h = im_info[:, 0][:, None]
    w = im_info[:, 1][:, None]
    x1 = jnp.clip(boxes[..., 0], 0.0, w - 1)
    y1 = jnp.clip(boxes[..., 1], 0.0, h - 1)
    x2 = jnp.clip(boxes[..., 2], 0.0, w - 1)
    y2 = jnp.clip(boxes[..., 3], 0.0, h - 1)
    return jnp.stack([x1, y1, x2, y2], axis=-1)


def iou_matrix(b):
    x1, y1, x2, y2 = b[:, 0], b[:, 1], b[:, 2], b[:, 3]
    area = (x2 - x1 + 1.0) * (y2 - y1 + 1.0)
    xx1 = jnp.maximum(x1[:, None], x1[None, :])
    yy1 = jnp.maximum(y1[:, None], y1[None, :])
    xx2 = jnp.minimum(x2[:, None], x2[None, :])
    yy2 = jnp.minimum(y2[:, None], y2[None, :])
    w = jnp.maximum(0.0, xx2 - xx1 + 1.0)
    h = jnp.maximum(0.0, yy2 - yy1 + 1.0)
    inter = w * h
    return inter / (area[:, None] + area[None, :] - inter)


def nms_keep(ious, thresh):
    n = ious.shape[0]
    idx = jnp.arange(n)

    def step(keep, i):
        sup = (ious[i] > thresh) & (idx > i) & keep[i]
        return keep & (~sup), None

    keep, _ = jax.lax.scan(step, jnp.ones(n, dtype=bool), idx)
    return keep


def _forward(scores_full, bbox_deltas, im_info):
    A = NUM_ANCHORS
    scores = scores_full[:, A:, :, :]
    B = bbox_deltas.shape[0]
    fh, fw = scores.shape[2], scores.shape[3]
    sx = jnp.arange(fw) * FEAT_STRIDE
    sy = jnp.arange(fh) * FEAT_STRIDE
    SX, SY = jnp.meshgrid(sx, sy)
    shifts = jnp.stack([SX.ravel(), SY.ravel(), SX.ravel(), SY.ravel()], axis=1).astype(jnp.float32)
    K = shifts.shape[0]
    anchors = (ANCHORS[None, :, :] + shifts[:, None, :]).reshape(K * A, 4)
    anchors = jnp.broadcast_to(anchors[None], (B, K * A, 4))
    deltas = jnp.transpose(bbox_deltas, (0, 2, 3, 1)).reshape(B, -1, 4)
    sc = jnp.transpose(scores, (0, 2, 3, 1)).reshape(B, -1)
    proposals = bbox_transform_inv(anchors, deltas)
    proposals = clip_boxes(proposals, im_info)
    order = jnp.argsort(-sc, axis=1)
    npre = min(PRE_NMS_TOPN, sc.shape[1])
    rows = []
    for i in range(B):
        oi = order[i][:npre]
        props = proposals[i][oi]
        ious = iou_matrix(jax.lax.stop_gradient(props))
        keep = nms_keep(ious, NMS_THRESH)
        sortkey = jnp.where(keep, jnp.arange(npre), npre + jnp.arange(npre))
        sel = jnp.argsort(sortkey)[:POST_NMS_TOPN]
        valid = keep[sel]
        boxes_sel = jnp.where(valid[:, None], props[sel], 0.0)
        col0 = jnp.full((POST_NMS_TOPN, 1), float(i), dtype=jnp.float32)
        rows.append(jnp.concatenate([col0, boxes_sel], axis=1))
    return jnp.stack(rows, axis=0)


def setup_inputs(seed: int = 0):
    key = jax.random.key(seed)
    k1, k2 = jax.random.split(key)
    B, A, H, W = 4, NUM_ANCHORS, 32, 32
    scores = jax.random.normal(k1, (B, 2 * A, H, W), dtype=jnp.float32)
    bbox_deltas = jax.random.normal(k2, (B, 4 * A, H, W), dtype=jnp.float32) * 0.2
    im_info = jnp.tile(jnp.array([[512.0, 512.0, 1.0]], dtype=jnp.float32), (B, 1))
    return {"scores": scores, "bbox_deltas": bbox_deltas, "im_info": im_info, "is_training": 1}


def reference(scores, bbox_deltas, im_info, is_training):
    return _forward(scores, bbox_deltas, im_info)

if __name__ == "__main__":
    import jax
    _d = setup_inputs()
    print(jax.jit(kernel)(*tuple(_d.values())))

</pallas_src>

<mosaic_0001>
#map = affine_map<(d0, d1) -> (0, 0)>
#map1 = affine_map<(d0, d1) -> (0)>
module attributes {stable_mosaic.version = 14 : i64} {
  func.func @rpn_proposal_sc(%arg0: i32, %arg1: i32, %arg2: memref<4x9216xf32, #tpu.memory_space<hbm>>, %arg3: memref<4x9216xf32, #tpu.memory_space<hbm>>, %arg4: memref<4x9216xf32, #tpu.memory_space<hbm>>, %arg5: memref<4x9216xf32, #tpu.memory_space<hbm>>, %arg6: memref<4x9216xf32, #tpu.memory_space<hbm>>, %arg7: memref<4x16xf32, #tpu.memory_space<hbm>>, %arg8: memref<4x16xf32, #tpu.memory_space<hbm>>, %arg9: memref<16xf32, #tpu.memory_space<hbm>>, %arg10: memref<16xf32, #tpu.memory_space<hbm>>, %arg11: memref<16xf32, #tpu.memory_space<hbm>>, %arg12: memref<16xf32, #tpu.memory_space<hbm>>, %arg13: memref<4x1504xf32, #tpu.memory_space<hbm>>, %arg14: memref<9216xf32, #tpu.memory_space<vmem>>, %arg15: memref<9216xf32, #tpu.memory_space<vmem>>, %arg16: memref<9216xf32, #tpu.memory_space<vmem>>, %arg17: memref<9216xf32, #tpu.memory_space<vmem>>, %arg18: memref<9216xf32, #tpu.memory_space<vmem>>, %arg19: memref<9216xi32, #tpu.memory_space<vmem>>, %arg20: memref<1504xf32, #tpu.memory_space<vmem>>, %arg21: memref<16xf32, #tpu.memory_space<vmem>>, %arg22: memref<16xf32, #tpu.memory_space<vmem>>, %arg23: memref<16xf32, #tpu.memory_space<vmem>>, %arg24: memref<16xf32, #tpu.memory_space<vmem>>, %arg25: memref<16xf32, #tpu.memory_space<vmem>>, %arg26: memref<16xf32, #tpu.memory_space<vmem>>) attributes {dimension_semantics = [#tpu.dimension_semantics<core_parallel>, #tpu.dimension_semantics<subcore_parallel>], iteration_bounds = array<i64: 2, 16>, scalar_prefetch = 0 : i64, scratch_operands = 13 : i64, tpu.core_type = #tpu.core_type<sc_vector_subcore>, window_params = [{transform_indices = #map}, {transform_indices = #map}, {transform_indices = #map}, {transform_indices = #map}, {transform_indices = #map}, {transform_indices = #map}, {transform_indices = #map}, {transform_indices = #map1}, {transform_indices = #map1}, {transform_indices = #map1}, {transform_indices = #map1}, {transform_indices = #map}]} {
    %mul3A = arith.constant 2 : i32
    %mul3A_0 = arith.muli %arg1, %mul3A : i32
    %add3A = arith.addi %mul3A_0, %arg0 : i32
    %lt3A = arith.constant 4 : i32
    %lt3A_1 = arith.cmpi slt, %add3A, %lt3A : i32
    %convert_element_type3A = arith.extui %lt3A_1 : i1 to i32
    %cond3A = arith.constant 0 : i32
    %cond3A_2 = arith.cmpi ne, %convert_element_type3A, %cond3A : i32
    scf.if %cond3A_2 {
      %iota3A = tpu.iota {dimensions = array<i32: 0>} : vector<16xi32>
      "tpu.region"() ({
        %run_scoped3A = tpu.sem_alloc : memref<!tpu.dma_semaphore, #tpu.memory_space<semaphore_mem>>
        %dma_start3A = arith.constant 0 : i32
        %dma_start3A_128 = tpu.memref_slice %arg2[%add3A, %dma_start3A] : memref<4x9216xf32, #tpu.memory_space<hbm>> -> memref<1x9216xf32, #tpu.memory_space<hbm>>
        %dma_start3A_129 = tpu.memref_squeeze %dma_start3A_128 : memref<1x9216xf32, #tpu.memory_space<hbm>> -> memref<9216xf32, #tpu.memory_space<hbm>>
        %dma_start3A_130 = arith.constant 0 : i32
        %dma_start3A_131 = tpu.memref_slice %arg2[%add3A, %dma_start3A_130] : memref<4x9216xf32, #tpu.memory_space<hbm>> -> memref<1x9216xf32, #tpu.memory_space<hbm>>
        %dma_start3A_132 = tpu.memref_squeeze %dma_start3A_131 : memref<1x9216xf32, #tpu.memory_space<hbm>> -> memref<9216xf32, #tpu.memory_space<hbm>>
        tpu.enqueue_dma source(%dma_start3A_132 : memref<9216xf32, #tpu.memory_space<hbm>>) target(%arg18 : memref<9216xf32, #tpu.memory_space<vmem>>) target_semaphore(%run_scoped3A : memref<!tpu.dma_semaphore, #tpu.memory_space<semaphore_mem>>)
        %dma_wait3A = arith.constant 0 : i32
        %dma_wait3A_133 = tpu.memref_slice %arg2[%add3A, %dma_wait3A] : memref<4x9216xf32, #tpu.memory_space<hbm>> -> memref<1x9216xf32, #tpu.memory_space<hbm>>
        %dma_wait3A_134 = tpu.memref_squeeze %dma_wait3A_133 : memref<1x9216xf32, #tpu.memory_space<hbm>> -> memref<9216xf32, #tpu.memory_space<hbm>>
        %dma_wait3A_135 = arith.constant 0 : i32
        %dma_wait3A_136 = tpu.memref_slice %arg2[%add3A, %dma_wait3A_135] : memref<4x9216xf32, #tpu.memory_space<hbm>> -> memref<1x9216xf32, #tpu.memory_space<hbm>>
        %dma_wait3A_137 = tpu.memref_squeeze %dma_wait3A_136 : memref<1x9216xf32, #tpu.memory_space<hbm>> -> memref<9216xf32, #tpu.memory_space<hbm>>
        tpu.wait_dma2 semaphore(%run_scoped3A : memref<!tpu.dma_semaphore, #tpu.memory_space<semaphore_mem>>) src(%dma_wait3A_137 : memref<9216xf32, #tpu.memory_space<hbm>>) dst(%arg18 : memref<9216xf32, #tpu.memory_space<vmem>>)
        tpu.yield
      }) : () -> ()
      "tpu.region"() ({
        %run_scoped3A = tpu.sem_alloc : memref<!tpu.dma_semaphore, #tpu.memory_space<semaphore_mem>>
        %dma_start3A = arith.constant 0 : i32
        %dma_start3A_128 = tpu.memref_slice %arg3[%add3A, %dma_start3A] : memref<4x9216xf32, #tpu.memory_space<hbm>> -> memref<1x9216xf32, #tpu.memory_space<hbm>>
        %dma_start3A_129 = tpu.memref_squeeze %dma_start3A_128 : memref<1x9216xf32, #tpu.memory_space<hbm>> -> memref<9216xf32, #tpu.memory_space<hbm>>
        %dma_start3A_130 = arith.constant 0 : i32
        %dma_start3A_131 = tpu.memref_slice %arg3[%add3A, %dma_start3A_130] : memref<4x9216xf32, #tpu.memory_space<hbm>> -> memref<1x9216xf32, #tpu.memory_space<hbm>>
        %dma_start3A_132 = tpu.memref_squeeze %dma_start3A_131 : memref<1x9216xf32, #tpu.memory_space<hbm>> -> memref<9216xf32, #tpu.memory_space<hbm>>
        tpu.enqueue_dma source(%dma_start3A_132 : memref<9216xf32, #tpu.memory_space<hbm>>) target(%arg14 : memref<9216xf32, #tpu.memory_space<vmem>>) target_semaphore(%run_scoped3A : memref<!tpu.dma_semaphore, #tpu.memory_space<semaphore_mem>>)
        %dma_wait3A = arith.constant 0 : i32
        %dma_wait3A_133 = tpu.memref_slice %arg3[%add3A, %dma_wait3A] : memref<4x9216xf32, #tpu.memory_space<hbm>> -> memref<1x9216xf32, #tpu.memory_space<hbm>>
        %dma_wait3A_134 = tpu.memref_squeeze %dma_wait3A_133 : memref<1x9216xf32, #tpu.memory_space<hbm>> -> memref<9216xf32, #tpu.memory_space<hbm>>
        %dma_wait3A_135 = arith.constant 0 : i32
        %dma_wait3A_136 = tpu.memref_slice %arg3[%add3A, %dma_wait3A_135] : memref<4x9216xf32, #tpu.memory_space<hbm>> -> memref<1x9216xf32, #tpu.memory_space<hbm>>
        %dma_wait3A_137 = tpu.memref_squeeze %dma_wait3A_136 : memref<1x9216xf32, #tpu.memory_space<hbm>> -> memref<9216xf32, #tpu.memory_space<hbm>>
        tpu.wait_dma2 semaphore(%run_scoped3A : memref<!tpu.dma_semaphore, #tpu.memory_space<semaphore_mem>>) src(%dma_wait3A_137 : memref<9216xf32, #tpu.memory_space<hbm>>) dst(%arg14 : memref<9216xf32, #tpu.memory_space<vmem>>)
        tpu.yield
      }) : () -> ()
      "tpu.region"() ({
        %run_scoped3A = tpu.sem_alloc : memref<!tpu.dma_semaphore, #tpu.memory_space<semaphore_mem>>
        %dma_start3A = arith.constant 0 : i32
        %dma_start3A_128 = tpu.memref_slice %arg4[%add3A, %dma_start3A] : memref<4x9216xf32, #tpu.memory_space<hbm>> -> memref<1x9216xf32, #tpu.memory_space<hbm>>
        %dma_start3A_129 = tpu.memref_squeeze %dma_start3A_128 : memref<1x9216xf32, #tpu.memory_space<hbm>> -> memref<9216xf32, #tpu.memory_space<hbm>>
        %dma_start3A_130 = arith.constant 0 : i32
        %dma_start3A_131 = tpu.memref_slice %arg4[%add3A, %dma_start3A_130] : memref<4x9216xf32, #tpu.memory_space<hbm>> -> memref<1x9216xf32, #tpu.memory_space<hbm>>
        %dma_start3A_132 = tpu.memref_squeeze %dma_start3A_131 : memref<1x9216xf32, #tpu.memory_space<hbm>> -> memref<9216xf32, #tpu.memory_space<hbm>>
        tpu.enqueue_dma source(%dma_start3A_132 : memref<9216xf32, #tpu.memory_space<hbm>>) target(%arg15 : memref<9216xf32, #tpu.memory_space<vmem>>) target_semaphore(%run_scoped3A : memref<!tpu.dma_semaphore, #tpu.memory_space<semaphore_mem>>)
        %dma_wait3A = arith.constant 0 : i32
        %dma_wait3A_133 = tpu.memref_slice %arg4[%add3A, %dma_wait3A] : memref<4x9216xf32, #tpu.memory_space<hbm>> -> memref<1x9216xf32, #tpu.memory_space<hbm>>
        %dma_wait3A_134 = tpu.memref_squeeze %dma_wait3A_133 : memref<1x9216xf32, #tpu.memory_space<hbm>> -> memref<9216xf32, #tpu.memory_space<hbm>>
        %dma_wait3A_135 = arith.constant 0 : i32
        %dma_wait3A_136 = tpu.memref_slice %arg4[%add3A, %dma_wait3A_135] : memref<4x9216xf32, #tpu.memory_space<hbm>> -> memref<1x9216xf32, #tpu.memory_space<hbm>>
        %dma_wait3A_137 = tpu.memref_squeeze %dma_wait3A_136 : memref<1x9216xf32, #tpu.memory_space<hbm>> -> memref<9216xf32, #tpu.memory_space<hbm>>
        tpu.wait_dma2 semaphore(%run_scoped3A : memref<!tpu.dma_semaphore, #tpu.memory_space<semaphore_mem>>) src(%dma_wait3A_137 : memref<9216xf32, #tpu.memory_space<hbm>>) dst(%arg15 : memref<9216xf32, #tpu.memory_space<vmem>>)
        tpu.yield
      }) : () -> ()
      "tpu.region"() ({
        %run_scoped3A = tpu.sem_alloc : memref<!tpu.dma_semaphore, #tpu.memory_space<semaphore_mem>>
        %dma_start3A = arith.constant 0 : i32
        %dma_start3A_128 = tpu.memref_slice %arg5[%add3A, %dma_start3A] : memref<4x9216xf32, #tpu.memory_space<hbm>> -> memref<1x9216xf32, #tpu.memory_space<hbm>>
        %dma_start3A_129 = tpu.memref_squeeze %dma_start3A_128 : memref<1x9216xf32, #tpu.memory_space<hbm>> -> memref<9216xf32, #tpu.memory_space<hbm>>
        %dma_start3A_130 = arith.constant 0 : i32
        %dma_start3A_131 = tpu.memref_slice %arg5[%add3A, %dma_start3A_130] : memref<4x9216xf32, #tpu.memory_space<hbm>> -> memref<1x9216xf32, #tpu.memory_space<hbm>>
        %dma_start3A_132 = tpu.memref_squeeze %dma_start3A_131 : memref<1x9216xf32, #tpu.memory_space<hbm>> -> memref<9216xf32, #tpu.memory_space<hbm>>
        tpu.enqueue_dma source(%dma_start3A_132 : memref<9216xf32, #tpu.memory_space<hbm>>) target(%arg16 : memref<9216xf32, #tpu.memory_space<vmem>>) target_semaphore(%run_scoped3A : memref<!tpu.dma_semaphore, #tpu.memory_space<semaphore_mem>>)
        %dma_wait3A = arith.constant 0 : i32
        %dma_wait3A_133 = tpu.memref_slice %arg5[%add3A, %dma_wait3A] : memref<4x9216xf32, #tpu.memory_space<hbm>> -> memref<1x9216xf32, #tpu.memory_space<hbm>>
        %dma_wait3A_134 = tpu.memref_squeeze %dma_wait3A_133 : memref<1x9216xf32, #tpu.memory_space<hbm>> -> memref<9216xf32, #tpu.memory_space<hbm>>
        %dma_wait3A_135 = arith.constant 0 : i32
        %dma_wait3A_136 = tpu.memref_slice %arg5[%add3A, %dma_wait3A_135] : memref<4x9216xf32, #tpu.memory_space<hbm>> -> memref<1x9216xf32, #tpu.memory_space<hbm>>
        %dma_wait3A_137 = tpu.memref_squeeze %dma_wait3A_136 : memref<1x9216xf32, #tpu.memory_space<hbm>> -> memref<9216xf32, #tpu.memory_space<hbm>>
        tpu.wait_dma2 semaphore(%run_scoped3A : memref<!tpu.dma_semaphore, #tpu.memory_space<semaphore_mem>>) src(%dma_wait3A_137 : memref<9216xf32, #tpu.memory_space<hbm>>) dst(%arg16 : memref<9216xf32, #tpu.memory_space<vmem>>)
        tpu.yield
      }) : () -> ()
      "tpu.region"() ({
        %run_scoped3A = tpu.sem_alloc : memref<!tpu.dma_semaphore, #tpu.memory_space<semaphore_mem>>
        %dma_start3A = arith.constant 0 : i32
        %dma_start3A_128 = tpu.memref_slice %arg6[%add3A, %dma_start3A] : memref<4x9216xf32, #tpu.memory_space<hbm>> -> memref<1x9216xf32, #tpu.memory_space<hbm>>
        %dma_start3A_129 = tpu.memref_squeeze %dma_start3A_128 : memref<1x9216xf32, #tpu.memory_space<hbm>> -> memref<9216xf32, #tpu.memory_space<hbm>>
        %dma_start3A_130 = arith.constant 0 : i32
        %dma_start3A_131 = tpu.memref_slice %arg6[%add3A, %dma_start3A_130] : memref<4x9216xf32, #tpu.memory_space<hbm>> -> memref<1x9216xf32, #tpu.memory_space<hbm>>
        %dma_start3A_132 = tpu.memref_squeeze %dma_start3A_131 : memref<1x9216xf32, #tpu.memory_space<hbm>> -> memref<9216xf32, #tpu.memory_space<hbm>>
        tpu.enqueue_dma source(%dma_start3A_132 : memref<9216xf32, #tpu.memory_space<hbm>>) target(%arg17 : memref<9216xf32, #tpu.memory_space<vmem>>) target_semaphore(%run_scoped3A : memref<!tpu.dma_semaphore, #tpu.memory_space<semaphore_mem>>)
        %dma_wait3A = arith.constant 0 : i32
        %dma_wait3A_133 = tpu.memref_slice %arg6[%add3A, %dma_wait3A] : memref<4x9216xf32, #tpu.memory_space<hbm>> -> memref<1x9216xf32, #tpu.memory_space<hbm>>
        %dma_wait3A_134 = tpu.memref_squeeze %dma_wait3A_133 : memref<1x9216xf32, #tpu.memory_space<hbm>> -> memref<9216xf32, #tpu.memory_space<hbm>>
        %dma_wait3A_135 = arith.constant 0 : i32
        %dma_wait3A_136 = tpu.memref_slice %arg6[%add3A, %dma_wait3A_135] : memref<4x9216xf32, #tpu.memory_space<hbm>> -> memref<1x9216xf32, #tpu.memory_space<hbm>>
        %dma_wait3A_137 = tpu.memref_squeeze %dma_wait3A_136 : memref<1x9216xf32, #tpu.memory_space<hbm>> -> memref<9216xf32, #tpu.memory_space<hbm>>
        tpu.wait_dma2 semaphore(%run_scoped3A : memref<!tpu.dma_semaphore, #tpu.memory_space<semaphore_mem>>) src(%dma_wait3A_137 : memref<9216xf32, #tpu.memory_space<hbm>>) dst(%arg17 : memref<9216xf32, #tpu.memory_space<vmem>>)
        tpu.yield
      }) : () -> ()
      "tpu.region"() ({
        %run_scoped3A = tpu.sem_alloc : memref<!tpu.dma_semaphore, #tpu.memory_space<semaphore_mem>>
        %dma_start3A = arith.constant 0 : i32
        %dma_start3A_128 = tpu.memref_slice %arg7[%add3A, %dma_start3A] : memref<4x16xf32, #tpu.memory_space<hbm>> -> memref<1x16xf32, #tpu.memory_space<hbm>>
        %dma_start3A_129 = tpu.memref_squeeze %dma_start3A_128 : memref<1x16xf32, #tpu.memory_space<hbm>> -> memref<16xf32, #tpu.memory_space<hbm>>
        %dma_start3A_130 = arith.constant 0 : i32
        %dma_start3A_131 = tpu.memref_slice %arg7[%add3A, %dma_start3A_130] : memref<4x16xf32, #tpu.memory_space<hbm>> -> memref<1x16xf32, #tpu.memory_space<hbm>>
        %dma_start3A_132 = tpu.memref_squeeze %dma_start3A_131 : memref<1x16xf32, #tpu.memory_space<hbm>> -> memref<16xf32, #tpu.memory_space<hbm>>
        tpu.enqueue_dma source(%dma_start3A_132 : memref<16xf32, #tpu.memory_space<hbm>>) target(%arg25 : memref<16xf32, #tpu.memory_space<vmem>>) target_semaphore(%run_scoped3A : memref<!tpu.dma_semaphore, #tpu.memory_space<semaphore_mem>>)
        %dma_wait3A = arith.constant 0 : i32
        %dma_wait3A_133 = tpu.memref_slice %arg7[%add3A, %dma_wait3A] : memref<4x16xf32, #tpu.memory_space<hbm>> -> memref<1x16xf32, #tpu.memory_space<hbm>>
        %dma_wait3A_134 = tpu.memref_squeeze %dma_wait3A_133 : memref<1x16xf32, #tpu.memory_space<hbm>> -> memref<16xf32, #tpu.memory_space<hbm>>
        %dma_wait3A_135 = arith.constant 0 : i32
        %dma_wait3A_136 = tpu.memref_slice %arg7[%add3A, %dma_wait3A_135] : memref<4x16xf32, #tpu.memory_space<hbm>> -> memref<1x16xf32, #tpu.memory_space<hbm>>
        %dma_wait3A_137 = tpu.memref_squeeze %dma_wait3A_136 : memref<1x16xf32, #tpu.memory_space<hbm>> -> memref<16xf32, #tpu.memory_space<hbm>>
        tpu.wait_dma2 semaphore(%run_scoped3A : memref<!tpu.dma_semaphore, #tpu.memory_space<semaphore_mem>>) src(%dma_wait3A_137 : memref<16xf32, #tpu.memory_space<hbm>>) dst(%arg25 : memref<16xf32, #tpu.memory_space<vmem>>)
        tpu.yield
      }) : () -> ()
      "tpu.region"() ({
        %run_scoped3A = tpu.sem_alloc : memref<!tpu.dma_semaphore, #tpu.memory_space<semaphore_mem>>
        %dma_start3A = arith.constant 0 : i32
        %dma_start3A_128 = tpu.memref_slice %arg8[%add3A, %dma_start3A] : memref<4x16xf32, #tpu.memory_space<hbm>> -> memref<1x16xf32, #tpu.memory_space<hbm>>
        %dma_start3A_129 = tpu.memref_squeeze %dma_start3A_128 : memref<1x16xf32, #tpu.memory_space<hbm>> -> memref<16xf32, #tpu.memory_space<hbm>>
        %dma_start3A_130 = arith.constant 0 : i32
        %dma_start3A_131 = tpu.memref_slice %arg8[%add3A, %dma_start3A_130] : memref<4x16xf32, #tpu.memory_space<hbm>> -> memref<1x16xf32, #tpu.memory_space<hbm>>
        %dma_start3A_132 = tpu.memref_squeeze %dma_start3A_131 : memref<1x16xf32, #tpu.memory_space<hbm>> -> memref<16xf32, #tpu.memory_space<hbm>>
        tpu.enqueue_dma source(%dma_start3A_132 : memref<16xf32, #tpu.memory_space<hbm>>) target(%arg26 : memref<16xf32, #tpu.memory_space<vmem>>) target_semaphore(%run_scoped3A : memref<!tpu.dma_semaphore, #tpu.memory_space<semaphore_mem>>)
        %dma_wait3A = arith.constant 0 : i32
        %dma_wait3A_133 = tpu.memref_slice %arg8[%add3A, %dma_wait3A] : memref<4x16xf32, #tpu.memory_space<hbm>> -> memref<1x16xf32, #tpu.memory_space<hbm>>
        %dma_wait3A_134 = tpu.memref_squeeze %dma_wait3A_133 : memref<1x16xf32, #tpu.memory_space<hbm>> -> memref<16xf32, #tpu.memory_space<hbm>>
        %dma_wait3A_135 = arith.constant 0 : i32
        %dma_wait3A_136 = tpu.memref_slice %arg8[%add3A, %dma_wait3A_135] : memref<4x16xf32, #tpu.memory_space<hbm>> -> memref<1x16xf32, #tpu.memory_space<hbm>>
        %dma_wait3A_137 = tpu.memref_squeeze %dma_wait3A_136 : memref<1x16xf32, #tpu.memory_space<hbm>> -> memref<16xf32, #tpu.memory_space<hbm>>
        tpu.wait_dma2 semaphore(%run_scoped3A : memref<!tpu.dma_semaphore, #tpu.memory_space<semaphore_mem>>) src(%dma_wait3A_137 : memref<16xf32, #tpu.memory_space<hbm>>) dst(%arg26 : memref<16xf32, #tpu.memory_space<vmem>>)
        tpu.yield
      }) : () -> ()
      "tpu.region"() ({
        %run_scoped3A = tpu.sem_alloc : memref<!tpu.dma_semaphore, #tpu.memory_space<semaphore_mem>>
        tpu.enqueue_dma source(%arg9 : memref<16xf32, #tpu.memory_space<hbm>>) target(%arg21 : memref<16xf32, #tpu.memory_space<vmem>>) target_semaphore(%run_scoped3A : memref<!tpu.dma_semaphore, #tpu.memory_space<semaphore_mem>>)
        tpu.wait_dma2 semaphore(%run_scoped3A : memref<!tpu.dma_semaphore, #tpu.memory_space<semaphore_mem>>) src(%arg9 : memref<16xf32, #tpu.memory_space<hbm>>) dst(%arg21 : memref<16xf32, #tpu.memory_space<vmem>>)
        tpu.yield
      }) : () -> ()
      "tpu.region"() ({
        %run_scoped3A = tpu.sem_alloc : memref<!tpu.dma_semaphore, #tpu.memory_space<semaphore_mem>>
        tpu.enqueue_dma source(%arg10 : memref<16xf32, #tpu.memory_space<hbm>>) target(%arg22 : memref<16xf32, #tpu.memory_space<vmem>>) target_semaphore(%run_scoped3A : memref<!tpu.dma_semaphore, #tpu.memory_space<semaphore_mem>>)
        tpu.wait_dma2 semaphore(%run_scoped3A : memref<!tpu.dma_semaphore, #tpu.memory_space<semaphore_mem>>) src(%arg10 : memref<16xf32, #tpu.memory_space<hbm>>) dst(%arg22 : memref<16xf32, #tpu.memory_space<vmem>>)
        tpu.yield
      }) : () -> ()
      "tpu.region"() ({
        %run_scoped3A = tpu.sem_alloc : memref<!tpu.dma_semaphore, #tpu.memory_space<semaphore_mem>>
        tpu.enqueue_dma source(%arg11 : memref<16xf32, #tpu.memory_space<hbm>>) target(%arg23 : memref<16xf32, #tpu.memory_space<vmem>>) target_semaphore(%run_scoped3A : memref<!tpu.dma_semaphore, #tpu.memory_space<semaphore_mem>>)
        tpu.wait_dma2 semaphore(%run_scoped3A : memref<!tpu.dma_semaphore, #tpu.memory_space<semaphore_mem>>) src(%arg11 : memref<16xf32, #tpu.memory_space<hbm>>) dst(%arg23 : memref<16xf32, #tpu.memory_space<vmem>>)
        tpu.yield
      }) : () -> ()
      "tpu.region"() ({
        %run_scoped3A = tpu.sem_alloc : memref<!tpu.dma_semaphore, #tpu.memory_space<semaphore_mem>>
        tpu.enqueue_dma source(%arg12 : memref<16xf32, #tpu.memory_space<hbm>>) target(%arg24 : memref<16xf32, #tpu.memory_space<vmem>>) target_semaphore(%run_scoped3A : memref<!tpu.dma_semaphore, #tpu.memory_space<semaphore_mem>>)
        tpu.wait_dma2 semaphore(%run_scoped3A : memref<!tpu.dma_semaphore, #tpu.memory_space<semaphore_mem>>) src(%arg12 : memref<16xf32, #tpu.memory_space<hbm>>) dst(%arg24 : memref<16xf32, #tpu.memory_space<vmem>>)
        tpu.yield
      }) : () -> ()
      %get3A = arith.constant 0 : index
      %get3A_3 = tpu.vector_load %arg25[%get3A] {strides = array<i32>} : memref<16xf32, #tpu.memory_space<vmem>>, vector<16xf32>,
      %get3A_4 = arith.constant 0 : index
      %get3A_5 = tpu.vector_load %arg26[%get3A_4] {strides = array<i32>} : memref<16xf32, #tpu.memory_space<vmem>>, vector<16xf32>,
      %broadcast_in_dim3A = arith.constant 0.000000e+00 : f32
      %broadcast_in_dim3A_6 = vector.broadcast %broadcast_in_dim3A : f32 to vector<16xf32>
      %convert_element_type3A_7 = arith.sitofp %add3A : i32 to f32
      %scan3A = arith.constant 0 : i32
      %scan3A_8 = arith.constant 0 : i32
      %scan3A_9 = arith.constant 94 : i32
      %scan3A_10 = arith.addi %scan3A_8, %scan3A_9 : i32
      %scan3A_11 = arith.constant 1 : i32
      %scan3A_12 = scf.for %scan3A_128 = %scan3A_8 to %scan3A_10 step %scan3A_11 iter_args(%scan3A_129 = %scan3A) -> (i32)  : i32 {
        %mul3A_130 = arith.constant 16 : i32
        %mul3A_131 = arith.muli %scan3A_128, %mul3A_130 : i32
        %add3A_132 = vector.broadcast %mul3A_131 : i32 to vector<16xi32>
        %add3A_133 = arith.addi %add3A_132, %iota3A : vector<16xi32>
        %jit3A_134 = arith.constant 5 : i32
        %eq3A_135 = arith.constant 0 : i32
        %eq3A_136 = arith.cmpi eq, %jit3A_134, %eq3A_135 : i32
        %jit3A_137 = arith.constant 1 : i32
        %select_n3A_138 = arith.select %eq3A_136, %jit3A_137, %jit3A_134 : i32
        %rem3A_139 = vector.broadcast %select_n3A_138 : i32 to vector<16xi32>
        %rem3A_140 = arith.remsi %add3A_133, %rem3A_139 : vector<16xi32>
        %ne3A_141 = arith.constant 0 : i32
        %ne3A_142 = vector.broadcast %ne3A_141 : i32 to vector<16xi32>
        %ne3A_143 = arith.cmpi ne, %rem3A_140, %ne3A_142 : vector<16xi32>
        %lt3A_144 = arith.constant 0 : i32
        %lt3A_145 = vector.broadcast %lt3A_144 : i32 to vector<16xi32>
        %lt3A_146 = arith.cmpi slt, %rem3A_140, %lt3A_145 : vector<16xi32>
        %lt3A_147 = arith.constant 0 : i32
        %lt3A_148 = arith.cmpi slt, %select_n3A_138, %lt3A_147 : i32
        %ne3A_149 = vector.broadcast %lt3A_148 : i1 to vector<16xi1>
        %ne3A_150 = vector.broadcast %ne3A_149 : vector<16xi1> to vector<16xi1>
        %ne3A_151 = arith.xori %lt3A_146, %ne3A_150 : vector<16xi1>
        %and3A_152 = arith.andi %ne3A_151, %ne3A_143 : vector<16xi1>
        %add3A_153 = vector.broadcast %select_n3A_138 : i32 to vector<16xi32>
        %add3A_154 = arith.addi %rem3A_140, %add3A_153 : vector<16xi32>
        %select_n3A_155 = arith.select %and3A_152, %add3A_154, %rem3A_140 : vector<16xi1>, vector<16xi32>
        %eq3A_156 = arith.constant 0 : i32
        %eq3A_157 = vector.broadcast %eq3A_156 : i32 to vector<16xi32>
        %eq3A_158 = arith.cmpi eq, %select_n3A_155, %eq3A_157 : vector<16xi32>
        %lt3A_159 = arith.constant 1500 : i32
        %lt3A_160 = vector.broadcast %lt3A_159 : i32 to vector<16xi32>
        %lt3A_161 = arith.cmpi slt, %add3A_133, %lt3A_160 : vector<16xi32>
        %and3A_162 = arith.andi %eq3A_158, %lt3A_161 : vector<16xi1>
        %jit3A_163 = arith.constant 0.000000e+00 : f32
        %broadcast_in_dim3A_164 = vector.broadcast %convert_element_type3A_7 : f32 to vector<16xf32>
        %broadcast_in_dim3A_165 = vector.broadcast %jit3A_163 : f32 to vector<16xf32>
        %select_n3A_166 = arith.select %and3A_162, %broadcast_in_dim3A_164, %broadcast_in_dim3A_165 : vector<16xi1>, vector<16xf32>
        %mul3A_167 = arith.constant 16 : i32
        %mul3A_168 = arith.muli %scan3A_128, %mul3A_167 : i32
        %swap3A = arith.index_cast %mul3A_168 : i32 to index
        %swap3A_169 = tpu.vector_load %arg20[%swap3A] {strides = array<i32>} : memref<1504xf32, #tpu.memory_space<vmem>>, vector<16xf32>,
        tpu.vector_store %arg20[%swap3A], %select_n3A_166 {strides = array<i32>} : memref<1504xf32, #tpu.memory_space<vmem>>, vector<16xf32>,
        %scan3A_170 = arith.constant 0 : i32
        scf.yield %scan3A_170 : i32
      }
      %scan3A_13 = arith.constant 94 : i32
      %scan3A_14 = arith.constant 0 : i32
      %scan3A_15 = arith.constant 0 : i32
      %scan3A_16 = arith.constant 144 : i32
      %scan3A_17 = arith.addi %scan3A_15, %scan3A_16 : i32
      %scan3A_18 = arith.constant 1 : i32
      %scan3A_19 = scf.for %scan3A_128 = %scan3A_15 to %scan3A_17 step %scan3A_18 iter_args(%scan3A_129 = %scan3A_14) -> (i32)  : i32 {
        %mul3A_130 = arith.constant 64 : i32
        %mul3A_131 = arith.muli %scan3A_128, %mul3A_130 : i32
        %add3A_132 = arith.constant 0 : i32
        %add3A_133 = arith.addi %mul3A_131, %add3A_132 : i32
        %add3A_134 = vector.broadcast %add3A_133 : i32 to vector<16xi32>
        %add3A_135 = arith.addi %add3A_134, %iota3A : vector<16xi32>
        %jit3A_136 = arith.constant 9 : i32
        %eq3A_137 = arith.constant 0 : i32
        %eq3A_138 = arith.cmpi eq, %jit3A_136, %eq3A_137 : i32
        %jit3A_139 = arith.constant 1 : i32
        %select_n3A_140 = arith.select %eq3A_138, %jit3A_139, %jit3A_136 : i32
        %rem3A_141 = vector.broadcast %select_n3A_140 : i32 to vector<16xi32>
        %rem3A_142 = arith.remsi %add3A_135, %rem3A_141 : vector<16xi32>
        %ne3A_143 = arith.constant 0 : i32
        %ne3A_144 = vector.broadcast %ne3A_143 : i32 to vector<16xi32>
        %ne3A_145 = arith.cmpi ne, %rem3A_142, %ne3A_144 : vector<16xi32>
        %lt3A_146 = arith.constant 0 : i32
        %lt3A_147 = vector.broadcast %lt3A_146 : i32 to vector<16xi32>
        %lt3A_148 = arith.cmpi slt, %rem3A_142, %lt3A_147 : vector<16xi32>
        %lt3A_149 = arith.constant 0 : i32
        %lt3A_150 = arith.cmpi slt, %select_n3A_140, %lt3A_149 : i32
        %ne3A_151 = vector.broadcast %lt3A_150 : i1 to vector<16xi1>
        %ne3A_152 = vector.broadcast %ne3A_151 : vector<16xi1> to vector<16xi1>
        %ne3A_153 = arith.xori %lt3A_148, %ne3A_152 : vector<16xi1>
        %and3A_154 = arith.andi %ne3A_153, %ne3A_145 : vector<16xi1>
        %add3A_155 = vector.broadcast %select_n3A_140 : i32 to vector<16xi32>
        %add3A_156 = arith.addi %rem3A_142, %add3A_155 : vector<16xi32>
        %select_n3A_157 = arith.select %and3A_154, %add3A_156, %rem3A_142 : vector<16xi1>, vector<16xi32>
        %jit3A_158 = arith.constant 9 : i32
        %div3A_159 = vector.broadcast %jit3A_158 : i32 to vector<16xi32>
        %div3A_160 = arith.divsi %add3A_135, %div3A_159 : vector<16xi32>
        %sign3A_161 = arith.constant 0 : i32
        %sign3A_162 = vector.broadcast %sign3A_161 : i32 to vector<16xi32>
        %sign3A_163 = arith.cmpi sgt, %add3A_135, %sign3A_162 : vector<16xi32>
        %sign3A_164 = arith.extui %sign3A_163 : vector<16xi1> to vector<16xi32>
        %sign3A_165 = arith.constant 0 : i32
        %sign3A_166 = vector.broadcast %sign3A_165 : i32 to vector<16xi32>
        %sign3A_167 = arith.cmpi slt, %add3A_135, %sign3A_166 : vector<16xi32>
        %sign3A_168 = arith.extui %sign3A_167 : vector<16xi1> to vector<16xi32>
        %sign3A_169 = arith.subi %sign3A_164, %sign3A_168 : vector<16xi32>
        %sign3A_170 = arith.constant 0 : i32
        %sign3A_171 = arith.cmpi sgt, %jit3A_158, %sign3A_170 : i32
        %sign3A_172 = arith.extui %sign3A_171 : i1 to i32
        %sign3A_173 = arith.constant 0 : i32
        %sign3A_174 = arith.cmpi slt, %jit3A_158, %sign3A_173 : i32
        %sign3A_175 = arith.extui %sign3A_174 : i1 to i32
        %sign3A_176 = arith.subi %sign3A_172, %sign3A_175 : i32
        %ne3A_177 = vector.broadcast %sign3A_176 : i32 to vector<16xi32>
        %ne3A_178 = arith.cmpi ne, %sign3A_169, %ne3A_177 : vector<16xi32>
        %rem3A_179 = vector.broadcast %jit3A_158 : i32 to vector<16xi32>
        %rem3A_180 = arith.remsi %add3A_135, %rem3A_179 : vector<16xi32>
        %ne3A_181 = arith.constant 0 : i32
        %ne3A_182 = vector.broadcast %ne3A_181 : i32 to vector<16xi32>
        %ne3A_183 = arith.cmpi ne, %rem3A_180, %ne3A_182 : vector<16xi32>
        %and3A_184 = arith.andi %ne3A_178, %ne3A_183 : vector<16xi1>
        %sub3A_185 = arith.constant 1 : i32
        %sub3A_186 = vector.broadcast %sub3A_185 : i32 to vector<16xi32>
        %sub3A_187 = arith.subi %div3A_160, %sub3A_186 : vector<16xi32>
        %select_n3A_188 = arith.select %and3A_184, %sub3A_187, %div3A_160 : vector<16xi1>, vector<16xi32>
        %jit3A_189 = arith.constant 32 : i32
        %eq3A_190 = arith.constant 0 : i32
        %eq3A_191 = arith.cmpi eq, %jit3A_189, %eq3A_190 : i32
        %jit3A_192 = arith.constant 1 : i32
        %select_n3A_193 = arith.select %eq3A_191, %jit3A_192, %jit3A_189 : i32
        %rem3A_194 = vector.broadcast %select_n3A_193 : i32 to vector<16xi32>
        %rem3A_195 = arith.remsi %select_n3A_188, %rem3A_194 : vector<16xi32>
        %ne3A_196 = arith.constant 0 : i32
        %ne3A_197 = vector.broadcast %ne3A_196 : i32 to vector<16xi32>
        %ne3A_198 = arith.cmpi ne, %rem3A_195, %ne3A_197 : vector<16xi32>
        %lt3A_199 = arith.constant 0 : i32
        %lt3A_200 = vector.broadcast %lt3A_199 : i32 to vector<16xi32>
        %lt3A_201 = arith.cmpi slt, %rem3A_195, %lt3A_200 : vector<16xi32>
        %lt3A_202 = arith.constant 0 : i32
        %lt3A_203 = arith.cmpi slt, %select_n3A_193, %lt3A_202 : i32
        %ne3A_204 = vector.broadcast %lt3A_203 : i1 to vector<16xi1>
        %ne3A_205 = vector.broadcast %ne3A_204 : vector<16xi1> to vector<16xi1>
        %ne3A_206 = arith.xori %lt3A_201, %ne3A_205 : vector<16xi1>
        %and3A_207 = arith.andi %ne3A_206, %ne3A_198 : vector<16xi1>
        %add3A_208 = vector.broadcast %select_n3A_193 : i32 to vector<16xi32>
        %add3A_209 = arith.addi %rem3A_195, %add3A_208 : vector<16xi32>
        %select_n3A_210 = arith.select %and3A_207, %add3A_209, %rem3A_195 : vector<16xi1>, vector<16xi32>
        %mul3A_211 = arith.constant 16 : i32
        %mul3A_212 = vector.broadcast %mul3A_211 : i32 to vector<16xi32>
        %mul3A_213 = arith.muli %select_n3A_210, %mul3A_212 : vector<16xi32>
        %convert_element_type3A_214 = arith.sitofp %mul3A_213 : vector<16xi32> to vector<16xf32>
        %jit3A_215 = arith.constant 32 : i32
        %div3A_216 = vector.broadcast %jit3A_215 : i32 to vector<16xi32>
        %div3A_217 = arith.divsi %select_n3A_188, %div3A_216 : vector<16xi32>
        %sign3A_218 = arith.constant 0 : i32
        %sign3A_219 = vector.broadcast %sign3A_218 : i32 to vector<16xi32>
        %sign3A_220 = arith.cmpi sgt, %select_n3A_188, %sign3A_219 : vector<16xi32>
        %sign3A_221 = arith.extui %sign3A_220 : vector<16xi1> to vector<16xi32>
        %sign3A_222 = arith.constant 0 : i32
        %sign3A_223 = vector.broadcast %sign3A_222 : i32 to vector<16xi32>
        %sign3A_224 = arith.cmpi slt, %select_n3A_188, %sign3A_223 : vector<16xi32>
        %sign3A_225 = arith.extui %sign3A_224 : vector<16xi1> to vector<16xi32>
        %sign3A_226 = arith.subi %sign3A_221, %sign3A_225 : vector<16xi32>
        %sign3A_227 = arith.constant 0 : i32
        %sign3A_228 = arith.cmpi sgt, %jit3A_215, %sign3A_227 : i32
        %sign3A_229 = arith.extui %sign3A_228 : i1 to i32
        %sign3A_230 = arith.constant 0 : i32
        %sign3A_231 = arith.cmpi slt, %jit3A_215, %sign3A_230 : i32
        %sign3A_232 = arith.extui %sign3A_231 : i1 to i32
        %sign3A_233 = arith.subi %sign3A_229, %sign3A_232 : i32
        %ne3A_234 = vector.broadcast %sign3A_233 : i32 to vector<16xi32>
        %ne3A_235 = arith.cmpi ne, %sign3A_226, %ne3A_234 : vector<16xi32>
        %rem3A_236 = vector.broadcast %jit3A_215 : i32 to vector<16xi32>
        %rem3A_237 = arith.remsi %select_n3A_188, %rem3A_236 : vector<16xi32>
        %ne3A_238 = arith.constant 0 : i32
        %ne3A_239 = vector.broadcast %ne3A_238 : i32 to vector<16xi32>
        %ne3A_240 = arith.cmpi ne, %rem3A_237, %ne3A_239 : vector<16xi32>
        %and3A_241 = arith.andi %ne3A_235, %ne3A_240 : vector<16xi1>
        %sub3A_242 = arith.constant 1 : i32
        %sub3A_243 = vector.broadcast %sub3A_242 : i32 to vector<16xi32>
        %sub3A_244 = arith.subi %div3A_217, %sub3A_243 : vector<16xi32>
        %select_n3A_245 = arith.select %and3A_241, %sub3A_244, %div3A_217 : vector<16xi1>, vector<16xi32>
        %mul3A_246 = arith.constant 16 : i32
        %mul3A_247 = vector.broadcast %mul3A_246 : i32 to vector<16xi32>
        %mul3A_248 = arith.muli %select_n3A_245, %mul3A_247 : vector<16xi32>
        %convert_element_type3A_249 = arith.sitofp %mul3A_248 : vector<16xi32> to vector<16xf32>
        %gather3A = tpu.vector_load_idx %arg21[%select_n3A_157] : memref<16xf32, #tpu.memory_space<vmem>>[vector<16xi32>], vector<16xf32>,
        %gather3A_250 = tpu.vector_load_idx %arg22[%select_n3A_157] : memref<16xf32, #tpu.memory_space<vmem>>[vector<16xi32>], vector<16xf32>,
        %gather3A_251 = tpu.vector_load_idx %arg23[%select_n3A_157] : memref<16xf32, #tpu.memory_space<vmem>>[vector<16xi32>], vector<16xf32>,
        %add3A_252 = arith.addf %convert_element_type3A_214, %gather3A_251 : vector<16xf32>
        %gather3A_253 = tpu.vector_load_idx %arg24[%select_n3A_157] : memref<16xf32, #tpu.memory_space<vmem>>[vector<16xi32>], vector<16xf32>,
        %add3A_254 = arith.addf %convert_element_type3A_249, %gather3A_253 : vector<16xf32>
        %get3A_255 = arith.index_cast %add3A_133 : i32 to index
        %get3A_256 = tpu.vector_load %arg14[%get3A_255] {strides = array<i32>} : memref<9216xf32, #tpu.memory_space<vmem>>, vector<16xf32>,
        %get3A_257 = arith.index_cast %add3A_133 : i32 to index
        %get3A_258 = tpu.vector_load %arg15[%get3A_257] {strides = array<i32>} : memref<9216xf32, #tpu.memory_space<vmem>>, vector<16xf32>,
        %get3A_259 = arith.index_cast %add3A_133 : i32 to index
        %get3A_260 = tpu.vector_load %arg16[%get3A_259] {strides = array<i32>} : memref<9216xf32, #tpu.memory_space<vmem>>, vector<16xf32>,
        %get3A_261 = arith.index_cast %add3A_133 : i32 to index
        %get3A_262 = tpu.vector_load %arg17[%get3A_261] {strides = array<i32>} : memref<9216xf32, #tpu.memory_space<vmem>>, vector<16xf32>,
        %mul3A_263 = arith.mulf %get3A_256, %gather3A : vector<16xf32>
        %add3A_264 = arith.addf %mul3A_263, %add3A_252 : vector<16xf32>
        %mul3A_265 = arith.mulf %get3A_258, %gather3A_250 : vector<16xf32>
        %add3A_266 = arith.addf %mul3A_265, %add3A_254 : vector<16xf32>
        %mul3A_267 = arith.mulf %get3A_260, %gather3A : vector<16xf32>
        %mul3A_268 = arith.mulf %get3A_262, %gather3A_250 : vector<16xf32>
        %mul3A_269 = arith.constant 5.000000e-01 : f32
        %mul3A_270 = vector.broadcast %mul3A_269 : f32 to vector<16xf32>
        %mul3A_271 = arith.mulf %mul3A_270, %mul3A_267 : vector<16xf32>
        %sub3A_272 = arith.subf %add3A_264, %mul3A_271 : vector<16xf32>
        %max3A = arith.maximumf %sub3A_272, %broadcast_in_dim3A_6 : vector<16xf32>
        %min3A = arith.minimumf %max3A, %get3A_3 : vector<16xf32>
        %mul3A_273 = arith.constant 5.000000e-01 : f32
        %mul3A_274 = vector.broadcast %mul3A_273 : f32 to vector<16xf32>
        %mul3A_275 = arith.mulf %mul3A_274, %mul3A_268 : vector<16xf32>
        %sub3A_276 = arith.subf %add3A_266, %mul3A_275 : vector<16xf32>
        %max3A_277 = arith.maximumf %sub3A_276, %broadcast_in_dim3A_6 : vector<16xf32>
        %min3A_278 = arith.minimumf %max3A_277, %get3A_5 : vector<16xf32>
        %mul3A_279 = arith.constant 5.000000e-01 : f32
        %mul3A_280 = vector.broadcast %mul3A_279 : f32 to vector<16xf32>
        %mul3A_281 = arith.mulf %mul3A_280, %mul3A_267 : vector<16xf32>
        %add3A_282 = arith.addf %add3A_264, %mul3A_281 : vector<16xf32>
        %max3A_283 = arith.maximumf %add3A_282, %broadcast_in_dim3A_6 : vector<16xf32>
        %min3A_284 = arith.minimumf %max3A_283, %get3A_3 : vector<16xf32>
        %mul3A_285 = arith.constant 5.000000e-01 : f32
        %mul3A_286 = vector.broadcast %mul3A_285 : f32 to vector<16xf32>
        %mul3A_287 = arith.mulf %mul3A_286, %mul3A_268 : vector<16xf32>
        %add3A_288 = arith.addf %add3A_266, %mul3A_287 : vector<16xf32>
        %max3A_289 = arith.maximumf %add3A_288, %broadcast_in_dim3A_6 : vector<16xf32>
        %min3A_290 = arith.minimumf %max3A_289, %get3A_5 : vector<16xf32>
        %swap3A = arith.index_cast %add3A_133 : i32 to index
        %swap3A_291 = tpu.vector_load %arg14[%swap3A] {strides = array<i32>} : memref<9216xf32, #tpu.memory_space<vmem>>, vector<16xf32>,
        tpu.vector_store %arg14[%swap3A], %min3A {strides = array<i32>} : memref<9216xf32, #tpu.memory_space<vmem>>, vector<16xf32>,
        %swap3A_292 = arith.index_cast %add3A_133 : i32 to index
        %swap3A_293 = tpu.vector_load %arg15[%swap3A_292] {strides = array<i32>} : memref<9216xf32, #tpu.memory_space<vmem>>, vector<16xf32>,
        tpu.vector_store %arg15[%swap3A_292], %min3A_278 {strides = array<i32>} : memref<9216xf32, #tpu.memory_space<vmem>>, vector<16xf32>,
        %swap3A_294 = arith.index_cast %add3A_133 : i32 to index
        %swap3A_295 = tpu.vector_load %arg16[%swap3A_294] {strides = array<i32>} : memref<9216xf32, #tpu.memory_space<vmem>>, vector<16xf32>,
        tpu.vector_store %arg16[%swap3A_294], %min3A_284 {strides = array<i32>} : memref<9216xf32, #tpu.memory_space<vmem>>, vector<16xf32>,
        %swap3A_296 = arith.index_cast %add3A_133 : i32 to index
        %swap3A_297 = tpu.vector_load %arg17[%swap3A_296] {strides = array<i32>} : memref<9216xf32, #tpu.memory_space<vmem>>, vector<16xf32>,
        tpu.vector_store %arg17[%swap3A_296], %min3A_290 {strides = array<i32>} : memref<9216xf32, #tpu.memory_space<vmem>>, vector<16xf32>,
        %get3A_298 = arith.index_cast %add3A_133 : i32 to index
        %get3A_299 = tpu.vector_load %arg18[%get3A_298] {strides = array<i32>} : memref<9216xf32, #tpu.memory_space<vmem>>, vector<16xf32>,
        %bitcast3A = vector.bitcast %get3A_299 : vector<16xf32> to vector<16xi32>
        %ge3A = arith.constant 0 : i32
        %ge3A_300 = vector.broadcast %ge3A : i32 to vector<16xi32>
        %ge3A_301 = arith.cmpi sge, %bitcast3A, %ge3A_300 : vector<16xi32>
        %xor3A_302 = arith.constant 2147483647 : i32
        %xor3A_303 = vector.broadcast %xor3A_302 : i32 to vector<16xi32>
        %xor3A_304 = arith.xori %bitcast3A, %xor3A_303 : vector<16xi32>
        %select_n3A_305 = arith.select %ge3A_301, %bitcast3A, %xor3A_304 : vector<16xi1>, vector<16xi32>
        %swap3A_306 = arith.index_cast %add3A_133 : i32 to index
        %swap3A_307 = tpu.vector_load %arg19[%swap3A_306] {strides = array<i32>} : memref<9216xi32, #tpu.memory_space<vmem>>, vector<16xi32>,
        tpu.vector_store %arg19[%swap3A_306], %select_n3A_305 {strides = array<i32>} : memref<9216xi32, #tpu.memory_space<vmem>>, vector<16xi32>,
        %mul3A_308 = arith.constant 64 : i32
        %mul3A_309 = arith.muli %scan3A_128, %mul3A_308 : i32
        %add3A_310 = arith.constant 16 : i32
        %add3A_311 = arith.addi %mul3A_309, %add3A_310 : i32
        %add3A_312 = vector.broadcast %add3A_311 : i32 to vector<16xi32>
        %add3A_313 = arith.addi %add3A_312, %iota3A : vector<16xi32>
        %jit3A_314 = arith.constant 9 : i32
        %eq3A_315 = arith.constant 0 : i32
        %eq3A_316 = arith.cmpi eq, %jit3A_314, %eq3A_315 : i32
        %jit3A_317 = arith.constant 1 : i32
        %select_n3A_318 = arith.select %eq3A_316, %jit3A_317, %jit3A_314 : i32
        %rem3A_319 = vector.broadcast %select_n3A_318 : i32 to vector<16xi32>
        %rem3A_320 = arith.remsi %add3A_313, %rem3A_319 : vector<16xi32>
        %ne3A_321 = arith.constant 0 : i32
        %ne3A_322 = vector.broadcast %ne3A_321 : i32 to vector<16xi32>
        %ne3A_323 = arith.cmpi ne, %rem3A_320, %ne3A_322 : vector<16xi32>
        %lt3A_324 = arith.constant 0 : i32
        %lt3A_325 = vector.broadcast %lt3A_324 : i32 to vector<16xi32>
        %lt3A_326 = arith.cmpi slt, %rem3A_320, %lt3A_325 : vector<16xi32>
        %lt3A_327 = arith.constant 0 : i32
        %lt3A_328 = arith.cmpi slt, %select_n3A_318, %lt3A_327 : i32
        %ne3A_329 = vector.broadcast %lt3A_328 : i1 to vector<16xi1>
        %ne3A_330 = vector.broadcast %ne3A_329 : vector<16xi1> to vector<16xi1>
        %ne3A_331 = arith.xori %lt3A_326, %ne3A_330 : vector<16xi1>
        %and3A_332 = arith.andi %ne3A_331, %ne3A_323 : vector<16xi1>
        %add3A_333 = vector.broadcast %select_n3A_318 : i32 to vector<16xi32>
        %add3A_334 = arith.addi %rem3A_320, %add3A_333 : vector<16xi32>
        %select_n3A_335 = arith.select %and3A_332, %add3A_334, %rem3A_320 : vector<16xi1>, vector<16xi32>
        %jit3A_336 = arith.constant 9 : i32
        %div3A_337 = vector.broadcast %jit3A_336 : i32 to vector<16xi32>
        %div3A_338 = arith.divsi %add3A_313, %div3A_337 : vector<16xi32>
        %sign3A_339 = arith.constant 0 : i32
        %sign3A_340 = vector.broadcast %sign3A_339 : i32 to vector<16xi32>
        %sign3A_341 = arith.cmpi sgt, %add3A_313, %sign3A_340 : vector<16xi32>
        %sign3A_342 = arith.extui %sign3A_341 : vector<16xi1> to vector<16xi32>
        %sign3A_343 = arith.constant 0 : i32
        %sign3A_344 = vector.broadcast %sign3A_343 : i32 to vector<16xi32>
        %sign3A_345 = arith.cmpi slt, %add3A_313, %sign3A_344 : vector<16xi32>
        %sign3A_346 = arith.extui %sign3A_345 : vector<16xi1> to vector<16xi32>
        %sign3A_347 = arith.subi %sign3A_342, %sign3A_346 : vector<16xi32>
        %sign3A_348 = arith.constant 0 : i32
        %sign3A_349 = arith.cmpi sgt, %jit3A_336, %sign3A_348 : i32
        %sign3A_350 = arith.extui %sign3A_349 : i1 to i32
        %sign3A_351 = arith.constant 0 : i32
        %sign3A_352 = arith.cmpi slt, %jit3A_336, %sign3A_351 : i32
        %sign3A_353 = arith.extui %sign3A_352 : i1 to i32
        %sign3A_354 = arith.subi %sign3A_350, %sign3A_353 : i32
        %ne3A_355 = vector.broadcast %sign3A_354 : i32 to vector<16xi32>
        %ne3A_356 = arith.cmpi ne, %sign3A_347, %ne3A_355 : vector<16xi32>
        %rem3A_357 = vector.broadcast %jit3A_336 : i32 to vector<16xi32>
        %rem3A_358 = arith.remsi %add3A_313, %rem3A_357 : vector<16xi32>
        %ne3A_359 = arith.constant 0 : i32
        %ne3A_360 = vector.broadcast %ne3A_359 : i32 to vector<16xi32>
        %ne3A_361 = arith.cmpi ne, %rem3A_358, %ne3A_360 : vector<16xi32>
        %and3A_362 = arith.andi %ne3A_356, %ne3A_361 : vector<16xi1>
        %sub3A_363 = arith.constant 1 : i32
        %sub3A_364 = vector.broadcast %sub3A_363 : i32 to vector<16xi32>
        %sub3A_365 = arith.subi %div3A_338, %sub3A_364 : vector<16xi32>
        %select_n3A_366 = arith.select %and3A_362, %sub3A_365, %div3A_338 : vector<16xi1>, vector<16xi32>
        %jit3A_367 = arith.constant 32 : i32
        %eq3A_368 = arith.constant 0 : i32
        %eq3A_369 = arith.cmpi eq, %jit3A_367, %eq3A_368 : i32
        %jit3A_370 = arith.constant 1 : i32
        %select_n3A_371 = arith.select %eq3A_369, %jit3A_370, %jit3A_367 : i32
        %rem3A_372 = vector.broadcast %select_n3A_371 : i32 to vector<16xi32>
        %rem3A_373 = arith.remsi %select_n3A_366, %rem3A_372 : vector<16xi32>
        %ne3A_374 = arith.constant 0 : i32
        %ne3A_375 = vector.broadcast %ne3A_374 : i32 to vector<16xi32>
        %ne3A_376 = arith.cmpi ne, %rem3A_373, %ne3A_375 : vector<16xi32>
        %lt3A_377 = arith.constant 0 : i32
        %lt3A_378 = vector.broadcast %lt3A_377 : i32 to vector<16xi32>
        %lt3A_379 = arith.cmpi slt, %rem3A_373, %lt3A_378 : vector<16xi32>
        %lt3A_380 = arith.constant 0 : i32
        %lt3A_381 = arith.cmpi slt, %select_n3A_371, %lt3A_380 : i32
        %ne3A_382 = vector.broadcast %lt3A_381 : i1 to vector<16xi1>
        %ne3A_383 = vector.broadcast %ne3A_382 : vector<16xi1> to vector<16xi1>
        %ne3A_384 = arith.xori %lt3A_379, %ne3A_383 : vector<16xi1>
        %and3A_385 = arith.andi %ne3A_384, %ne3A_376 : vector<16xi1>
        %add3A_386 = vector.broadcast %select_n3A_371 : i32 to vector<16xi32>
        %add3A_387 = arith.addi %rem3A_373, %add3A_386 : vector<16xi32>
        %select_n3A_388 = arith.select %and3A_385, %add3A_387, %rem3A_373 : vector<16xi1>, vector<16xi32>
        %mul3A_389 = arith.constant 16 : i32
        %mul3A_390 = vector.broadcast %mul3A_389 : i32 to vector<16xi32>
        %mul3A_391 = arith.muli %select_n3A_388, %mul3A_390 : vector<16xi32>
        %convert_element_type3A_392 = arith.sitofp %mul3A_391 : vector<16xi32> to vector<16xf32>
        %jit3A_393 = arith.constant 32 : i32
        %div3A_394 = vector.broadcast %jit3A_393 : i32 to vector<16xi32>
        %div3A_395 = arith.divsi %select_n3A_366, %div3A_394 : vector<16xi32>
        %sign3A_396 = arith.constant 0 : i32
        %sign3A_397 = vector.broadcast %sign3A_396 : i32 to vector<16xi32>
        %sign3A_398 = arith.cmpi sgt, %select_n3A_366, %sign3A_397 : vector<16xi32>
        %sign3A_399 = arith.extui %sign3A_398 : vector<16xi1> to vector<16xi32>
        %sign3A_400 = arith.constant 0 : i32
        %sign3A_401 = vector.broadcast %sign3A_400 : i32 to vector<16xi32>
        %sign3A_402 = arith.cmpi slt, %select_n3A_366, %sign3A_401 : vector<16xi32>
        %sign3A_403 = arith.extui %sign3A_402 : vector<16xi1> to vector<16xi32>
        %sign3A_404 = arith.subi %sign3A_399, %sign3A_403 : vector<16xi32>
        %sign3A_405 = arith.constant 0 : i32
        %sign3A_406 = arith.cmpi sgt, %jit3A_393, %sign3A_405 : i32
        %sign3A_407 = arith.extui %sign3A_406 : i1 to i32
        %sign3A_408 = arith.constant 0 : i32
        %sign3A_409 = arith.cmpi slt, %jit3A_393, %sign3A_408 : i32
        %sign3A_410 = arith.extui %sign3A_409 : i1 to i32
        %sign3A_411 = arith.subi %sign3A_407, %sign3A_410 : i32
        %ne3A_412 = vector.broadcast %sign3A_411 : i32 to vector<16xi32>
        %ne3A_413 = arith.cmpi ne, %sign3A_404, %ne3A_412 : vector<16xi32>
        %rem3A_414 = vector.broadcast %jit3A_393 : i32 to vector<16xi32>
        %rem3A_415 = arith.remsi %select_n3A_366, %rem3A_414 : vector<16xi32>
        %ne3A_416 = arith.constant 0 : i32
        %ne3A_417 = vector.broadcast %ne3A_416 : i32 to vector<16xi32>
        %ne3A_418 = arith.cmpi ne, %rem3A_415, %ne3A_417 : vector<16xi32>
        %and3A_419 = arith.andi %ne3A_413, %ne3A_418 : vector<16xi1>
        %sub3A_420 = arith.constant 1 : i32
        %sub3A_421 = vector.broadcast %sub3A_420 : i32 to vector<16xi32>
        %sub3A_422 = arith.subi %div3A_395, %sub3A_421 : vector<16xi32>
        %select_n3A_423 = arith.select %and3A_419, %sub3A_422, %div3A_395 : vector<16xi1>, vector<16xi32>
        %mul3A_424 = arith.constant 16 : i32
        %mul3A_425 = vector.broadcast %mul3A_424 : i32 to vector<16xi32>
        %mul3A_426 = arith.muli %select_n3A_423, %mul3A_425 : vector<16xi32>
        %convert_element_type3A_427 = arith.sitofp %mul3A_426 : vector<16xi32> to vector<16xf32>
        %gather3A_428 = tpu.vector_load_idx %arg21[%select_n3A_335] : memref<16xf32, #tpu.memory_space<vmem>>[vector<16xi32>], vector<16xf32>,
        %gather3A_429 = tpu.vector_load_idx %arg22[%select_n3A_335] : memref<16xf32, #tpu.memory_space<vmem>>[vector<16xi32>], vector<16xf32>,
        %gather3A_430 = tpu.vector_load_idx %arg23[%select_n3A_335] : memref<16xf32, #tpu.memory_space<vmem>>[vector<16xi32>], vector<16xf32>,
        %add3A_431 = arith.addf %convert_element_type3A_392, %gather3A_430 : vector<16xf32>
        %gather3A_432 = tpu.vector_load_idx %arg24[%select_n3A_335] : memref<16xf32, #tpu.memory_space<vmem>>[vector<16xi32>], vector<16xf32>,
        %add3A_433 = arith.addf %convert_element_type3A_427, %gather3A_432 : vector<16xf32>
        %get3A_434 = arith.index_cast %add3A_311 : i32 to index
        %get3A_435 = tpu.vector_load %arg14[%get3A_434] {strides = array<i32>} : memref<9216xf32, #tpu.memory_space<vmem>>, vector<16xf32>,
        %get3A_436 = arith.index_cast %add3A_311 : i32 to index
        %get3A_437 = tpu.vector_load %arg15[%get3A_436] {strides = array<i32>} : memref<9216xf32, #tpu.memory_space<vmem>>, vector<16xf32>,
        %get3A_438 = arith.index_cast %add3A_311 : i32 to index
        %get3A_439 = tpu.vector_load %arg16[%get3A_438] {strides = array<i32>} : memref<9216xf32, #tpu.memory_space<vmem>>, vector<16xf32>,
        %get3A_440 = arith.index_cast %add3A_311 : i32 to index
        %get3A_441 = tpu.vector_load %arg17[%get3A_440] {strides = array<i32>} : memref<9216xf32, #tpu.memory_space<vmem>>, vector<16xf32>,
        %mul3A_442 = arith.mulf %get3A_435, %gather3A_428 : vector<16xf32>
        %add3A_443 = arith.addf %mul3A_442, %add3A_431 : vector<16xf32>
        %mul3A_444 = arith.mulf %get3A_437, %gather3A_429 : vector<16xf32>
        %add3A_445 = arith.addf %mul3A_444, %add3A_433 : vector<16xf32>
        %mul3A_446 = arith.mulf %get3A_439, %gather3A_428 : vector<16xf32>
        %mul3A_447 = arith.mulf %get3A_441, %gather3A_429 : vector<16xf32>
        %mul3A_448 = arith.constant 5.000000e-01 : f32
        %mul3A_449 = vector.broadcast %mul3A_448 : f32 to vector<16xf32>
        %mul3A_450 = arith.mulf %mul3A_449, %mul3A_446 : vector<16xf32>
        %sub3A_451 = arith.subf %add3A_443, %mul3A_450 : vector<16xf32>
        %max3A_452 = arith.maximumf %sub3A_451, %broadcast_in_dim3A_6 : vector<16xf32>
        %min3A_453 = arith.minimumf %max3A_452, %get3A_3 : vector<16xf32>
        %mul3A_454 = arith.constant 5.000000e-01 : f32
        %mul3A_455 = vector.broadcast %mul3A_454 : f32 to vector<16xf32>
        %mul3A_456 = arith.mulf %mul3A_455, %mul3A_447 : vector<16xf32>
        %sub3A_457 = arith.subf %add3A_445, %mul3A_456 : vector<16xf32>
        %max3A_458 = arith.maximumf %sub3A_457, %broadcast_in_dim3A_6 : vector<16xf32>
        %min3A_459 = arith.minimumf %max3A_458, %get3A_5 : vector<16xf32>
        %mul3A_460 = arith.constant 5.000000e-01 : f32
        %mul3A_461 = vector.broadcast %mul3A_460 : f32 to vector<16xf32>
        %mul3A_462 = arith.mulf %mul3A_461, %mul3A_446 : vector<16xf32>
        %add3A_463 = arith.addf %add3A_443, %mul3A_462 : vector<16xf32>
        %max3A_464 = arith.maximumf %add3A_463, %broadcast_in_dim3A_6 : vector<16xf32>
        %min3A_465 = arith.minimumf %max3A_464, %get3A_3 : vector<16xf32>
        %mul3A_466 = arith.constant 5.000000e-01 : f32
        %mul3A_467 = vector.broadcast %mul3A_466 : f32 to vector<16xf32>
        %mul3A_468 = arith.mulf %mul3A_467, %mul3A_447 : vector<16xf32>
        %add3A_469 = arith.addf %add3A_445, %mul3A_468 : vector<16xf32>
        %max3A_470 = arith.maximumf %add3A_469, %broadcast_in_dim3A_6 : vector<16xf32>
        %min3A_471 = arith.minimumf %max3A_470, %get3A_5 : vector<16xf32>
        %swap3A_472 = arith.index_cast %add3A_311 : i32 to index
        %swap3A_473 = tpu.vector_load %arg14[%swap3A_472] {strides = array<i32>} : memref<9216xf32, #tpu.memory_space<vmem>>, vector<16xf32>,
        tpu.vector_store %arg14[%swap3A_472], %min3A_453 {strides = array<i32>} : memref<9216xf32, #tpu.memory_space<vmem>>, vector<16xf32>,
        %swap3A_474 = arith.index_cast %add3A_311 : i32 to index
        %swap3A_475 = tpu.vector_load %arg15[%swap3A_474] {strides = array<i32>} : memref<9216xf32, #tpu.memory_space<vmem>>, vector<16xf32>,
        tpu.vector_store %arg15[%swap3A_474], %min3A_459 {strides = array<i32>} : memref<9216xf32, #tpu.memory_space<vmem>>, vector<16xf32>,
        %swap3A_476 = arith.index_cast %add3A_311 : i32 to index
        %swap3A_477 = tpu.vector_load %arg16[%swap3A_476] {strides = array<i32>} : memref<9216xf32, #tpu.memory_space<vmem>>, vector<16xf32>,
        tpu.vector_store %arg16[%swap3A_476], %min3A_465 {strides = array<i32>} : memref<9216xf32, #tpu.memory_space<vmem>>, vector<16xf32>,
        %swap3A_478 = arith.index_cast %add3A_311 : i32 to index
        %swap3A_479 = tpu.vector_load %arg17[%swap3A_478] {strides = array<i32>} : memref<9216xf32, #tpu.memory_space<vmem>>, vector<16xf32>,
        tpu.vector_store %arg17[%swap3A_478], %min3A_471 {strides = array<i32>} : memref<9216xf32, #tpu.memory_space<vmem>>, vector<16xf32>,
        %get3A_480 = arith.index_cast %add3A_311 : i32 to index
        %get3A_481 = tpu.vector_load %arg18[%get3A_480] {strides = array<i32>} : memref<9216xf32, #tpu.memory_space<vmem>>, vector<16xf32>,
        %bitcast3A_482 = vector.bitcast %get3A_481 : vector<16xf32> to vector<16xi32>
        %ge3A_483 = arith.constant 0 : i32
        %ge3A_484 = vector.broadcast %ge3A_483 : i32 to vector<16xi32>
        %ge3A_485 = arith.cmpi sge, %bitcast3A_482, %ge3A_484 : vector<16xi32>
        %xor3A_486 = arith.constant 2147483647 : i32
        %xor3A_487 = vector.broadcast %xor3A_486 : i32 to vector<16xi32>
        %xor3A_488 = arith.xori %bitcast3A_482, %xor3A_487 : vector<16xi32>
        %select_n3A_489 = arith.select %ge3A_485, %bitcast3A_482, %xor3A_488 : vector<16xi1>, vector<16xi32>
        %swap3A_490 = arith.index_cast %add3A_311 : i32 to index
        %swap3A_491 = tpu.vector_load %arg19[%swap3A_490] {strides = array<i32>} : memref<9216xi32, #tpu.memory_space<vmem>>, vector<16xi32>,
        tpu.vector_store %arg19[%swap3A_490], %select_n3A_489 {strides = array<i32>} : memref<9216xi32, #tpu.memory_space<vmem>>, vector<16xi32>,
        %mul3A_492 = arith.constant 64 : i32
        %mul3A_493 = arith.muli %scan3A_128, %mul3A_492 : i32
        %add3A_494 = arith.constant 32 : i32
        %add3A_495 = arith.addi %mul3A_493, %add3A_494 : i32
        %add3A_496 = vector.broadcast %add3A_495 : i32 to vector<16xi32>
        %add3A_497 = arith.addi %add3A_496, %iota3A : vector<16xi32>
        %jit3A_498 = arith.constant 9 : i32
        %eq3A_499 = arith.constant 0 : i32
        %eq3A_500 = arith.cmpi eq, %jit3A_498, %eq3A_499 : i32
        %jit3A_501 = arith.constant 1 : i32
        %select_n3A_502 = arith.select %eq3A_500, %jit3A_501, %jit3A_498 : i32
        %rem3A_503 = vector.broadcast %select_n3A_502 : i32 to vector<16xi32>
        %rem3A_504 = arith.remsi %add3A_497, %rem3A_503 : vector<16xi32>
        %ne3A_505 = arith.constant 0 : i32
        %ne3A_506 = vector.broadcast %ne3A_505 : i32 to vector<16xi32>
        %ne3A_507 = arith.cmpi ne, %rem3A_504, %ne3A_506 : vector<16xi32>
        %lt3A_508 = arith.constant 0 : i32
        %lt3A_509 = vector.broadcast %lt3A_508 : i32 to vector<16xi32>
        %lt3A_510 = arith.cmpi slt, %rem3A_504, %lt3A_509 : vector<16xi32>
        %lt3A_511 = arith.constant 0 : i32
        %lt3A_512 = arith.cmpi slt, %select_n3A_502, %lt3A_511 : i32
        %ne3A_513 = vector.broadcast %lt3A_512 : i1 to vector<16xi1>
        %ne3A_514 = vector.broadcast %ne3A_513 : vector<16xi1> to vector<16xi1>
        %ne3A_515 = arith.xori %lt3A_510, %ne3A_514 : vector<16xi1>
        %and3A_516 = arith.andi %ne3A_515, %ne3A_507 : vector<16xi1>
        %add3A_517 = vector.broadcast %select_n3A_502 : i32 to vector<16xi32>
        %add3A_518 = arith.addi %rem3A_504, %add3A_517 : vector<16xi32>
        %select_n3A_519 = arith.select %and3A_516, %add3A_518, %rem3A_504 : vector<16xi1>, vector<16xi32>
        %jit3A_520 = arith.constant 9 : i32
        %div3A_521 = vector.broadcast %jit3A_520 : i32 to vector<16xi32>
        %div3A_522 = arith.divsi %add3A_497, %div3A_521 : vector<16xi32>
        %sign3A_523 = arith.constant 0 : i32
        %sign3A_524 = vector.broadcast %sign3A_523 : i32 to vector<16xi32>
        %sign3A_525 = arith.cmpi sgt, %add3A_497, %sign3A_524 : vector<16xi32>
        %sign3A_526 = arith.extui %sign3A_525 : vector<16xi1> to vector<16xi32>
        %sign3A_527 = arith.constant 0 : i32
        %sign3A_528 = vector.broadcast %sign3A_527 : i32 to vector<16xi32>
        %sign3A_529 = arith.cmpi slt, %add3A_497, %sign3A_528 : vector<16xi32>
        %sign3A_530 = arith.extui %sign3A_529 : vector<16xi1> to vector<16xi32>
        %sign3A_531 = arith.subi %sign3A_526, %sign3A_530 : vector<16xi32>
        %sign3A_532 = arith.constant 0 : i32
        %sign3A_533 = arith.cmpi sgt, %jit3A_520, %sign3A_532 : i32
        %sign3A_534 = arith.extui %sign3A_533 : i1 to i32
        %sign3A_535 = arith.constant 0 : i32
        %sign3A_536 = arith.cmpi slt, %jit3A_520, %sign3A_535 : i32
        %sign3A_537 = arith.extui %sign3A_536 : i1 to i32
        %sign3A_538 = arith.subi %sign3A_534, %sign3A_537 : i32
        %ne3A_539 = vector.broadcast %sign3A_538 : i32 to vector<16xi32>
        %ne3A_540 = arith.cmpi ne, %sign3A_531, %ne3A_539 : vector<16xi32>
        %rem3A_541 = vector.broadcast %jit3A_520 : i32 to vector<16xi32>
        %rem3A_542 = arith.remsi %add3A_497, %rem3A_541 : vector<16xi32>
        %ne3A_543 = arith.constant 0 : i32
        %ne3A_544 = vector.broadcast %ne3A_543 : i32 to vector<16xi32>
        %ne3A_545 = arith.cmpi ne, %rem3A_542, %ne3A_544 : vector<16xi32>
        %and3A_546 = arith.andi %ne3A_540, %ne3A_545 : vector<16xi1>
        %sub3A_547 = arith.constant 1 : i32
        %sub3A_548 = vector.broadcast %sub3A_547 : i32 to vector<16xi32>
        %sub3A_549 = arith.subi %div3A_522, %sub3A_548 : vector<16xi32>
        %select_n3A_550 = arith.select %and3A_546, %sub3A_549, %div3A_522 : vector<16xi1>, vector<16xi32>
        %jit3A_551 = arith.constant 32 : i32
        %eq3A_552 = arith.constant 0 : i32
        %eq3A_553 = arith.cmpi eq, %jit3A_551, %eq3A_552 : i32
        %jit3A_554 = arith.constant 1 : i32
        %select_n3A_555 = arith.select %eq3A_553, %jit3A_554, %jit3A_551 : i32
        %rem3A_556 = vector.broadcast %select_n3A_555 : i32 to vector<16xi32>
        %rem3A_557 = arith.remsi %select_n3A_550, %rem3A_556 : vector<16xi32>
        %ne3A_558 = arith.constant 0 : i32
        %ne3A_559 = vector.broadcast %ne3A_558 : i32 to vector<16xi32>
        %ne3A_560 = arith.cmpi ne, %rem3A_557, %ne3A_559 : vector<16xi32>
        %lt3A_561 = arith.constant 0 : i32
        %lt3A_562 = vector.broadcast %lt3A_561 : i32 to vector<16xi32>
        %lt3A_563 = arith.cmpi slt, %rem3A_557, %lt3A_562 : vector<16xi32>
        %lt3A_564 = arith.constant 0 : i32
        %lt3A_565 = arith.cmpi slt, %select_n3A_555, %lt3A_564 : i32
        %ne3A_566 = vector.broadcast %lt3A_565 : i1 to vector<16xi1>
        %ne3A_567 = vector.broadcast %ne3A_566 : vector<16xi1> to vector<16xi1>
        %ne3A_568 = arith.xori %lt3A_563, %ne3A_567 : vector<16xi1>
        %and3A_569 = arith.andi %ne3A_568, %ne3A_560 : vector<16xi1>
        %add3A_570 = vector.broadcast %select_n3A_555 : i32 to vector<16xi32>
        %add3A_571 = arith.addi %rem3A_557, %add3A_570 : vector<16xi32>
        %select_n3A_572 = arith.select %and3A_569, %add3A_571, %rem3A_557 : vector<16xi1>, vector<16xi32>
        %mul3A_573 = arith.constant 16 : i32
        %mul3A_574 = vector.broadcast %mul3A_573 : i32 to vector<16xi32>
        %mul3A_575 = arith.muli %select_n3A_572, %mul3A_574 : vector<16xi32>
        %convert_element_type3A_576 = arith.sitofp %mul3A_575 : vector<16xi32> to vector<16xf32>
        %jit3A_577 = arith.constant 32 : i32
        %div3A_578 = vector.broadcast %jit3A_577 : i32 to vector<16xi32>
        %div3A_579 = arith.divsi %select_n3A_550, %div3A_578 : vector<16xi32>
        %sign3A_580 = arith.constant 0 : i32
        %sign3A_581 = vector.broadcast %sign3A_580 : i32 to vector<16xi32>
        %sign3A_582 = arith.cmpi sgt, %select_n3A_550, %sign3A_581 : vector<16xi32>
        %sign3A_583 = arith.extui %sign3A_582 : vector<16xi1> to vector<16xi32>
        %sign3A_584 = arith.constant 0 : i32
        %sign3A_585 = vector.broadcast %sign3A_584 : i32 to vector<16xi32>
        %sign3A_586 = arith.cmpi slt, %select_n3A_550, %sign3A_585 : vector<16xi32>
        %sign3A_587 = arith.extui %sign3A_586 : vector<16xi1> to vector<16xi32>
        %sign3A_588 = arith.subi %sign3A_583, %sign3A_587 : vector<16xi32>
        %sign3A_589 = arith.constant 0 : i32
        %sign3A_590 = arith.cmpi sgt, %jit3A_577, %sign3A_589 : i32
        %sign3A_591 = arith.extui %sign3A_590 : i1 to i32
        %sign3A_592 = arith.constant 0 : i32
        %sign3A_593 = arith.cmpi slt, %jit3A_577, %sign3A_592 : i32
        %sign3A_594 = arith.extui %sign3A_593 : i1 to i32
        %sign3A_595 = arith.subi %sign3A_591, %sign3A_594 : i32
        %ne3A_596 = vector.broadcast %sign3A_595 : i32 to vector<16xi32>
        %ne3A_597 = arith.cmpi ne, %sign3A_588, %ne3A_596 : vector<16xi32>
        %rem3A_598 = vector.broadcast %jit3A_577 : i32 to vector<16xi32>
        %rem3A_599 = arith.remsi %select_n3A_550, %rem3A_598 : vector<16xi32>
        %ne3A_600 = arith.constant 0 : i32
        %ne3A_601 = vector.broadcast %ne3A_600 : i32 to vector<16xi32>
        %ne3A_602 = arith.cmpi ne, %rem3A_599, %ne3A_601 : vector<16xi32>
        %and3A_603 = arith.andi %ne3A_597, %ne3A_602 : vector<16xi1>
        %sub3A_604 = arith.constant 1 : i32
        %sub3A_605 = vector.broadcast %sub3A_604 : i32 to vector<16xi32>
        %sub3A_606 = arith.subi %div3A_579, %sub3A_605 : vector<16xi32>
        %select_n3A_607 = arith.select %and3A_603, %sub3A_606, %div3A_579 : vector<16xi1>, vector<16xi32>
        %mul3A_608 = arith.constant 16 : i32
        %mul3A_609 = vector.broadcast %mul3A_608 : i32 to vector<16xi32>
        %mul3A_610 = arith.muli %select_n3A_607, %mul3A_609 : vector<16xi32>
        %convert_element_type3A_611 = arith.sitofp %mul3A_610 : vector<16xi32> to vector<16xf32>
        %gather3A_612 = tpu.vector_load_idx %arg21[%select_n3A_519] : memref<16xf32, #tpu.memory_space<vmem>>[vector<16xi32>], vector<16xf32>,
        %gather3A_613 = tpu.vector_load_idx %arg22[%select_n3A_519] : memref<16xf32, #tpu.memory_space<vmem>>[vector<16xi32>], vector<16xf32>,
        %gather3A_614 = tpu.vector_load_idx %arg23[%select_n3A_519] : memref<16xf32, #tpu.memory_space<vmem>>[vector<16xi32>], vector<16xf32>,
        %add3A_615 = arith.addf %convert_element_type3A_576, %gather3A_614 : vector<16xf32>
        %gather3A_616 = tpu.vector_load_idx %arg24[%select_n3A_519] : memref<16xf32, #tpu.memory_space<vmem>>[vector<16xi32>], vector<16xf32>,
        %add3A_617 = arith.addf %convert_element_type3A_611, %gather3A_616 : vector<16xf32>
        %get3A_618 = arith.index_cast %add3A_495 : i32 to index
        %get3A_619 = tpu.vector_load %arg14[%get3A_618] {strides = array<i32>} : memref<9216xf32, #tpu.memory_space<vmem>>, vector<16xf32>,
        %get3A_620 = arith.index_cast %add3A_495 : i32 to index
        %get3A_621 = tpu.vector_load %arg15[%get3A_620] {strides = array<i32>} : memref<9216xf32, #tpu.memory_space<vmem>>, vector<16xf32>,
        %get3A_622 = arith.index_cast %add3A_495 : i32 to index
        %get3A_623 = tpu.vector_load %arg16[%get3A_622] {strides = array<i32>} : memref<9216xf32, #tpu.memory_space<vmem>>, vector<16xf32>,
        %get3A_624 = arith.index_cast %add3A_495 : i32 to index
        %get3A_625 = tpu.vector_load %arg17[%get3A_624] {strides = array<i32>} : memref<9216xf32, #tpu.memory_space<vmem>>, vector<16xf32>,
        %mul3A_626 = arith.mulf %get3A_619, %gather3A_612 : vector<16xf32>
        %add3A_627 = arith.addf %mul3A_626, %add3A_615 : vector<16xf32>
        %mul3A_628 = arith.mulf %get3A_621, %gather3A_613 : vector<16xf32>
        %add3A_629 = arith.addf %mul3A_628, %add3A_617 : vector<16xf32>
        %mul3A_630 = arith.mulf %get3A_623, %gather3A_612 : vector<16xf32>
        %mul3A_631 = arith.mulf %get3A_625, %gather3A_613 : vector<16xf32>
        %mul3A_632 = arith.constant 5.000000e-01 : f32
        %mul3A_633 = vector.broadcast %mul3A_632 : f32 to vector<16xf32>
        %mul3A_634 = arith.mulf %mul3A_633, %mul3A_630 : vector<16xf32>
        %sub3A_635 = arith.subf %add3A_627, %mul3A_634 : vector<16xf32>
        %max3A_636 = arith.maximumf %sub3A_635, %broadcast_in_dim3A_6 : vector<16xf32>
        %min3A_637 = arith.minimumf %max3A_636, %get3A_3 : vector<16xf32>
        %mul3A_638 = arith.constant 5.000000e-01 : f32
        %mul3A_639 = vector.broadcast %mul3A_638 : f32 to vector<16xf32>
        %mul3A_640 = arith.mulf %mul3A_639, %mul3A_631 : vector<16xf32>
        %sub3A_641 = arith.subf %add3A_629, %mul3A_640 : vector<16xf32>
        %max3A_642 = arith.maximumf %sub3A_641, %broadcast_in_dim3A_6 : vector<16xf32>
        %min3A_643 = arith.minimumf %max3A_642, %get3A_5 : vector<16xf32>
        %mul3A_644 = arith.constant 5.000000e-01 : f32
        %mul3A_645 = vector.broadcast %mul3A_644 : f32 to vector<16xf32>
        %mul3A_646 = arith.mulf %mul3A_645, %mul3A_630 : vector<16xf32>
        %add3A_647 = arith.addf %add3A_627, %mul3A_646 : vector<16xf32>
        %max3A_648 = arith.maximumf %add3A_647, %broadcast_in_dim3A_6 : vector<16xf32>
        %min3A_649 = arith.minimumf %max3A_648, %get3A_3 : vector<16xf32>
        %mul3A_650 = arith.constant 5.000000e-01 : f32
        %mul3A_651 = vector.broadcast %mul3A_650 : f32 to vector<16xf32>
        %mul3A_652 = arith.mulf %mul3A_651, %mul3A_631 : vector<16xf32>
        %add3A_653 = arith.addf %add3A_629, %mul3A_652 : vector<16xf32>
        %max3A_654 = arith.maximumf %add3A_653, %broadcast_in_dim3A_6 : vector<16xf32>
        %min3A_655 = arith.minimumf %max3A_654, %get3A_5 : vector<16xf32>
        %swap3A_656 = arith.index_cast %add3A_495 : i32 to index
        %swap3A_657 = tpu.vector_load %arg14[%swap3A_656] {strides = array<i32>} : memref<9216xf32, #tpu.memory_space<vmem>>, vector<16xf32>,
        tpu.vector_store %arg14[%swap3A_656], %min3A_637 {strides = array<i32>} : memref<9216xf32, #tpu.memory_space<vmem>>, vector<16xf32>,
        %swap3A_658 = arith.index_cast %add3A_495 : i32 to index
        %swap3A_659 = tpu.vector_load %arg15[%swap3A_658] {strides = array<i32>} : memref<9216xf32, #tpu.memory_space<vmem>>, vector<16xf32>,
        tpu.vector_store %arg15[%swap3A_658], %min3A_643 {strides = array<i32>} : memref<9216xf32, #tpu.memory_space<vmem>>, vector<16xf32>,
        %swap3A_660 = arith.index_cast %add3A_495 : i32 to index
        %swap3A_661 = tpu.vector_load %arg16[%swap3A_660] {strides = array<i32>} : memref<9216xf32, #tpu.memory_space<vmem>>, vector<16xf32>,
        tpu.vector_store %arg16[%swap3A_660], %min3A_649 {strides = array<i32>} : memref<9216xf32, #tpu.memory_space<vmem>>, vector<16xf32>,
        %swap3A_662 = arith.index_cast %add3A_495 : i32 to index
        %swap3A_663 = tpu.vector_load %arg17[%swap3A_662] {strides = array<i32>} : memref<9216xf32, #tpu.memory_space<vmem>>, vector<16xf32>,
        tpu.vector_store %arg17[%swap3A_662], %min3A_655 {strides = array<i32>} : memref<9216xf32, #tpu.memory_space<vmem>>, vector<16xf32>,
        %get3A_664 = arith.index_cast %add3A_495 : i32 to index
        %get3A_665 = tpu.vector_load %arg18[%get3A_664] {strides = array<i32>} : memref<9216xf32, #tpu.memory_space<vmem>>, vector<16xf32>,
        %bitcast3A_666 = vector.bitcast %get3A_665 : vector<16xf32> to vector<16xi32>
        %ge3A_667 = arith.constant 0 : i32
        %ge3A_668 = vector.broadcast %ge3A_667 : i32 to vector<16xi32>
        %ge3A_669 = arith.cmpi sge, %bitcast3A_666, %ge3A_668 : vector<16xi32>
        %xor3A_670 = arith.constant 2147483647 : i32
        %xor3A_671 = vector.broadcast %xor3A_670 : i32 to vector<16xi32>
        %xor3A_672 = arith.xori %bitcast3A_666, %xor3A_671 : vector<16xi32>
        %select_n3A_673 = arith.select %ge3A_669, %bitcast3A_666, %xor3A_672 : vector<16xi1>, vector<16xi32>
        %swap3A_674 = arith.index_cast %add3A_495 : i32 to index
        %swap3A_675 = tpu.vector_load %arg19[%swap3A_674] {strides = array<i32>} : memref<9216xi32, #tpu.memory_space<vmem>>, vector<16xi32>,
        tpu.vector_store %arg19[%swap3A_674], %select_n3A_673 {strides = array<i32>} : memref<9216xi32, #tpu.memory_space<vmem>>, vector<16xi32>,
        %mul3A_676 = arith.constant 64 : i32
        %mul3A_677 = arith.muli %scan3A_128, %mul3A_676 : i32
        %add3A_678 = arith.constant 48 : i32
        %add3A_679 = arith.addi %mul3A_677, %add3A_678 : i32
        %add3A_680 = vector.broadcast %add3A_679 : i32 to vector<16xi32>
        %add3A_681 = arith.addi %add3A_680, %iota3A : vector<16xi32>
        %jit3A_682 = arith.constant 9 : i32
        %eq3A_683 = arith.constant 0 : i32
        %eq3A_684 = arith.cmpi eq, %jit3A_682, %eq3A_683 : i32
        %jit3A_685 = arith.constant 1 : i32
        %select_n3A_686 = arith.select %eq3A_684, %jit3A_685, %jit3A_682 : i32
        %rem3A_687 = vector.broadcast %select_n3A_686 : i32 to vector<16xi32>
        %rem3A_688 = arith.remsi %add3A_681, %rem3A_687 : vector<16xi32>
        %ne3A_689 = arith.constant 0 : i32
        %ne3A_690 = vector.broadcast %ne3A_689 : i32 to vector<16xi32>
        %ne3A_691 = arith.cmpi ne, %rem3A_688, %ne3A_690 : vector<16xi32>
        %lt3A_692 = arith.constant 0 : i32
        %lt3A_693 = vector.broadcast %lt3A_692 : i32 to vector<16xi32>
        %lt3A_694 = arith.cmpi slt, %rem3A_688, %lt3A_693 : vector<16xi32>
        %lt3A_695 = arith.constant 0 : i32
        %lt3A_696 = arith.cmpi slt, %select_n3A_686, %lt3A_695 : i32
        %ne3A_697 = vector.broadcast %lt3A_696 : i1 to vector<16xi1>
        %ne3A_698 = vector.broadcast %ne3A_697 : vector<16xi1> to vector<16xi1>
        %ne3A_699 = arith.xori %lt3A_694, %ne3A_698 : vector<16xi1>
        %and3A_700 = arith.andi %ne3A_699, %ne3A_691 : vector<16xi1>
        %add3A_701 = vector.broadcast %select_n3A_686 : i32 to vector<16xi32>
        %add3A_702 = arith.addi %rem3A_688, %add3A_701 : vector<16xi32>
        %select_n3A_703 = arith.select %and3A_700, %add3A_702, %rem3A_688 : vector<16xi1>, vector<16xi32>
        %jit3A_704 = arith.constant 9 : i32
        %div3A_705 = vector.broadcast %jit3A_704 : i32 to vector<16xi32>
        %div3A_706 = arith.divsi %add3A_681, %div3A_705 : vector<16xi32>
        %sign3A_707 = arith.constant 0 : i32
        %sign3A_708 = vector.broadcast %sign3A_707 : i32 to vector<16xi32>
        %sign3A_709 = arith.cmpi sgt, %add3A_681, %sign3A_708 : vector<16xi32>
        %sign3A_710 = arith.extui %sign3A_709 : vector<16xi1> to vector<16xi32>
        %sign3A_711 = arith.constant 0 : i32
        %sign3A_712 = vector.broadcast %sign3A_711 : i32 to vector<16xi32>
        %sign3A_713 = arith.cmpi slt, %add3A_681, %sign3A_712 : vector<16xi32>
        %sign3A_714 = arith.extui %sign3A_713 : vector<16xi1> to vector<16xi32>
        %sign3A_715 = arith.subi %sign3A_710, %sign3A_714 : vector<16xi32>
        %sign3A_716 = arith.constant 0 : i32
        %sign3A_717 = arith.cmpi sgt, %jit3A_704, %sign3A_716 : i32
        %sign3A_718 = arith.extui %sign3A_717 : i1 to i32
        %sign3A_719 = arith.constant 0 : i32
        %sign3A_720 = arith.cmpi slt, %jit3A_704, %sign3A_719 : i32
        %sign3A_721 = arith.extui %sign3A_720 : i1 to i32
        %sign3A_722 = arith.subi %sign3A_718, %sign3A_721 : i32
        %ne3A_723 = vector.broadcast %sign3A_722 : i32 to vector<16xi32>
        %ne3A_724 = arith.cmpi ne, %sign3A_715, %ne3A_723 : vector<16xi32>
        %rem3A_725 = vector.broadcast %jit3A_704 : i32 to vector<16xi32>
        %rem3A_726 = arith.remsi %add3A_681, %rem3A_725 : vector<16xi32>
        %ne3A_727 = arith.constant 0 : i32
        %ne3A_728 = vector.broadcast %ne3A_727 : i32 to vector<16xi32>
        %ne3A_729 = arith.cmpi ne, %rem3A_726, %ne3A_728 : vector<16xi32>
        %and3A_730 = arith.andi %ne3A_724, %ne3A_729 : vector<16xi1>
        %sub3A_731 = arith.constant 1 : i32
        %sub3A_732 = vector.broadcast %sub3A_731 : i32 to vector<16xi32>
        %sub3A_733 = arith.subi %div3A_706, %sub3A_732 : vector<16xi32>
        %select_n3A_734 = arith.select %and3A_730, %sub3A_733, %div3A_706 : vector<16xi1>, vector<16xi32>
        %jit3A_735 = arith.constant 32 : i32
        %eq3A_736 = arith.constant 0 : i32
        %eq3A_737 = arith.cmpi eq, %jit3A_735, %eq3A_736 : i32
        %jit3A_738 = arith.constant 1 : i32
        %select_n3A_739 = arith.select %eq3A_737, %jit3A_738, %jit3A_735 : i32
        %rem3A_740 = vector.broadcast %select_n3A_739 : i32 to vector<16xi32>
        %rem3A_741 = arith.remsi %select_n3A_734, %rem3A_740 : vector<16xi32>
        %ne3A_742 = arith.constant 0 : i32
        %ne3A_743 = vector.broadcast %ne3A_742 : i32 to vector<16xi32>
        %ne3A_744 = arith.cmpi ne, %rem3A_741, %ne3A_743 : vector<16xi32>
        %lt3A_745 = arith.constant 0 : i32
        %lt3A_746 = vector.broadcast %lt3A_745 : i32 to vector<16xi32>
        %lt3A_747 = arith.cmpi slt, %rem3A_741, %lt3A_746 : vector<16xi32>
        %lt3A_748 = arith.constant 0 : i32
        %lt3A_749 = arith.cmpi slt, %select_n3A_739, %lt3A_748 : i32
        %ne3A_750 = vector.broadcast %lt3A_749 : i1 to vector<16xi1>
        %ne3A_751 = vector.broadcast %ne3A_750 : vector<16xi1> to vector<16xi1>
        %ne3A_752 = arith.xori %lt3A_747, %ne3A_751 : vector<16xi1>
        %and3A_753 = arith.andi %ne3A_752, %ne3A_744 : vector<16xi1>
        %add3A_754 = vector.broadcast %select_n3A_739 : i32 to vector<16xi32>
        %add3A_755 = arith.addi %rem3A_741, %add3A_754 : vector<16xi32>
        %select_n3A_756 = arith.select %and3A_753, %add3A_755, %rem3A_741 : vector<16xi1>, vector<16xi32>
        %mul3A_757 = arith.constant 16 : i32
        %mul3A_758 = vector.broadcast %mul3A_757 : i32 to vector<16xi32>
        %mul3A_759 = arith.muli %select_n3A_756, %mul3A_758 : vector<16xi32>
        %convert_element_type3A_760 = arith.sitofp %mul3A_759 : vector<16xi32> to vector<16xf32>
        %jit3A_761 = arith.constant 32 : i32
        %div3A_762 = vector.broadcast %jit3A_761 : i32 to vector<16xi32>
        %div3A_763 = arith.divsi %select_n3A_734, %div3A_762 : vector<16xi32>
        %sign3A_764 = arith.constant 0 : i32
        %sign3A_765 = vector.broadcast %sign3A_764 : i32 to vector<16xi32>
        %sign3A_766 = arith.cmpi sgt, %select_n3A_734, %sign3A_765 : vector<16xi32>
        %sign3A_767 = arith.extui %sign3A_766 : vector<16xi1> to vector<16xi32>
        %sign3A_768 = arith.constant 0 : i32
        %sign3A_769 = vector.broadcast %sign3A_768 : i32 to vector<16xi32>
        %sign3A_770 = arith.cmpi slt, %select_n3A_734, %sign3A_769 : vector<16xi32>
        %sign3A_771 = arith.extui %sign3A_770 : vector<16xi1> to vector<16xi32>
        %sign3A_772 = arith.subi %sign3A_767, %sign3A_771 : vector<16xi32>
        %sign3A_773 = arith.constant 0 : i32
        %sign3A_774 = arith.cmpi sgt, %jit3A_761, %sign3A_773 : i32
        %sign3A_775 = arith.extui %sign3A_774 : i1 to i32
        %sign3A_776 = arith.constant 0 : i32
        %sign3A_777 = arith.cmpi slt, %jit3A_761, %sign3A_776 : i32
        %sign3A_778 = arith.extui %sign3A_777 : i1 to i32
        %sign3A_779 = arith.subi %sign3A_775, %sign3A_778 : i32
        %ne3A_780 = vector.broadcast %sign3A_779 : i32 to vector<16xi32>
        %ne3A_781 = arith.cmpi ne, %sign3A_772, %ne3A_780 : vector<16xi32>
        %rem3A_782 = vector.broadcast %jit3A_761 : i32 to vector<16xi32>
        %rem3A_783 = arith.remsi %select_n3A_734, %rem3A_782 : vector<16xi32>
        %ne3A_784 = arith.constant 0 : i32
        %ne3A_785 = vector.broadcast %ne3A_784 : i32 to vector<16xi32>
        %ne3A_786 = arith.cmpi ne, %rem3A_783, %ne3A_785 : vector<16xi32>
        %and3A_787 = arith.andi %ne3A_781, %ne3A_786 : vector<16xi1>
        %sub3A_788 = arith.constant 1 : i32
        %sub3A_789 = vector.broadcast %sub3A_788 : i32 to vector<16xi32>
        %sub3A_790 = arith.subi %div3A_763, %sub3A_789 : vector<16xi32>
        %select_n3A_791 = arith.select %and3A_787, %sub3A_790, %div3A_763 : vector<16xi1>, vector<16xi32>
        %mul3A_792 = arith.constant 16 : i32
        %mul3A_793 = vector.broadcast %mul3A_792 : i32 to vector<16xi32>
        %mul3A_794 = arith.muli %select_n3A_791, %mul3A_793 : vector<16xi32>
        %convert_element_type3A_795 = arith.sitofp %mul3A_794 : vector<16xi32> to vector<16xf32>
        %gather3A_796 = tpu.vector_load_idx %arg21[%select_n3A_703] : memref<16xf32, #tpu.memory_space<vmem>>[vector<16xi32>], vector<16xf32>,
        %gather3A_797 = tpu.vector_load_idx %arg22[%select_n3A_703] : memref<16xf32, #tpu.memory_space<vmem>>[vector<16xi32>], vector<16xf32>,
        %gather3A_798 = tpu.vector_load_idx %arg23[%select_n3A_703] : memref<16xf32, #tpu.memory_space<vmem>>[vector<16xi32>], vector<16xf32>,
        %add3A_799 = arith.addf %convert_element_type3A_760, %gather3A_798 : vector<16xf32>
        %gather3A_800 = tpu.vector_load_idx %arg24[%select_n3A_703] : memref<16xf32, #tpu.memory_space<vmem>>[vector<16xi32>], vector<16xf32>,
        %add3A_801 = arith.addf %convert_element_type3A_795, %gather3A_800 : vector<16xf32>
        %get3A_802 = arith.index_cast %add3A_679 : i32 to index
        %get3A_803 = tpu.vector_load %arg14[%get3A_802] {strides = array<i32>} : memref<9216xf32, #tpu.memory_space<vmem>>, vector<16xf32>,
        %get3A_804 = arith.index_cast %add3A_679 : i32 to index
        %get3A_805 = tpu.vector_load %arg15[%get3A_804] {strides = array<i32>} : memref<9216xf32, #tpu.memory_space<vmem>>, vector<16xf32>,
        %get3A_806 = arith.index_cast %add3A_679 : i32 to index
        %get3A_807 = tpu.vector_load %arg16[%get3A_806] {strides = array<i32>} : memref<9216xf32, #tpu.memory_space<vmem>>, vector<16xf32>,
        %get3A_808 = arith.index_cast %add3A_679 : i32 to index
        %get3A_809 = tpu.vector_load %arg17[%get3A_808] {strides = array<i32>} : memref<9216xf32, #tpu.memory_space<vmem>>, vector<16xf32>,
        %mul3A_810 = arith.mulf %get3A_803, %gather3A_796 : vector<16xf32>
        %add3A_811 = arith.addf %mul3A_810, %add3A_799 : vector<16xf32>
        %mul3A_812 = arith.mulf %get3A_805, %gather3A_797 : vector<16xf32>
        %add3A_813 = arith.addf %mul3A_812, %add3A_801 : vector<16xf32>
        %mul3A_814 = arith.mulf %get3A_807, %gather3A_796 : vector<16xf32>
        %mul3A_815 = arith.mulf %get3A_809, %gather3A_797 : vector<16xf32>
        %mul3A_816 = arith.constant 5.000000e-01 : f32
        %mul3A_817 = vector.broadcast %mul3A_816 : f32 to vector<16xf32>
        %mul3A_818 = arith.mulf %mul3A_817, %mul3A_814 : vector<16xf32>
        %sub3A_819 = arith.subf %add3A_811, %mul3A_818 : vector<16xf32>
        %max3A_820 = arith.maximumf %sub3A_819, %broadcast_in_dim3A_6 : vector<16xf32>
        %min3A_821 = arith.minimumf %max3A_820, %get3A_3 : vector<16xf32>
        %mul3A_822 = arith.constant 5.000000e-01 : f32
        %mul3A_823 = vector.broadcast %mul3A_822 : f32 to vector<16xf32>
        %mul3A_824 = arith.mulf %mul3A_823, %mul3A_815 : vector<16xf32>
        %sub3A_825 = arith.subf %add3A_813, %mul3A_824 : vector<16xf32>
        %max3A_826 = arith.maximumf %sub3A_825, %broadcast_in_dim3A_6 : vector<16xf32>
        %min3A_827 = arith.minimumf %max3A_826, %get3A_5 : vector<16xf32>
        %mul3A_828 = arith.constant 5.000000e-01 : f32
        %mul3A_829 = vector.broadcast %mul3A_828 : f32 to vector<16xf32>
        %mul3A_830 = arith.mulf %mul3A_829, %mul3A_814 : vector<16xf32>
        %add3A_831 = arith.addf %add3A_811, %mul3A_830 : vector<16xf32>
        %max3A_832 = arith.maximumf %add3A_831, %broadcast_in_dim3A_6 : vector<16xf32>
        %min3A_833 = arith.minimumf %max3A_832, %get3A_3 : vector<16xf32>
        %mul3A_834 = arith.constant 5.000000e-01 : f32
        %mul3A_835 = vector.broadcast %mul3A_834 : f32 to vector<16xf32>
        %mul3A_836 = arith.mulf %mul3A_835, %mul3A_815 : vector<16xf32>
        %add3A_837 = arith.addf %add3A_813, %mul3A_836 : vector<16xf32>
        %max3A_838 = arith.maximumf %add3A_837, %broadcast_in_dim3A_6 : vector<16xf32>
        %min3A_839 = arith.minimumf %max3A_838, %get3A_5 : vector<16xf32>
        %swap3A_840 = arith.index_cast %add3A_679 : i32 to index
        %swap3A_841 = tpu.vector_load %arg14[%swap3A_840] {strides = array<i32>} : memref<9216xf32, #tpu.memory_space<vmem>>, vector<16xf32>,
        tpu.vector_store %arg14[%swap3A_840], %min3A_821 {strides = array<i32>} : memref<9216xf32, #tpu.memory_space<vmem>>, vector<16xf32>,
        %swap3A_842 = arith.index_cast %add3A_679 : i32 to index
        %swap3A_843 = tpu.vector_load %arg15[%swap3A_842] {strides = array<i32>} : memref<9216xf32, #tpu.memory_space<vmem>>, vector<16xf32>,
        tpu.vector_store %arg15[%swap3A_842], %min3A_827 {strides = array<i32>} : memref<9216xf32, #tpu.memory_space<vmem>>, vector<16xf32>,
        %swap3A_844 = arith.index_cast %add3A_679 : i32 to index
        %swap3A_845 = tpu.vector_load %arg16[%swap3A_844] {strides = array<i32>} : memref<9216xf32, #tpu.memory_space<vmem>>, vector<16xf32>,
        tpu.vector_store %arg16[%swap3A_844], %min3A_833 {strides = array<i32>} : memref<9216xf32, #tpu.memory_space<vmem>>, vector<16xf32>,
        %swap3A_846 = arith.index_cast %add3A_679 : i32 to index
        %swap3A_847 = tpu.vector_load %arg17[%swap3A_846] {strides = array<i32>} : memref<9216xf32, #tpu.memory_space<vmem>>, vector<16xf32>,
        tpu.vector_store %arg17[%swap3A_846], %min3A_839 {strides = array<i32>} : memref<9216xf32, #tpu.memory_space<vmem>>, vector<16xf32>,
        %get3A_848 = arith.index_cast %add3A_679 : i32 to index
        %get3A_849 = tpu.vector_load %arg18[%get3A_848] {strides = array<i32>} : memref<9216xf32, #tpu.memory_space<vmem>>, vector<16xf32>,
        %bitcast3A_850 = vector.bitcast %get3A_849 : vector<16xf32> to vector<16xi32>
        %ge3A_851 = arith.constant 0 : i32
        %ge3A_852 = vector.broadcast %ge3A_851 : i32 to vector<16xi32>
        %ge3A_853 = arith.cmpi sge, %bitcast3A_850, %ge3A_852 : vector<16xi32>
        %xor3A_854 = arith.constant 2147483647 : i32
        %xor3A_855 = vector.broadcast %xor3A_854 : i32 to vector<16xi32>
        %xor3A_856 = arith.xori %bitcast3A_850, %xor3A_855 : vector<16xi32>
        %select_n3A_857 = arith.select %ge3A_853, %bitcast3A_850, %xor3A_856 : vector<16xi1>, vector<16xi32>
        %swap3A_858 = arith.index_cast %add3A_679 : i32 to index
        %swap3A_859 = tpu.vector_load %arg19[%swap3A_858] {strides = array<i32>} : memref<9216xi32, #tpu.memory_space<vmem>>, vector<16xi32>,
        tpu.vector_store %arg19[%swap3A_858], %select_n3A_857 {strides = array<i32>} : memref<9216xi32, #tpu.memory_space<vmem>>, vector<16xi32>,
        %scan3A_860 = arith.constant 0 : i32
        scf.yield %scan3A_860 : i32
      }
      %scan3A_20 = arith.constant 144 : i32
      %scan3A_21 = arith.constant 1 : i32
      %scan3A_22 = arith.constant 0 : i32
      %scan3A_23 = arith.constant 0 : i32
      %scan3A_24 = arith.constant 0 : i32
      %scan3A_25 = arith.constant 32 : i32
      %scan3A_26 = arith.addi %scan3A_24, %scan3A_25 : i32
      %scan3A_27 = arith.constant 1 : i32
      %scan3A_28 = scf.for %scan3A_128 = %scan3A_24 to %scan3A_26 step %scan3A_27 iter_args(%scan3A_129 = %scan3A_23) -> (i32)  : i32 {
        %sub3A_130 = arith.constant 31 : i32
        %sub3A_131 = arith.subi %sub3A_130, %scan3A_128 : i32
        %shift_left3A = arith.shli %scan3A_21, %sub3A_131 : i32
        %or3A = arith.ori %scan3A_129, %shift_left3A : i32
        %xor3A_132 = arith.constant -2147483648 : i32
        %xor3A_133 = arith.xori %or3A, %xor3A_132 : i32
        %broadcast_in_dim3A_134 = arith.constant 0 : i32
        %broadcast_in_dim3A_135 = vector.broadcast %broadcast_in_dim3A_134 : i32 to vector<16xi32>
        %scan3A_136 = arith.constant 0 : i32
        %scan3A_137 = arith.constant 144 : i32
        %scan3A_138 = arith.addi %scan3A_136, %scan3A_137 : i32
        %scan3A_139 = arith.constant 1 : i32
        %scan3A_140 = scf.for %scan3A_148 = %scan3A_136 to %scan3A_138 step %scan3A_139 iter_args(%scan3A_149 = %broadcast_in_dim3A_135) -> (vector<16xi32>)  : i32 {
          %mul3A_150 = arith.constant 64 : i32
          %mul3A_151 = arith.muli %scan3A_148, %mul3A_150 : i32
          %add3A_152 = arith.constant 0 : i32
          %add3A_153 = arith.addi %mul3A_151, %add3A_152 : i32
          %get3A_154 = arith.index_cast %add3A_153 : i32 to index
          %get3A_155 = tpu.vector_load %arg19[%get3A_154] {strides = array<i32>} : memref<9216xi32, #tpu.memory_space<vmem>>, vector<16xi32>,
          %ge3A_156 = vector.broadcast %xor3A_133 : i32 to vector<16xi32>
          %ge3A_157 = arith.cmpi sge, %get3A_155, %ge3A_156 : vector<16xi32>
          %broadcast_in_dim3A_158 = vector.broadcast %scan3A_21 : i32 to vector<16xi32>
          %broadcast_in_dim3A_159 = vector.broadcast %scan3A_22 : i32 to vector<16xi32>
          %select_n3A_160 = arith.select %ge3A_157, %broadcast_in_dim3A_158, %broadcast_in_dim3A_159 : vector<16xi1>, vector<16xi32>
          %add3A_161 = arith.addi %scan3A_149, %select_n3A_160 : vector<16xi32>
          %mul3A_162 = arith.constant 64 : i32
          %mul3A_163 = arith.muli %scan3A_148, %mul3A_162 : i32
          %add3A_164 = arith.constant 16 : i32
          %add3A_165 = arith.addi %mul3A_163, %add3A_164 : i32
          %get3A_166 = arith.index_cast %add3A_165 : i32 to index
          %get3A_167 = tpu.vector_load %arg19[%get3A_166] {strides = array<i32>} : memref<9216xi32, #tpu.memory_space<vmem>>, vector<16xi32>,
          %ge3A_168 = vector.broadcast %xor3A_133 : i32 to vector<16xi32>
          %ge3A_169 = arith.cmpi sge, %get3A_167, %ge3A_168 : vector<16xi32>
          %broadcast_in_dim3A_170 = vector.broadcast %scan3A_21 : i32 to vector<16xi32>
          %broadcast_in_dim3A_171 = vector.broadcast %scan3A_22 : i32 to vector<16xi32>
          %select_n3A_172 = arith.select %ge3A_169, %broadcast_in_dim3A_170, %broadcast_in_dim3A_171 : vector<16xi1>, vector<16xi32>
          %add3A_173 = arith.addi %add3A_161, %select_n3A_172 : vector<16xi32>
          %mul3A_174 = arith.constant 64 : i32
          %mul3A_175 = arith.muli %scan3A_148, %mul3A_174 : i32
          %add3A_176 = arith.constant 32 : i32
          %add3A_177 = arith.addi %mul3A_175, %add3A_176 : i32
          %get3A_178 = arith.index_cast %add3A_177 : i32 to index
          %get3A_179 = tpu.vector_load %arg19[%get3A_178] {strides = array<i32>} : memref<9216xi32, #tpu.memory_space<vmem>>, vector<16xi32>,
          %ge3A_180 = vector.broadcast %xor3A_133 : i32 to vector<16xi32>
          %ge3A_181 = arith.cmpi sge, %get3A_179, %ge3A_180 : vector<16xi32>
          %broadcast_in_dim3A_182 = vector.broadcast %scan3A_21 : i32 to vector<16xi32>
          %broadcast_in_dim3A_183 = vector.broadcast %scan3A_22 : i32 to vector<16xi32>
          %select_n3A_184 = arith.select %ge3A_181, %broadcast_in_dim3A_182, %broadcast_in_dim3A_183 : vector<16xi1>, vector<16xi32>
          %add3A_185 = arith.addi %add3A_173, %select_n3A_184 : vector<16xi32>
          %mul3A_186 = arith.constant 64 : i32
          %mul3A_187 = arith.muli %scan3A_148, %mul3A_186 : i32
          %add3A_188 = arith.constant 48 : i32
          %add3A_189 = arith.addi %mul3A_187, %add3A_188 : i32
          %get3A_190 = arith.index_cast %add3A_189 : i32 to index
          %get3A_191 = tpu.vector_load %arg19[%get3A_190] {strides = array<i32>} : memref<9216xi32, #tpu.memory_space<vmem>>, vector<16xi32>,
          %ge3A_192 = vector.broadcast %xor3A_133 : i32 to vector<16xi32>
          %ge3A_193 = arith.cmpi sge, %get3A_191, %ge3A_192 : vector<16xi32>
          %broadcast_in_dim3A_194 = vector.broadcast %scan3A_21 : i32 to vector<16xi32>
          %broadcast_in_dim3A_195 = vector.broadcast %scan3A_22 : i32 to vector<16xi32>
          %select_n3A_196 = arith.select %ge3A_193, %broadcast_in_dim3A_194, %broadcast_in_dim3A_195 : vector<16xi1>, vector<16xi32>
          %add3A_197 = arith.addi %add3A_185, %select_n3A_196 : vector<16xi32>
          scf.yield %add3A_197 : vector<16xi32>
        }
        %scan3A_141 = arith.constant 144 : i32
        %reduce_sum3A_142 = arith.constant true
        %reduce_sum3A_143 = vector.broadcast %reduce_sum3A_142 : i1 to vector<16xi1>
        %reduce_sum3A_144 = tpu.scan <sum>, %scan3A_140 masked %reduce_sum3A_143 : vector<16xi32>, vector<16xi1> -> vector<16xi32>
        %reduce_sum3A_145 = vector.extract %reduce_sum3A_144[15] : i32 from vector<16xi32>
        %ge3A = arith.constant 6000 : i32
        %ge3A_146 = arith.cmpi sge, %reduce_sum3A_145, %ge3A : i32
        %select_n3A_147 = arith.select %ge3A_146, %or3A, %scan3A_129 : i32
        scf.yield %select_n3A_147 : i32
      }
      %scan3A_29 = arith.constant 32 : i32
      %xor3A = arith.constant -2147483648 : i32
      %xor3A_30 = arith.xori %scan3A_28, %xor3A : i32
      %broadcast_in_dim3A_31 = arith.constant 0 : i32
      %broadcast_in_dim3A_32 = vector.broadcast %broadcast_in_dim3A_31 : i32 to vector<16xi32>
      %scan3A_33 = arith.constant 1 : i32
      %scan3A_34 = arith.constant 0 : i32
      %scan3A_35 = arith.constant 0 : i32
      %scan3A_36 = arith.constant 144 : i32
      %scan3A_37 = arith.addi %scan3A_35, %scan3A_36 : i32
      %scan3A_38 = arith.constant 1 : i32
      %scan3A_39 = scf.for %scan3A_128 = %scan3A_35 to %scan3A_37 step %scan3A_38 iter_args(%scan3A_129 = %broadcast_in_dim3A_32) -> (vector<16xi32>)  : i32 {
        %mul3A_130 = arith.constant 64 : i32
        %mul3A_131 = arith.muli %scan3A_128, %mul3A_130 : i32
        %add3A_132 = arith.constant 0 : i32
        %add3A_133 = arith.addi %mul3A_131, %add3A_132 : i32
        %get3A_134 = arith.index_cast %add3A_133 : i32 to index
        %get3A_135 = tpu.vector_load %arg19[%get3A_134] {strides = array<i32>} : memref<9216xi32, #tpu.memory_space<vmem>>, vector<16xi32>,
        %gt3A = vector.broadcast %xor3A_30 : i32 to vector<16xi32>
        %gt3A_136 = arith.cmpi sgt, %get3A_135, %gt3A : vector<16xi32>
        %broadcast_in_dim3A_137 = vector.broadcast %scan3A_33 : i32 to vector<16xi32>
        %broadcast_in_dim3A_138 = vector.broadcast %scan3A_34 : i32 to vector<16xi32>
        %select_n3A_139 = arith.select %gt3A_136, %broadcast_in_dim3A_137, %broadcast_in_dim3A_138 : vector<16xi1>, vector<16xi32>
        %add3A_140 = arith.addi %scan3A_129, %select_n3A_139 : vector<16xi32>
        %mul3A_141 = arith.constant 64 : i32
        %mul3A_142 = arith.muli %scan3A_128, %mul3A_141 : i32
        %add3A_143 = arith.constant 16 : i32
        %add3A_144 = arith.addi %mul3A_142, %add3A_143 : i32
        %get3A_145 = arith.index_cast %add3A_144 : i32 to index
        %get3A_146 = tpu.vector_load %arg19[%get3A_145] {strides = array<i32>} : memref<9216xi32, #tpu.memory_space<vmem>>, vector<16xi32>,
        %gt3A_147 = vector.broadcast %xor3A_30 : i32 to vector<16xi32>
        %gt3A_148 = arith.cmpi sgt, %get3A_146, %gt3A_147 : vector<16xi32>
        %broadcast_in_dim3A_149 = vector.broadcast %scan3A_33 : i32 to vector<16xi32>
        %broadcast_in_dim3A_150 = vector.broadcast %scan3A_34 : i32 to vector<16xi32>
        %select_n3A_151 = arith.select %gt3A_148, %broadcast_in_dim3A_149, %broadcast_in_dim3A_150 : vector<16xi1>, vector<16xi32>
        %add3A_152 = arith.addi %add3A_140, %select_n3A_151 : vector<16xi32>
        %mul3A_153 = arith.constant 64 : i32
        %mul3A_154 = arith.muli %scan3A_128, %mul3A_153 : i32
        %add3A_155 = arith.constant 32 : i32
        %add3A_156 = arith.addi %mul3A_154, %add3A_155 : i32
        %get3A_157 = arith.index_cast %add3A_156 : i32 to index
        %get3A_158 = tpu.vector_load %arg19[%get3A_157] {strides = array<i32>} : memref<9216xi32, #tpu.memory_space<vmem>>, vector<16xi32>,
        %gt3A_159 = vector.broadcast %xor3A_30 : i32 to vector<16xi32>
        %gt3A_160 = arith.cmpi sgt, %get3A_158, %gt3A_159 : vector<16xi32>
        %broadcast_in_dim3A_161 = vector.broadcast %scan3A_33 : i32 to vector<16xi32>
        %broadcast_in_dim3A_162 = vector.broadcast %scan3A_34 : i32 to vector<16xi32>
        %select_n3A_163 = arith.select %gt3A_160, %broadcast_in_dim3A_161, %broadcast_in_dim3A_162 : vector<16xi1>, vector<16xi32>
        %add3A_164 = arith.addi %add3A_152, %select_n3A_163 : vector<16xi32>
        %mul3A_165 = arith.constant 64 : i32
        %mul3A_166 = arith.muli %scan3A_128, %mul3A_165 : i32
        %add3A_167 = arith.constant 48 : i32
        %add3A_168 = arith.addi %mul3A_166, %add3A_167 : i32
        %get3A_169 = arith.index_cast %add3A_168 : i32 to index
        %get3A_170 = tpu.vector_load %arg19[%get3A_169] {strides = array<i32>} : memref<9216xi32, #tpu.memory_space<vmem>>, vector<16xi32>,
        %gt3A_171 = vector.broadcast %xor3A_30 : i32 to vector<16xi32>
        %gt3A_172 = arith.cmpi sgt, %get3A_170, %gt3A_171 : vector<16xi32>
        %broadcast_in_dim3A_173 = vector.broadcast %scan3A_33 : i32 to vector<16xi32>
        %broadcast_in_dim3A_174 = vector.broadcast %scan3A_34 : i32 to vector<16xi32>
        %select_n3A_175 = arith.select %gt3A_172, %broadcast_in_dim3A_173, %broadcast_in_dim3A_174 : vector<16xi1>, vector<16xi32>
        %add3A_176 = arith.addi %add3A_164, %select_n3A_175 : vector<16xi32>
        scf.yield %add3A_176 : vector<16xi32>
      }
      %scan3A_40 = arith.constant 144 : i32
      %reduce_sum3A = arith.constant true
      %reduce_sum3A_41 = vector.broadcast %reduce_sum3A : i1 to vector<16xi1>
      %reduce_sum3A_42 = tpu.scan <sum>, %scan3A_39 masked %reduce_sum3A_41 : vector<16xi32>, vector<16xi1> -> vector<16xi32>
      %reduce_sum3A_43 = vector.extract %reduce_sum3A_42[15] : i32 from vector<16xi32>
      %sub3A = arith.constant 6000 : i32
      %sub3A_44 = arith.subi %sub3A, %reduce_sum3A_43 : i32
      %broadcast_in_dim3A_45 = arith.constant 0 : i32
      %broadcast_in_dim3A_46 = vector.broadcast %broadcast_in_dim3A_45 : i32 to vector<16xi32>
      %broadcast_in_dim3A_47 = arith.constant -2147483648 : i32
      %broadcast_in_dim3A_48 = vector.broadcast %broadcast_in_dim3A_47 : i32 to vector<16xi32>
      %broadcast_in_dim3A_49 = arith.constant 1073741824 : i32
      %broadcast_in_dim3A_50 = vector.broadcast %broadcast_in_dim3A_49 : i32 to vector<16xi32>
      %scan3A_51 = arith.constant 1 : i32
      %scan3A_52 = arith.constant 0 : i32
      %scan3A_53 = arith.constant 0 : i32
      %scan3A_54 = arith.constant 144 : i32
      %scan3A_55 = arith.addi %scan3A_53, %scan3A_54 : i32
      %scan3A_56 = arith.constant 1 : i32
      %scan3A_57:4 = scf.for %scan3A_128 = %scan3A_53 to %scan3A_55 step %scan3A_56 iter_args(%scan3A_129 = %broadcast_in_dim3A_46, %scan3A_130 = %broadcast_in_dim3A_46, %scan3A_131 = %broadcast_in_dim3A_48, %scan3A_132 = %broadcast_in_dim3A_50) -> (vector<16xi32>, vector<16xi32>, vector<16xi32>, vector<16xi32>)  : i32 {
        %mul3A_133 = arith.constant 64 : i32
        %mul3A_134 = arith.muli %scan3A_128, %mul3A_133 : i32
        %add3A_135 = arith.constant 0 : i32
        %add3A_136 = arith.addi %mul3A_134, %add3A_135 : i32
        %get3A_137 = arith.index_cast %add3A_136 : i32 to index
        %get3A_138 = tpu.vector_load %arg19[%get3A_137] {strides = array<i32>} : memref<9216xi32, #tpu.memory_space<vmem>>, vector<16xi32>,
        %gt3A = vector.broadcast %xor3A_30 : i32 to vector<16xi32>
        %gt3A_139 = arith.cmpi sgt, %get3A_138, %gt3A : vector<16xi32>
        %eq3A_140 = vector.broadcast %xor3A_30 : i32 to vector<16xi32>
        %eq3A_141 = arith.cmpi eq, %get3A_138, %eq3A_140 : vector<16xi32>
        %broadcast_in_dim3A_142 = vector.broadcast %scan3A_51 : i32 to vector<16xi32>
        %broadcast_in_dim3A_143 = vector.broadcast %scan3A_52 : i32 to vector<16xi32>
        %select_n3A_144 = arith.select %eq3A_141, %broadcast_in_dim3A_142, %broadcast_in_dim3A_143 : vector<16xi1>, vector<16xi32>
        %broadcast_in_dim3A_145 = arith.constant true
        %broadcast_in_dim3A_146 = vector.broadcast %broadcast_in_dim3A_145 : i1 to vector<16xi1>
        %masked_cumsum3A = tpu.scan <sum>, %select_n3A_144 masked %broadcast_in_dim3A_146 : vector<16xi32>, vector<16xi1> -> vector<16xi32>
        %add3A_147 = arith.addi %scan3A_130, %masked_cumsum3A : vector<16xi32>
        %le3A = vector.broadcast %sub3A_44 : i32 to vector<16xi32>
        %le3A_148 = arith.cmpi sle, %add3A_147, %le3A : vector<16xi32>
        %and3A_149 = arith.andi %eq3A_141, %le3A_148 : vector<16xi1>
        %or3A = arith.ori %gt3A_139, %and3A_149 : vector<16xi1>
        %broadcast_in_dim3A_150 = vector.broadcast %scan3A_51 : i32 to vector<16xi32>
        %broadcast_in_dim3A_151 = vector.broadcast %scan3A_52 : i32 to vector<16xi32>
        %select_n3A_152 = arith.select %or3A, %broadcast_in_dim3A_150, %broadcast_in_dim3A_151 : vector<16xi1>, vector<16xi32>
        %broadcast_in_dim3A_153 = arith.constant true
        %broadcast_in_dim3A_154 = vector.broadcast %broadcast_in_dim3A_153 : i1 to vector<16xi1>
        %masked_cumsum3A_155 = tpu.scan <sum>, %select_n3A_152 masked %broadcast_in_dim3A_154 : vector<16xi32>, vector<16xi1> -> vector<16xi32>
        %add3A_156 = arith.addi %scan3A_129, %masked_cumsum3A_155 : vector<16xi32>
        %sub3A_157 = arith.constant 1 : i32
        %sub3A_158 = vector.broadcast %sub3A_157 : i32 to vector<16xi32>
        %sub3A_159 = arith.subi %add3A_156, %sub3A_158 : vector<16xi32>
        %get3A_160 = arith.index_cast %add3A_136 : i32 to index
        %get3A_161 = tpu.vector_load %arg14[%get3A_160] {strides = array<i32>} : memref<9216xf32, #tpu.memory_space<vmem>>, vector<16xf32>,
        tpu.vector_store_idx %arg14[%sub3A_159], %get3A_161 masked %or3A : memref<9216xf32, #tpu.memory_space<vmem>>[vector<16xi32>], vector<16xf32>, vector<16xi1>
        %get3A_162 = arith.index_cast %add3A_136 : i32 to index
        %get3A_163 = tpu.vector_load %arg15[%get3A_162] {strides = array<i32>} : memref<9216xf32, #tpu.memory_space<vmem>>, vector<16xf32>,
        tpu.vector_store_idx %arg15[%sub3A_159], %get3A_163 masked %or3A : memref<9216xf32, #tpu.memory_space<vmem>>[vector<16xi32>], vector<16xf32>, vector<16xi1>
        %get3A_164 = arith.index_cast %add3A_136 : i32 to index
        %get3A_165 = tpu.vector_load %arg16[%get3A_164] {strides = array<i32>} : memref<9216xf32, #tpu.memory_space<vmem>>, vector<16xf32>,
        tpu.vector_store_idx %arg16[%sub3A_159], %get3A_165 masked %or3A : memref<9216xf32, #tpu.memory_space<vmem>>[vector<16xi32>], vector<16xf32>, vector<16xi1>
        %get3A_166 = arith.index_cast %add3A_136 : i32 to index
        %get3A_167 = tpu.vector_load %arg17[%get3A_166] {strides = array<i32>} : memref<9216xf32, #tpu.memory_space<vmem>>, vector<16xf32>,
        tpu.vector_store_idx %arg17[%sub3A_159], %get3A_167 masked %or3A : memref<9216xf32, #tpu.memory_space<vmem>>[vector<16xi32>], vector<16xf32>, vector<16xi1>
        tpu.vector_store_idx %arg19[%sub3A_159], %get3A_138 masked %or3A : memref<9216xi32, #tpu.memory_space<vmem>>[vector<16xi32>], vector<16xi32>, vector<16xi1>
        %gt3A_168 = arith.cmpi sgt, %get3A_138, %scan3A_131 : vector<16xi32>
        %and3A_169 = arith.andi %or3A, %gt3A_168 : vector<16xi1>
        %select_n3A_170 = arith.select %and3A_169, %get3A_138, %scan3A_131 : vector<16xi1>, vector<16xi32>
        %select_n3A_171 = arith.select %and3A_169, %sub3A_159, %scan3A_132 : vector<16xi1>, vector<16xi32>
        %all_reduce_population_count3A = tpu.all_reduce %or3A {dim = 0 : i64, kind = #tpu.reduction_kind<sum>} : vector<16xi1> -> vector<16xi32>
        %add3A_172 = arith.addi %scan3A_129, %all_reduce_population_count3A : vector<16xi32>
        %all_reduce_population_count3A_173 = tpu.all_reduce %eq3A_141 {dim = 0 : i64, kind = #tpu.reduction_kind<sum>} : vector<16xi1> -> vector<16xi32>
        %add3A_174 = arith.addi %scan3A_130, %all_reduce_population_count3A_173 : vector<16xi32>
        %mul3A_175 = arith.constant 64 : i32
        %mul3A_176 = arith.muli %scan3A_128, %mul3A_175 : i32
        %add3A_177 = arith.constant 16 : i32
        %add3A_178 = arith.addi %mul3A_176, %add3A_177 : i32
        %get3A_179 = arith.index_cast %add3A_178 : i32 to index
        %get3A_180 = tpu.vector_load %arg19[%get3A_179] {strides = array<i32>} : memref<9216xi32, #tpu.memory_space<vmem>>, vector<16xi32>,
        %gt3A_181 = vector.broadcast %xor3A_30 : i32 to vector<16xi32>
        %gt3A_182 = arith.cmpi sgt, %get3A_180, %gt3A_181 : vector<16xi32>
        %eq3A_183 = vector.broadcast %xor3A_30 : i32 to vector<16xi32>
        %eq3A_184 = arith.cmpi eq, %get3A_180, %eq3A_183 : vector<16xi32>
        %broadcast_in_dim3A_185 = vector.broadcast %scan3A_51 : i32 to vector<16xi32>
        %broadcast_in_dim3A_186 = vector.broadcast %scan3A_52 : i32 to vector<16xi32>
        %select_n3A_187 = arith.select %eq3A_184, %broadcast_in_dim3A_185, %broadcast_in_dim3A_186 : vector<16xi1>, vector<16xi32>
        %broadcast_in_dim3A_188 = arith.constant true
        %broadcast_in_dim3A_189 = vector.broadcast %broadcast_in_dim3A_188 : i1 to vector<16xi1>
        %masked_cumsum3A_190 = tpu.scan <sum>, %select_n3A_187 masked %broadcast_in_dim3A_189 : vector<16xi32>, vector<16xi1> -> vector<16xi32>
        %add3A_191 = arith.addi %add3A_174, %masked_cumsum3A_190 : vector<16xi32>
        %le3A_192 = vector.broadcast %sub3A_44 : i32 to vector<16xi32>
        %le3A_193 = arith.cmpi sle, %add3A_191, %le3A_192 : vector<16xi32>
        %and3A_194 = arith.andi %eq3A_184, %le3A_193 : vector<16xi1>
        %or3A_195 = arith.ori %gt3A_182, %and3A_194 : vector<16xi1>
        %broadcast_in_dim3A_196 = vector.broadcast %scan3A_51 : i32 to vector<16xi32>
        %broadcast_in_dim3A_197 = vector.broadcast %scan3A_52 : i32 to vector<16xi32>
        %select_n3A_198 = arith.select %or3A_195, %broadcast_in_dim3A_196, %broadcast_in_dim3A_197 : vector<16xi1>, vector<16xi32>
        %broadcast_in_dim3A_199 = arith.constant true
        %broadcast_in_dim3A_200 = vector.broadcast %broadcast_in_dim3A_199 : i1 to vector<16xi1>
        %masked_cumsum3A_201 = tpu.scan <sum>, %select_n3A_198 masked %broadcast_in_dim3A_200 : vector<16xi32>, vector<16xi1> -> vector<16xi32>
        %add3A_202 = arith.addi %add3A_172, %masked_cumsum3A_201 : vector<16xi32>
        %sub3A_203 = arith.constant 1 : i32
        %sub3A_204 = vector.broadcast %sub3A_203 : i32 to vector<16xi32>
        %sub3A_205 = arith.subi %add3A_202, %sub3A_204 : vector<16xi32>
        %get3A_206 = arith.index_cast %add3A_178 : i32 to index
        %get3A_207 = tpu.vector_load %arg14[%get3A_206] {strides = array<i32>} : memref<9216xf32, #tpu.memory_space<vmem>>, vector<16xf32>,
        tpu.vector_store_idx %arg14[%sub3A_205], %get3A_207 masked %or3A_195 : memref<9216xf32, #tpu.memory_space<vmem>>[vector<16xi32>], vector<16xf32>, vector<16xi1>
        %get3A_208 = arith.index_cast %add3A_178 : i32 to index
        %get3A_209 = tpu.vector_load %arg15[%get3A_208] {strides = array<i32>} : memref<9216xf32, #tpu.memory_space<vmem>>, vector<16xf32>,
        tpu.vector_store_idx %arg15[%sub3A_205], %get3A_209 masked %or3A_195 : memref<9216xf32, #tpu.memory_space<vmem>>[vector<16xi32>], vector<16xf32>, vector<16xi1>
        %get3A_210 = arith.index_cast %add3A_178 : i32 to index
        %get3A_211 = tpu.vector_load %arg16[%get3A_210] {strides = array<i32>} : memref<9216xf32, #tpu.memory_space<vmem>>, vector<16xf32>,
        tpu.vector_store_idx %arg16[%sub3A_205], %get3A_211 masked %or3A_195 : memref<9216xf32, #tpu.memory_space<vmem>>[vector<16xi32>], vector<16xf32>, vector<16xi1>
        %get3A_212 = arith.index_cast %add3A_178 : i32 to index
        %get3A_213 = tpu.vector_load %arg17[%get3A_212] {strides = array<i32>} : memref<9216xf32, #tpu.memory_space<vmem>>, vector<16xf32>,
        tpu.vector_store_idx %arg17[%sub3A_205], %get3A_213 masked %or3A_195 : memref<9216xf32, #tpu.memory_space<vmem>>[vector<16xi32>], vector<16xf32>, vector<16xi1>
        tpu.vector_store_idx %arg19[%sub3A_205], %get3A_180 masked %or3A_195 : memref<9216xi32, #tpu.memory_space<vmem>>[vector<16xi32>], vector<16xi32>, vector<16xi1>
        %gt3A_214 = arith.cmpi sgt, %get3A_180, %select_n3A_170 : vector<16xi32>
        %and3A_215 = arith.andi %or3A_195, %gt3A_214 : vector<16xi1>
        %select_n3A_216 = arith.select %and3A_215, %get3A_180, %select_n3A_170 : vector<16xi1>, vector<16xi32>
        %select_n3A_217 = arith.select %and3A_215, %sub3A_205, %select_n3A_171 : vector<16xi1>, vector<16xi32>
        %all_reduce_population_count3A_218 = tpu.all_reduce %or3A_195 {dim = 0 : i64, kind = #tpu.reduction_kind<sum>} : vector<16xi1> -> vector<16xi32>
        %add3A_219 = arith.addi %add3A_172, %all_reduce_population_count3A_218 : vector<16xi32>
        %all_reduce_population_count3A_220 = tpu.all_reduce %eq3A_184 {dim = 0 : i64, kind = #tpu.reduction_kind<sum>} : vector<16xi1> -> vector<16xi32>
        %add3A_221 = arith.addi %add3A_174, %all_reduce_population_count3A_220 : vector<16xi32>
        %mul3A_222 = arith.constant 64 : i32
        %mul3A_223 = arith.muli %scan3A_128, %mul3A_222 : i32
        %add3A_224 = arith.constant 32 : i32
        %add3A_225 = arith.addi %mul3A_223, %add3A_224 : i32
        %get3A_226 = arith.index_cast %add3A_225 : i32 to index
        %get3A_227 = tpu.vector_load %arg19[%get3A_226] {strides = array<i32>} : memref<9216xi32, #tpu.memory_space<vmem>>, vector<16xi32>,
        %gt3A_228 = vector.broadcast %xor3A_30 : i32 to vector<16xi32>
        %gt3A_229 = arith.cmpi sgt, %get3A_227, %gt3A_228 : vector<16xi32>
        %eq3A_230 = vector.broadcast %xor3A_30 : i32 to vector<16xi32>
        %eq3A_231 = arith.cmpi eq, %get3A_227, %eq3A_230 : vector<16xi32>
        %broadcast_in_dim3A_232 = vector.broadcast %scan3A_51 : i32 to vector<16xi32>
        %broadcast_in_dim3A_233 = vector.broadcast %scan3A_52 : i32 to vector<16xi32>
        %select_n3A_234 = arith.select %eq3A_231, %broadcast_in_dim3A_232, %broadcast_in_dim3A_233 : vector<16xi1>, vector<16xi32>
        %broadcast_in_dim3A_235 = arith.constant true
        %broadcast_in_dim3A_236 = vector.broadcast %broadcast_in_dim3A_235 : i1 to vector<16xi1>
        %masked_cumsum3A_237 = tpu.scan <sum>, %select_n3A_234 masked %broadcast_in_dim3A_236 : vector<16xi32>, vector<16xi1> -> vector<16xi32>
        %add3A_238 = arith.addi %add3A_221, %masked_cumsum3A_237 : vector<16xi32>
        %le3A_239 = vector.broadcast %sub3A_44 : i32 to vector<16xi32>
        %le3A_240 = arith.cmpi sle, %add3A_238, %le3A_239 : vector<16xi32>
        %and3A_241 = arith.andi %eq3A_231, %le3A_240 : vector<16xi1>
        %or3A_242 = arith.ori %gt3A_229, %and3A_241 : vector<16xi1>
        %broadcast_in_dim3A_243 = vector.broadcast %scan3A_51 : i32 to vector<16xi32>
        %broadcast_in_dim3A_244 = vector.broadcast %scan3A_52 : i32 to vector<16xi32>
        %select_n3A_245 = arith.select %or3A_242, %broadcast_in_dim3A_243, %broadcast_in_dim3A_244 : vector<16xi1>, vector<16xi32>
        %broadcast_in_dim3A_246 = arith.constant true
        %broadcast_in_dim3A_247 = vector.broadcast %broadcast_in_dim3A_246 : i1 to vector<16xi1>
        %masked_cumsum3A_248 = tpu.scan <sum>, %select_n3A_245 masked %broadcast_in_dim3A_247 : vector<16xi32>, vector<16xi1> -> vector<16xi32>
        %add3A_249 = arith.addi %add3A_219, %masked_cumsum3A_248 : vector<16xi32>
        %sub3A_250 = arith.constant 1 : i32
        %sub3A_251 = vector.broadcast %sub3A_250 : i32 to vector<16xi32>
        %sub3A_252 = arith.subi %add3A_249, %sub3A_251 : vector<16xi32>
        %get3A_253 = arith.index_cast %add3A_225 : i32 to index
        %get3A_254 = tpu.vector_load %arg14[%get3A_253] {strides = array<i32>} : memref<9216xf32, #tpu.memory_space<vmem>>, vector<16xf32>,
        tpu.vector_store_idx %arg14[%sub3A_252], %get3A_254 masked %or3A_242 : memref<9216xf32, #tpu.memory_space<vmem>>[vector<16xi32>], vector<16xf32>, vector<16xi1>
        %get3A_255 = arith.index_cast %add3A_225 : i32 to index
        %get3A_256 = tpu.vector_load %arg15[%get3A_255] {strides = array<i32>} : memref<9216xf32, #tpu.memory_space<vmem>>, vector<16xf32>,
        tpu.vector_store_idx %arg15[%sub3A_252], %get3A_256 masked %or3A_242 : memref<9216xf32, #tpu.memory_space<vmem>>[vector<16xi32>], vector<16xf32>, vector<16xi1>
        %get3A_257 = arith.index_cast %add3A_225 : i32 to index
        %get3A_258 = tpu.vector_load %arg16[%get3A_257] {strides = array<i32>} : memref<9216xf32, #tpu.memory_space<vmem>>, vector<16xf32>,
        tpu.vector_store_idx %arg16[%sub3A_252], %get3A_258 masked %or3A_242 : memref<9216xf32, #tpu.memory_space<vmem>>[vector<16xi32>], vector<16xf32>, vector<16xi1>
        %get3A_259 = arith.index_cast %add3A_225 : i32 to index
        %get3A_260 = tpu.vector_load %arg17[%get3A_259] {strides = array<i32>} : memref<9216xf32, #tpu.memory_space<vmem>>, vector<16xf32>,
        tpu.vector_store_idx %arg17[%sub3A_252], %get3A_260 masked %or3A_242 : memref<9216xf32, #tpu.memory_space<vmem>>[vector<16xi32>], vector<16xf32>, vector<16xi1>
        tpu.vector_store_idx %arg19[%sub3A_252], %get3A_227 masked %or3A_242 : memref<9216xi32, #tpu.memory_space<vmem>>[vector<16xi32>], vector<16xi32>, vector<16xi1>
        %gt3A_261 = arith.cmpi sgt, %get3A_227, %select_n3A_216 : vector<16xi32>
        %and3A_262 = arith.andi %or3A_242, %gt3A_261 : vector<16xi1>
        %select_n3A_263 = arith.select %and3A_262, %get3A_227, %select_n3A_216 : vector<16xi1>, vector<16xi32>
        %select_n3A_264 = arith.select %and3A_262, %sub3A_252, %select_n3A_217 : vector<16xi1>, vector<16xi32>
        %all_reduce_population_count3A_265 = tpu.all_reduce %or3A_242 {dim = 0 : i64, kind = #tpu.reduction_kind<sum>} : vector<16xi1> -> vector<16xi32>
        %add3A_266 = arith.addi %add3A_219, %all_reduce_population_count3A_265 : vector<16xi32>
        %all_reduce_population_count3A_267 = tpu.all_reduce %eq3A_231 {dim = 0 : i64, kind = #tpu.reduction_kind<sum>} : vector<16xi1> -> vector<16xi32>
        %add3A_268 = arith.addi %add3A_221, %all_reduce_population_count3A_267 : vector<16xi32>
        %mul3A_269 = arith.constant 64 : i32
        %mul3A_270 = arith.muli %scan3A_128, %mul3A_269 : i32
        %add3A_271 = arith.constant 48 : i32
        %add3A_272 = arith.addi %mul3A_270, %add3A_271 : i32
        %get3A_273 = arith.index_cast %add3A_272 : i32 to index
        %get3A_274 = tpu.vector_load %arg19[%get3A_273] {strides = array<i32>} : memref<9216xi32, #tpu.memory_space<vmem>>, vector<16xi32>,
        %gt3A_275 = vector.broadcast %xor3A_30 : i32 to vector<16xi32>
        %gt3A_276 = arith.cmpi sgt, %get3A_274, %gt3A_275 : vector<16xi32>
        %eq3A_277 = vector.broadcast %xor3A_30 : i32 to vector<16xi32>
        %eq3A_278 = arith.cmpi eq, %get3A_274, %eq3A_277 : vector<16xi32>
        %broadcast_in_dim3A_279 = vector.broadcast %scan3A_51 : i32 to vector<16xi32>
        %broadcast_in_dim3A_280 = vector.broadcast %scan3A_52 : i32 to vector<16xi32>
        %select_n3A_281 = arith.select %eq3A_278, %broadcast_in_dim3A_279, %broadcast_in_dim3A_280 : vector<16xi1>, vector<16xi32>
        %broadcast_in_dim3A_282 = arith.constant true
        %broadcast_in_dim3A_283 = vector.broadcast %broadcast_in_dim3A_282 : i1 to vector<16xi1>
        %masked_cumsum3A_284 = tpu.scan <sum>, %select_n3A_281 masked %broadcast_in_dim3A_283 : vector<16xi32>, vector<16xi1> -> vector<16xi32>
        %add3A_285 = arith.addi %add3A_268, %masked_cumsum3A_284 : vector<16xi32>
        %le3A_286 = vector.broadcast %sub3A_44 : i32 to vector<16xi32>
        %le3A_287 = arith.cmpi sle, %add3A_285, %le3A_286 : vector<16xi32>
        %and3A_288 = arith.andi %eq3A_278, %le3A_287 : vector<16xi1>
        %or3A_289 = arith.ori %gt3A_276, %and3A_288 : vector<16xi1>
        %broadcast_in_dim3A_290 = vector.broadcast %scan3A_51 : i32 to vector<16xi32>
        %broadcast_in_dim3A_291 = vector.broadcast %scan3A_52 : i32 to vector<16xi32>
        %select_n3A_292 = arith.select %or3A_289, %broadcast_in_dim3A_290, %broadcast_in_dim3A_291 : vector<16xi1>, vector<16xi32>
        %broadcast_in_dim3A_293 = arith.constant true
        %broadcast_in_dim3A_294 = vector.broadcast %broadcast_in_dim3A_293 : i1 to vector<16xi1>
        %masked_cumsum3A_295 = tpu.scan <sum>, %select_n3A_292 masked %broadcast_in_dim3A_294 : vector<16xi32>, vector<16xi1> -> vector<16xi32>
        %add3A_296 = arith.addi %add3A_266, %masked_cumsum3A_295 : vector<16xi32>
        %sub3A_297 = arith.constant 1 : i32
        %sub3A_298 = vector.broadcast %sub3A_297 : i32 to vector<16xi32>
        %sub3A_299 = arith.subi %add3A_296, %sub3A_298 : vector<16xi32>
        %get3A_300 = arith.index_cast %add3A_272 : i32 to index
        %get3A_301 = tpu.vector_load %arg14[%get3A_300] {strides = array<i32>} : memref<9216xf32, #tpu.memory_space<vmem>>, vector<16xf32>,
        tpu.vector_store_idx %arg14[%sub3A_299], %get3A_301 masked %or3A_289 : memref<9216xf32, #tpu.memory_space<vmem>>[vector<16xi32>], vector<16xf32>, vector<16xi1>
        %get3A_302 = arith.index_cast %add3A_272 : i32 to index
        %get3A_303 = tpu.vector_load %arg15[%get3A_302] {strides = array<i32>} : memref<9216xf32, #tpu.memory_space<vmem>>, vector<16xf32>,
        tpu.vector_store_idx %arg15[%sub3A_299], %get3A_303 masked %or3A_289 : memref<9216xf32, #tpu.memory_space<vmem>>[vector<16xi32>], vector<16xf32>, vector<16xi1>
        %get3A_304 = arith.index_cast %add3A_272 : i32 to index
        %get3A_305 = tpu.vector_load %arg16[%get3A_304] {strides = array<i32>} : memref<9216xf32, #tpu.memory_space<vmem>>, vector<16xf32>,
        tpu.vector_store_idx %arg16[%sub3A_299], %get3A_305 masked %or3A_289 : memref<9216xf32, #tpu.memory_space<vmem>>[vector<16xi32>], vector<16xf32>, vector<16xi1>
        %get3A_306 = arith.index_cast %add3A_272 : i32 to index
        %get3A_307 = tpu.vector_load %arg17[%get3A_306] {strides = array<i32>} : memref<9216xf32, #tpu.memory_space<vmem>>, vector<16xf32>,
        tpu.vector_store_idx %arg17[%sub3A_299], %get3A_307 masked %or3A_289 : memref<9216xf32, #tpu.memory_space<vmem>>[vector<16xi32>], vector<16xf32>, vector<16xi1>
        tpu.vector_store_idx %arg19[%sub3A_299], %get3A_274 masked %or3A_289 : memref<9216xi32, #tpu.memory_space<vmem>>[vector<16xi32>], vector<16xi32>, vector<16xi1>
        %gt3A_308 = arith.cmpi sgt, %get3A_274, %select_n3A_263 : vector<16xi32>
        %and3A_309 = arith.andi %or3A_289, %gt3A_308 : vector<16xi1>
        %select_n3A_310 = arith.select %and3A_309, %get3A_274, %select_n3A_263 : vector<16xi1>, vector<16xi32>
        %select_n3A_311 = arith.select %and3A_309, %sub3A_299, %select_n3A_264 : vector<16xi1>, vector<16xi32>
        %all_reduce_population_count3A_312 = tpu.all_reduce %or3A_289 {dim = 0 : i64, kind = #tpu.reduction_kind<sum>} : vector<16xi1> -> vector<16xi32>
        %add3A_313 = arith.addi %add3A_266, %all_reduce_population_count3A_312 : vector<16xi32>
        %all_reduce_population_count3A_314 = tpu.all_reduce %eq3A_278 {dim = 0 : i64, kind = #tpu.reduction_kind<sum>} : vector<16xi1> -> vector<16xi32>
        %add3A_315 = arith.addi %add3A_268, %all_reduce_population_count3A_314 : vector<16xi32>
        scf.yield %add3A_313, %add3A_315, %select_n3A_310, %select_n3A_311 : vector<16xi32>, vector<16xi32>, vector<16xi32>, vector<16xi32>
      }
      %scan3A_58 = arith.constant 144 : i32
      %reduce_max3A = arith.constant true
      %reduce_max3A_59 = vector.broadcast %reduce_max3A : i1 to vector<16xi1>
      %reduce_max3A_60 = arith.constant -2147483648 : i32
      %reduce_max3A_61 = vector.broadcast %reduce_max3A_60 : i32 to vector<16xi32>
      %reduce_max3A_62 = arith.xori %scan3A_57#0, %reduce_max3A_61 : vector<16xi32>
      %reduce_max3A_63 = tpu.scan <max>, %reduce_max3A_62 masked %reduce_max3A_59 : vector<16xi32>, vector<16xi1> -> vector<16xi32>
      %reduce_max3A_64 = arith.xori %reduce_max3A_63, %reduce_max3A_61 : vector<16xi32>
      %reduce_max3A_65 = vector.extract %reduce_max3A_64[15] : i32 from vector<16xi32>
      %broadcast_in_dim3A_66 = arith.constant -2147483648 : i32
      %broadcast_in_dim3A_67 = vector.broadcast %broadcast_in_dim3A_66 : i32 to vector<16xi32>
      %add3A_68 = arith.constant 0 : i32
      %add3A_69 = arith.addi %reduce_max3A_65, %add3A_68 : i32
      %add3A_70 = vector.broadcast %add3A_69 : i32 to vector<16xi32>
      %add3A_71 = arith.addi %add3A_70, %iota3A : vector<16xi32>
      tpu.vector_store_idx %arg19[%add3A_71], %broadcast_in_dim3A_67 : memref<9216xi32, #tpu.memory_space<vmem>>[vector<16xi32>], vector<16xi32>,
      %add3A_72 = arith.constant 16 : i32
      %add3A_73 = arith.addi %reduce_max3A_65, %add3A_72 : i32
      %add3A_74 = vector.broadcast %add3A_73 : i32 to vector<16xi32>
      %add3A_75 = arith.addi %add3A_74, %iota3A : vector<16xi32>
      tpu.vector_store_idx %arg19[%add3A_75], %broadcast_in_dim3A_67 : memref<9216xi32, #tpu.memory_space<vmem>>[vector<16xi32>], vector<16xi32>,
      %add3A_76 = arith.constant 32 : i32
      %add3A_77 = arith.addi %reduce_max3A_65, %add3A_76 : i32
      %add3A_78 = vector.broadcast %add3A_77 : i32 to vector<16xi32>
      %add3A_79 = arith.addi %add3A_78, %iota3A : vector<16xi32>
      tpu.vector_store_idx %arg19[%add3A_79], %broadcast_in_dim3A_67 : memref<9216xi32, #tpu.memory_space<vmem>>[vector<16xi32>], vector<16xi32>,
      %add3A_80 = arith.constant 48 : i32
      %add3A_81 = arith.addi %reduce_max3A_65, %add3A_80 : i32
      %add3A_82 = vector.broadcast %add3A_81 : i32 to vector<16xi32>
      %add3A_83 = arith.addi %add3A_82, %iota3A : vector<16xi32>
      tpu.vector_store_idx %arg19[%add3A_83], %broadcast_in_dim3A_67 : memref<9216xi32, #tpu.memory_space<vmem>>[vector<16xi32>], vector<16xi32>,
      %add3A_84 = arith.constant 63 : i32
      %add3A_85 = arith.addi %reduce_max3A_65, %add3A_84 : i32
      %jit3A = arith.constant 64 : i32
      %div3A = arith.divsi %add3A_85, %jit3A : i32
      %sign3A = arith.constant 0 : i32
      %sign3A_86 = arith.cmpi sgt, %add3A_85, %sign3A : i32
      %sign3A_87 = arith.extui %sign3A_86 : i1 to i32
      %sign3A_88 = arith.constant 0 : i32
      %sign3A_89 = arith.cmpi slt, %add3A_85, %sign3A_88 : i32
      %sign3A_90 = arith.extui %sign3A_89 : i1 to i32
      %sign3A_91 = arith.subi %sign3A_87, %sign3A_90 : i32
      %sign3A_92 = arith.constant 0 : i32
      %sign3A_93 = arith.cmpi sgt, %jit3A, %sign3A_92 : i32
      %sign3A_94 = arith.extui %sign3A_93 : i1 to i32
      %sign3A_95 = arith.constant 0 : i32
      %sign3A_96 = arith.cmpi slt, %jit3A, %sign3A_95 : i32
      %sign3A_97 = arith.extui %sign3A_96 : i1 to i32
      %sign3A_98 = arith.subi %sign3A_94, %sign3A_97 : i32
      %ne3A = arith.cmpi ne, %sign3A_91, %sign3A_98 : i32
      %rem3A = arith.remsi %add3A_85, %jit3A : i32
      %ne3A_99 = arith.constant 0 : i32
      %ne3A_100 = arith.cmpi ne, %rem3A, %ne3A_99 : i32
      %and3A = arith.andi %ne3A, %ne3A_100 : i1
      %sub3A_101 = arith.constant 1 : i32
      %sub3A_102 = arith.subi %div3A, %sub3A_101 : i32
      %select_n3A = arith.select %and3A, %sub3A_102, %div3A : i32
      %mul3A_103 = arith.constant 64 : i32
      %mul3A_104 = arith.muli %select_n3A, %mul3A_103 : i32
      %reduce_max3A_105 = arith.constant true
      %reduce_max3A_106 = vector.broadcast %reduce_max3A_105 : i1 to vector<16xi1>
      %reduce_max3A_107 = arith.constant -2147483648 : i32
      %reduce_max3A_108 = vector.broadcast %reduce_max3A_107 : i32 to vector<16xi32>
      %reduce_max3A_109 = arith.xori %scan3A_57#2, %reduce_max3A_108 : vector<16xi32>
      %reduce_max3A_110 = tpu.scan <max>, %reduce_max3A_109 masked %reduce_max3A_106 : vector<16xi32>, vector<16xi1> -> vector<16xi32>
      %reduce_max3A_111 = arith.xori %reduce_max3A_110, %reduce_max3A_108 : vector<16xi32>
      %reduce_max3A_112 = vector.extract %reduce_max3A_111[15] : i32 from vector<16xi32>
      %eq3A = vector.broadcast %reduce_max3A_112 : i32 to vector<16xi32>
      %eq3A_113 = arith.cmpi eq, %scan3A_57#2, %eq3A : vector<16xi32>
      %jit3A_114 = arith.constant 1073741824 : i32
      %broadcast_in_dim3A_115 = vector.broadcast %jit3A_114 : i32 to vector<16xi32>
      %select_n3A_116 = arith.select %eq3A_113, %scan3A_57#3, %broadcast_in_dim3A_115 : vector<16xi1>, vector<16xi32>
      %reduce_min3A = arith.constant true
      %reduce_min3A_117 = vector.broadcast %reduce_min3A : i1 to vector<16xi1>
      %reduce_min3A_118 = arith.constant -2147483648 : i32
      %reduce_min3A_119 = vector.broadcast %reduce_min3A_118 : i32 to vector<16xi32>
      %reduce_min3A_120 = arith.xori %select_n3A_116, %reduce_min3A_119 : vector<16xi32>
      %reduce_min3A_121 = tpu.scan <min>, %reduce_min3A_120 masked %reduce_min3A_117 : vector<16xi32>, vector<16xi1> -> vector<16xi32>
      %reduce_min3A_122 = arith.xori %reduce_min3A_121, %reduce_min3A_119 : vector<16xi32>
      %reduce_min3A_123 = vector.extract %reduce_min3A_122[15] : i32 from vector<16xi32>
      %while3A = arith.constant 0.699999988 : f32
      %while3A_124 = arith.constant 1 : i32
      %while3A_125 = arith.constant 0 : i32
      %while3A_126 = arith.constant 0 : i32
      %while3A_127:4 = scf.while (%while3A_128 = %while3A_126, %while3A_129 = %mul3A_104, %while3A_130 = %reduce_max3A_112, %while3A_131 = %reduce_min3A_123) : (i32, i32, i32, i32) -> (i32, i32, i32, i32) {
        %lt3A_132 = arith.constant 300 : i32
        %lt3A_133 = arith.cmpi slt, %while3A_128, %lt3A_132 : i32
        %ne3A_134 = arith.constant -2147483648 : i32
        %ne3A_135 = arith.cmpi ne, %while3A_130, %ne3A_134 : i32
        %and3A_136 = arith.andi %lt3A_133, %ne3A_135 : i1
        scf.condition(%and3A_136) %while3A_128, %while3A_129, %while3A_130, %while3A_131 : i32, i32, i32, i32
      } do {
      ^bb0(%while3A_128: i32, %while3A_129: i32, %while3A_130: i32, %while3A_131: i32):
        %broadcast_in_dim3A_132 = vector.broadcast %while3A_131 : i32 to vector<16xi32>
        %gather3A = tpu.vector_load_idx %arg14[%broadcast_in_dim3A_132] : memref<9216xf32, #tpu.memory_space<vmem>>[vector<16xi32>], vector<16xf32>,
        %gather3A_133 = tpu.vector_load_idx %arg15[%broadcast_in_dim3A_132] : memref<9216xf32, #tpu.memory_space<vmem>>[vector<16xi32>], vector<16xf32>,
        %gather3A_134 = tpu.vector_load_idx %arg16[%broadcast_in_dim3A_132] : memref<9216xf32, #tpu.memory_space<vmem>>[vector<16xi32>], vector<16xf32>,
        %gather3A_135 = tpu.vector_load_idx %arg17[%broadcast_in_dim3A_132] : memref<9216xf32, #tpu.memory_space<vmem>>[vector<16xi32>], vector<16xf32>,
        %sub3A_136 = arith.subf %gather3A_134, %gather3A : vector<16xf32>
        %add3A_137 = arith.constant 1.000000e+00 : f32
        %add3A_138 = vector.broadcast %add3A_137 : f32 to vector<16xf32>
        %add3A_139 = arith.addf %sub3A_136, %add3A_138 : vector<16xf32>
        %sub3A_140 = arith.subf %gather3A_135, %gather3A_133 : vector<16xf32>
        %add3A_141 = arith.constant 1.000000e+00 : f32
        %add3A_142 = vector.broadcast %add3A_141 : f32 to vector<16xf32>
        %add3A_143 = arith.addf %sub3A_140, %add3A_142 : vector<16xf32>
        %mul3A_144 = arith.mulf %add3A_139, %add3A_143 : vector<16xf32>
        %eq3A_145 = arith.constant 0 : i32
        %eq3A_146 = vector.broadcast %eq3A_145 : i32 to vector<16xi32>
        %eq3A_147 = arith.cmpi eq, %iota3A, %eq3A_146 : vector<16xi32>
        %eq3A_148 = arith.constant 1 : i32
        %eq3A_149 = vector.broadcast %eq3A_148 : i32 to vector<16xi32>
        %eq3A_150 = arith.cmpi eq, %iota3A, %eq3A_149 : vector<16xi32>
        %eq3A_151 = arith.constant 2 : i32
        %eq3A_152 = vector.broadcast %eq3A_151 : i32 to vector<16xi32>
        %eq3A_153 = arith.cmpi eq, %iota3A, %eq3A_152 : vector<16xi32>
        %eq3A_154 = arith.constant 3 : i32
        %eq3A_155 = vector.broadcast %eq3A_154 : i32 to vector<16xi32>
        %eq3A_156 = arith.cmpi eq, %iota3A, %eq3A_155 : vector<16xi32>
        %select_n3A_157 = arith.select %eq3A_156, %gather3A_134, %gather3A_135 : vector<16xi1>, vector<16xf32>
        %select_n3A_158 = arith.select %eq3A_153, %gather3A_133, %select_n3A_157 : vector<16xi1>, vector<16xf32>
        %select_n3A_159 = arith.select %eq3A_150, %gather3A, %select_n3A_158 : vector<16xi1>, vector<16xf32>
        %broadcast_in_dim3A_160 = vector.broadcast %convert_element_type3A_7 : f32 to vector<16xf32>
        %select_n3A_161 = arith.select %eq3A_147, %broadcast_in_dim3A_160, %select_n3A_159 : vector<16xi1>, vector<16xf32>
        %mul3A_162 = arith.constant 5 : i32
        %mul3A_163 = arith.muli %while3A_128, %mul3A_162 : i32
        %add3A_164 = vector.broadcast %mul3A_163 : i32 to vector<16xi32>
        %add3A_165 = arith.addi %add3A_164, %iota3A : vector<16xi32>
        %lt3A_166 = arith.constant 5 : i32
        %lt3A_167 = vector.broadcast %lt3A_166 : i32 to vector<16xi32>
        %lt3A_168 = arith.cmpi slt, %iota3A, %lt3A_167 : vector<16xi32>
        tpu.vector_store_idx %arg20[%add3A_165], %select_n3A_161 masked %lt3A_168 : memref<1504xf32, #tpu.memory_space<vmem>>[vector<16xi32>], vector<16xf32>, vector<16xi1>
        %jit3A_169 = arith.constant 64 : i32
        %div3A_170 = arith.divsi %while3A_129, %jit3A_169 : i32
        %sign3A_171 = arith.constant 0 : i32
        %sign3A_172 = arith.cmpi sgt, %while3A_129, %sign3A_171 : i32
        %sign3A_173 = arith.extui %sign3A_172 : i1 to i32
        %sign3A_174 = arith.constant 0 : i32
        %sign3A_175 = arith.cmpi slt, %while3A_129, %sign3A_174 : i32
        %sign3A_176 = arith.extui %sign3A_175 : i1 to i32
        %sign3A_177 = arith.subi %sign3A_173, %sign3A_176 : i32
        %sign3A_178 = arith.constant 0 : i32
        %sign3A_179 = arith.cmpi sgt, %jit3A_169, %sign3A_178 : i32
        %sign3A_180 = arith.extui %sign3A_179 : i1 to i32
        %sign3A_181 = arith.constant 0 : i32
        %sign3A_182 = arith.cmpi slt, %jit3A_169, %sign3A_181 : i32
        %sign3A_183 = arith.extui %sign3A_182 : i1 to i32
        %sign3A_184 = arith.subi %sign3A_180, %sign3A_183 : i32
        %ne3A_185 = arith.cmpi ne, %sign3A_177, %sign3A_184 : i32
        %rem3A_186 = arith.remsi %while3A_129, %jit3A_169 : i32
        %ne3A_187 = arith.constant 0 : i32
        %ne3A_188 = arith.cmpi ne, %rem3A_186, %ne3A_187 : i32
        %and3A_189 = arith.andi %ne3A_185, %ne3A_188 : i1
        %sub3A_190 = arith.constant 1 : i32
        %sub3A_191 = arith.subi %div3A_170, %sub3A_190 : i32
        %select_n3A_192 = arith.select %and3A_189, %sub3A_191, %div3A_170 : i32
        %broadcast_in_dim3A_193 = arith.constant -2147483648 : i32
        %broadcast_in_dim3A_194 = vector.broadcast %broadcast_in_dim3A_193 : i32 to vector<16xi32>
        %broadcast_in_dim3A_195 = arith.constant 1073741824 : i32
        %broadcast_in_dim3A_196 = vector.broadcast %broadcast_in_dim3A_195 : i32 to vector<16xi32>
        %while3A_197 = arith.constant 0 : i32
        %while3A_198 = arith.subi %select_n3A_192, %while3A_197 : i32
        %while3A_199 = arith.addi %while3A_197, %while3A_198 : i32
        %while3A_200 = arith.constant 1 : i32
        %while3A_201 = arith.divsi %while3A_198, %while3A_200 : i32
        %while3A_202 = arith.muli %while3A_201, %while3A_200 : i32
        %while3A_203 = arith.addi %while3A_197, %while3A_202 : i32
        %while3A_204 = arith.constant 1 : i32
        %while3A_205:3 = scf.for %while3A_283 = %while3A_197 to %while3A_203 step %while3A_204 iter_args(%while3A_284 = %broadcast_in_dim3A_46, %while3A_285 = %broadcast_in_dim3A_194, %while3A_286 = %broadcast_in_dim3A_196) -> (vector<16xi32>, vector<16xi32>, vector<16xi32>)  : i32 {
          %mul3A_287 = arith.constant 64 : i32
          %mul3A_288 = arith.muli %while3A_283, %mul3A_287 : i32
          %add3A_289 = arith.constant 0 : i32
          %add3A_290 = arith.addi %mul3A_288, %add3A_289 : i32
          %get3A_291 = arith.index_cast %add3A_290 : i32 to index
          %get3A_292 = tpu.vector_load %arg14[%get3A_291] {strides = array<i32>} : memref<9216xf32, #tpu.memory_space<vmem>>, vector<16xf32>,
          %get3A_293 = arith.index_cast %add3A_290 : i32 to index
          %get3A_294 = tpu.vector_load %arg15[%get3A_293] {strides = array<i32>} : memref<9216xf32, #tpu.memory_space<vmem>>, vector<16xf32>,
          %get3A_295 = arith.index_cast %add3A_290 : i32 to index
          %get3A_296 = tpu.vector_load %arg16[%get3A_295] {strides = array<i32>} : memref<9216xf32, #tpu.memory_space<vmem>>, vector<16xf32>,
          %get3A_297 = arith.index_cast %add3A_290 : i32 to index
          %get3A_298 = tpu.vector_load %arg17[%get3A_297] {strides = array<i32>} : memref<9216xf32, #tpu.memory_space<vmem>>, vector<16xf32>,
          %get3A_299 = arith.index_cast %add3A_290 : i32 to index
          %get3A_300 = tpu.vector_load %arg19[%get3A_299] {strides = array<i32>} : memref<9216xi32, #tpu.memory_space<vmem>>, vector<16xi32>,
          %sub3A_301 = arith.subf %get3A_296, %get3A_292 : vector<16xf32>
          %add3A_302 = arith.constant 1.000000e+00 : f32
          %add3A_303 = vector.broadcast %add3A_302 : f32 to vector<16xf32>
          %add3A_304 = arith.addf %sub3A_301, %add3A_303 : vector<16xf32>
          %sub3A_305 = arith.subf %get3A_298, %get3A_294 : vector<16xf32>
          %add3A_306 = arith.constant 1.000000e+00 : f32
          %add3A_307 = vector.broadcast %add3A_306 : f32 to vector<16xf32>
          %add3A_308 = arith.addf %sub3A_305, %add3A_307 : vector<16xf32>
          %mul3A_309 = arith.mulf %add3A_304, %add3A_308 : vector<16xf32>
          %min3A = arith.minimumf %get3A_296, %gather3A_134 : vector<16xf32>
          %max3A = arith.maximumf %get3A_292, %gather3A : vector<16xf32>
          %sub3A_310 = arith.subf %min3A, %max3A : vector<16xf32>
          %add3A_311 = arith.constant 1.000000e+00 : f32
          %add3A_312 = vector.broadcast %add3A_311 : f32 to vector<16xf32>
          %add3A_313 = arith.addf %sub3A_310, %add3A_312 : vector<16xf32>
          %max3A_314 = arith.constant 0.000000e+00 : f32
          %max3A_315 = vector.broadcast %max3A_314 : f32 to vector<16xf32>
          %max3A_316 = arith.maximumf %max3A_315, %add3A_313 : vector<16xf32>
          %min3A_317 = arith.minimumf %get3A_298, %gather3A_135 : vector<16xf32>
          %max3A_318 = arith.maximumf %get3A_294, %gather3A_133 : vector<16xf32>
          %sub3A_319 = arith.subf %min3A_317, %max3A_318 : vector<16xf32>
          %add3A_320 = arith.constant 1.000000e+00 : f32
          %add3A_321 = vector.broadcast %add3A_320 : f32 to vector<16xf32>
          %add3A_322 = arith.addf %sub3A_319, %add3A_321 : vector<16xf32>
          %max3A_323 = arith.constant 0.000000e+00 : f32
          %max3A_324 = vector.broadcast %max3A_323 : f32 to vector<16xf32>
          %max3A_325 = arith.maximumf %max3A_324, %add3A_322 : vector<16xf32>
          %mul3A_326 = arith.mulf %max3A_316, %max3A_325 : vector<16xf32>
          %add3A_327 = arith.addf %mul3A_144, %mul3A_309 : vector<16xf32>
          %sub3A_328 = arith.subf %add3A_327, %mul3A_326 : vector<16xf32>
          %div3A_329 = arith.divf %mul3A_326, %sub3A_328 : vector<16xf32>
          %le3A = vector.broadcast %while3A : f32 to vector<16xf32>
          %le3A_330 = arith.cmpf ole, %div3A_329, %le3A : vector<16xf32>
          %ne3A_331 = arith.constant -2147483648 : i32
          %ne3A_332 = vector.broadcast %ne3A_331 : i32 to vector<16xi32>
          %ne3A_333 = arith.cmpi ne, %get3A_300, %ne3A_332 : vector<16xi32>
          %and3A_334 = arith.andi %le3A_330, %ne3A_333 : vector<16xi1>
          %broadcast_in_dim3A_335 = vector.broadcast %while3A_124 : i32 to vector<16xi32>
          %broadcast_in_dim3A_336 = vector.broadcast %while3A_125 : i32 to vector<16xi32>
          %select_n3A_337 = arith.select %and3A_334, %broadcast_in_dim3A_335, %broadcast_in_dim3A_336 : vector<16xi1>, vector<16xi32>
          %broadcast_in_dim3A_338 = arith.constant true
          %broadcast_in_dim3A_339 = vector.broadcast %broadcast_in_dim3A_338 : i1 to vector<16xi1>
          %masked_cumsum3A = tpu.scan <sum>, %select_n3A_337 masked %broadcast_in_dim3A_339 : vector<16xi32>, vector<16xi1> -> vector<16xi32>
          %add3A_340 = arith.addi %while3A_284, %masked_cumsum3A : vector<16xi32>
          %sub3A_341 = arith.constant 1 : i32
          %sub3A_342 = vector.broadcast %sub3A_341 : i32 to vector<16xi32>
          %sub3A_343 = arith.subi %add3A_340, %sub3A_342 : vector<16xi32>
          tpu.vector_store_idx %arg14[%sub3A_343], %get3A_292 masked %and3A_334 : memref<9216xf32, #tpu.memory_space<vmem>>[vector<16xi32>], vector<16xf32>, vector<16xi1>
          tpu.vector_store_idx %arg15[%sub3A_343], %get3A_294 masked %and3A_334 : memref<9216xf32, #tpu.memory_space<vmem>>[vector<16xi32>], vector<16xf32>, vector<16xi1>
          tpu.vector_store_idx %arg16[%sub3A_343], %get3A_296 masked %and3A_334 : memref<9216xf32, #tpu.memory_space<vmem>>[vector<16xi32>], vector<16xf32>, vector<16xi1>
          tpu.vector_store_idx %arg17[%sub3A_343], %get3A_298 masked %and3A_334 : memref<9216xf32, #tpu.memory_space<vmem>>[vector<16xi32>], vector<16xf32>, vector<16xi1>
          tpu.vector_store_idx %arg19[%sub3A_343], %get3A_300 masked %and3A_334 : memref<9216xi32, #tpu.memory_space<vmem>>[vector<16xi32>], vector<16xi32>, vector<16xi1>
          %gt3A = arith.cmpi sgt, %get3A_300, %while3A_285 : vector<16xi32>
          %and3A_344 = arith.andi %and3A_334, %gt3A : vector<16xi1>
          %select_n3A_345 = arith.select %and3A_344, %get3A_300, %while3A_285 : vector<16xi1>, vector<16xi32>
          %select_n3A_346 = arith.select %and3A_344, %sub3A_343, %while3A_286 : vector<16xi1>, vector<16xi32>
          %all_reduce_population_count3A = tpu.all_reduce %and3A_334 {dim = 0 : i64, kind = #tpu.reduction_kind<sum>} : vector<16xi1> -> vector<16xi32>
          %add3A_347 = arith.addi %while3A_284, %all_reduce_population_count3A : vector<16xi32>
          %mul3A_348 = arith.constant 64 : i32
          %mul3A_349 = arith.muli %while3A_283, %mul3A_348 : i32
          %add3A_350 = arith.constant 16 : i32
          %add3A_351 = arith.addi %mul3A_349, %add3A_350 : i32
          %get3A_352 = arith.index_cast %add3A_351 : i32 to index
          %get3A_353 = tpu.vector_load %arg14[%get3A_352] {strides = array<i32>} : memref<9216xf32, #tpu.memory_space<vmem>>, vector<16xf32>,
          %get3A_354 = arith.index_cast %add3A_351 : i32 to index
          %get3A_355 = tpu.vector_load %arg15[%get3A_354] {strides = array<i32>} : memref<9216xf32, #tpu.memory_space<vmem>>, vector<16xf32>,
          %get3A_356 = arith.index_cast %add3A_351 : i32 to index
          %get3A_357 = tpu.vector_load %arg16[%get3A_356] {strides = array<i32>} : memref<9216xf32, #tpu.memory_space<vmem>>, vector<16xf32>,
          %get3A_358 = arith.index_cast %add3A_351 : i32 to index
          %get3A_359 = tpu.vector_load %arg17[%get3A_358] {strides = array<i32>} : memref<9216xf32, #tpu.memory_space<vmem>>, vector<16xf32>,
          %get3A_360 = arith.index_cast %add3A_351 : i32 to index
          %get3A_361 = tpu.vector_load %arg19[%get3A_360] {strides = array<i32>} : memref<9216xi32, #tpu.memory_space<vmem>>, vector<16xi32>,
          %sub3A_362 = arith.subf %get3A_357, %get3A_353 : vector<16xf32>
          %add3A_363 = arith.constant 1.000000e+00 : f32
          %add3A_364 = vector.broadcast %add3A_363 : f32 to vector<16xf32>
          %add3A_365 = arith.addf %sub3A_362, %add3A_364 : vector<16xf32>
          %sub3A_366 = arith.subf %get3A_359, %get3A_355 : vector<16xf32>
          %add3A_367 = arith.constant 1.000000e+00 : f32
          %add3A_368 = vector.broadcast %add3A_367 : f32 to vector<16xf32>
          %add3A_369 = arith.addf %sub3A_366, %add3A_368 : vector<16xf32>
          %mul3A_370 = arith.mulf %add3A_365, %add3A_369 : vector<16xf32>
          %min3A_371 = arith.minimumf %get3A_357, %gather3A_134 : vector<16xf32>
          %max3A_372 = arith.maximumf %get3A_353, %gather3A : vector<16xf32>
          %sub3A_373 = arith.subf %min3A_371, %max3A_372 : vector<16xf32>
          %add3A_374 = arith.constant 1.000000e+00 : f32
          %add3A_375 = vector.broadcast %add3A_374 : f32 to vector<16xf32>
          %add3A_376 = arith.addf %sub3A_373, %add3A_375 : vector<16xf32>
          %max3A_377 = arith.constant 0.000000e+00 : f32
          %max3A_378 = vector.broadcast %max3A_377 : f32 to vector<16xf32>
          %max3A_379 = arith.maximumf %max3A_378, %add3A_376 : vector<16xf32>
          %min3A_380 = arith.minimumf %get3A_359, %gather3A_135 : vector<16xf32>
          %max3A_381 = arith.maximumf %get3A_355, %gather3A_133 : vector<16xf32>
          %sub3A_382 = arith.subf %min3A_380, %max3A_381 : vector<16xf32>
          %add3A_383 = arith.constant 1.000000e+00 : f32
          %add3A_384 = vector.broadcast %add3A_383 : f32 to vector<16xf32>
          %add3A_385 = arith.addf %sub3A_382, %add3A_384 : vector<16xf32>
          %max3A_386 = arith.constant 0.000000e+00 : f32
          %max3A_387 = vector.broadcast %max3A_386 : f32 to vector<16xf32>
          %max3A_388 = arith.maximumf %max3A_387, %add3A_385 : vector<16xf32>
          %mul3A_389 = arith.mulf %max3A_379, %max3A_388 : vector<16xf32>
          %add3A_390 = arith.addf %mul3A_144, %mul3A_370 : vector<16xf32>
          %sub3A_391 = arith.subf %add3A_390, %mul3A_389 : vector<16xf32>
          %div3A_392 = arith.divf %mul3A_389, %sub3A_391 : vector<16xf32>
          %le3A_393 = vector.broadcast %while3A : f32 to vector<16xf32>
          %le3A_394 = arith.cmpf ole, %div3A_392, %le3A_393 : vector<16xf32>
          %ne3A_395 = arith.constant -2147483648 : i32
          %ne3A_396 = vector.broadcast %ne3A_395 : i32 to vector<16xi32>
          %ne3A_397 = arith.cmpi ne, %get3A_361, %ne3A_396 : vector<16xi32>
          %and3A_398 = arith.andi %le3A_394, %ne3A_397 : vector<16xi1>
          %broadcast_in_dim3A_399 = vector.broadcast %while3A_124 : i32 to vector<16xi32>
          %broadcast_in_dim3A_400 = vector.broadcast %while3A_125 : i32 to vector<16xi32>
          %select_n3A_401 = arith.select %and3A_398, %broadcast_in_dim3A_399, %broadcast_in_dim3A_400 : vector<16xi1>, vector<16xi32>
          %broadcast_in_dim3A_402 = arith.constant true
          %broadcast_in_dim3A_403 = vector.broadcast %broadcast_in_dim3A_402 : i1 to vector<16xi1>
          %masked_cumsum3A_404 = tpu.scan <sum>, %select_n3A_401 masked %broadcast_in_dim3A_403 : vector<16xi32>, vector<16xi1> -> vector<16xi32>
          %add3A_405 = arith.addi %add3A_347, %masked_cumsum3A_404 : vector<16xi32>
          %sub3A_406 = arith.constant 1 : i32
          %sub3A_407 = vector.broadcast %sub3A_406 : i32 to vector<16xi32>
          %sub3A_408 = arith.subi %add3A_405, %sub3A_407 : vector<16xi32>
          tpu.vector_store_idx %arg14[%sub3A_408], %get3A_353 masked %and3A_398 : memref<9216xf32, #tpu.memory_space<vmem>>[vector<16xi32>], vector<16xf32>, vector<16xi1>
          tpu.vector_store_idx %arg15[%sub3A_408], %get3A_355 masked %and3A_398 : memref<9216xf32, #tpu.memory_space<vmem>>[vector<16xi32>], vector<16xf32>, vector<16xi1>
          tpu.vector_store_idx %arg16[%sub3A_408], %get3A_357 masked %and3A_398 : memref<9216xf32, #tpu.memory_space<vmem>>[vector<16xi32>], vector<16xf32>, vector<16xi1>
          tpu.vector_store_idx %arg17[%sub3A_408], %get3A_359 masked %and3A_398 : memref<9216xf32, #tpu.memory_space<vmem>>[vector<16xi32>], vector<16xf32>, vector<16xi1>
          tpu.vector_store_idx %arg19[%sub3A_408], %get3A_361 masked %and3A_398 : memref<9216xi32, #tpu.memory_space<vmem>>[vector<16xi32>], vector<16xi32>, vector<16xi1>
          %gt3A_409 = arith.cmpi sgt, %get3A_361, %select_n3A_345 : vector<16xi32>
          %and3A_410 = arith.andi %and3A_398, %gt3A_409 : vector<16xi1>
          %select_n3A_411 = arith.select %and3A_410, %get3A_361, %select_n3A_345 : vector<16xi1>, vector<16xi32>
          %select_n3A_412 = arith.select %and3A_410, %sub3A_408, %select_n3A_346 : vector<16xi1>, vector<16xi32>
          %all_reduce_population_count3A_413 = tpu.all_reduce %and3A_398 {dim = 0 : i64, kind = #tpu.reduction_kind<sum>} : vector<16xi1> -> vector<16xi32>
          %add3A_414 = arith.addi %add3A_347, %all_reduce_population_count3A_413 : vector<16xi32>
          %mul3A_415 = arith.constant 64 : i32
          %mul3A_416 = arith.muli %while3A_283, %mul3A_415 : i32
          %add3A_417 = arith.constant 32 : i32
          %add3A_418 = arith.addi %mul3A_416, %add3A_417 : i32
          %get3A_419 = arith.index_cast %add3A_418 : i32 to index
          %get3A_420 = tpu.vector_load %arg14[%get3A_419] {strides = array<i32>} : memref<9216xf32, #tpu.memory_space<vmem>>, vector<16xf32>,
          %get3A_421 = arith.index_cast %add3A_418 : i32 to index
          %get3A_422 = tpu.vector_load %arg15[%get3A_421] {strides = array<i32>} : memref<9216xf32, #tpu.memory_space<vmem>>, vector<16xf32>,
          %get3A_423 = arith.index_cast %add3A_418 : i32 to index
          %get3A_424 = tpu.vector_load %arg16[%get3A_423] {strides = array<i32>} : memref<9216xf32, #tpu.memory_space<vmem>>, vector<16xf32>,
          %get3A_425 = arith.index_cast %add3A_418 : i32 to index
          %get3A_426 = tpu.vector_load %arg17[%get3A_425] {strides = array<i32>} : memref<9216xf32, #tpu.memory_space<vmem>>, vector<16xf32>,
          %get3A_427 = arith.index_cast %add3A_418 : i32 to index
          %get3A_428 = tpu.vector_load %arg19[%get3A_427] {strides = array<i32>} : memref<9216xi32, #tpu.memory_space<vmem>>, vector<16xi32>,
          %sub3A_429 = arith.subf %get3A_424, %get3A_420 : vector<16xf32>
          %add3A_430 = arith.constant 1.000000e+00 : f32
          %add3A_431 = vector.broadcast %add3A_430 : f32 to vector<16xf32>
          %add3A_432 = arith.addf %sub3A_429, %add3A_431 : vector<16xf32>
          %sub3A_433 = arith.subf %get3A_426, %get3A_422 : vector<16xf32>
          %add3A_434 = arith.constant 1.000000e+00 : f32
          %add3A_435 = vector.broadcast %add3A_434 : f32 to vector<16xf32>
          %add3A_436 = arith.addf %sub3A_433, %add3A_435 : vector<16xf32>
          %mul3A_437 = arith.mulf %add3A_432, %add3A_436 : vector<16xf32>
          %min3A_438 = arith.minimumf %get3A_424, %gather3A_134 : vector<16xf32>
          %max3A_439 = arith.maximumf %get3A_420, %gather3A : vector<16xf32>
          %sub3A_440 = arith.subf %min3A_438, %max3A_439 : vector<16xf32>
          %add3A_441 = arith.constant 1.000000e+00 : f32
          %add3A_442 = vector.broadcast %add3A_441 : f32 to vector<16xf32>
          %add3A_443 = arith.addf %sub3A_440, %add3A_442 : vector<16xf32>
          %max3A_444 = arith.constant 0.000000e+00 : f32
          %max3A_445 = vector.broadcast %max3A_444 : f32 to vector<16xf32>
          %max3A_446 = arith.maximumf %max3A_445, %add3A_443 : vector<16xf32>
          %min3A_447 = arith.minimumf %get3A_426, %gather3A_135 : vector<16xf32>
          %max3A_448 = arith.maximumf %get3A_422, %gather3A_133 : vector<16xf32>
          %sub3A_449 = arith.subf %min3A_447, %max3A_448 : vector<16xf32>
          %add3A_450 = arith.constant 1.000000e+00 : f32
          %add3A_451 = vector.broadcast %add3A_450 : f32 to vector<16xf32>
          %add3A_452 = arith.addf %sub3A_449, %add3A_451 : vector<16xf32>
          %max3A_453 = arith.constant 0.000000e+00 : f32
          %max3A_454 = vector.broadcast %max3A_453 : f32 to vector<16xf32>
          %max3A_455 = arith.maximumf %max3A_454, %add3A_452 : vector<16xf32>
          %mul3A_456 = arith.mulf %max3A_446, %max3A_455 : vector<16xf32>
          %add3A_457 = arith.addf %mul3A_144, %mul3A_437 : vector<16xf32>
          %sub3A_458 = arith.subf %add3A_457, %mul3A_456 : vector<16xf32>
          %div3A_459 = arith.divf %mul3A_456, %sub3A_458 : vector<16xf32>
          %le3A_460 = vector.broadcast %while3A : f32 to vector<16xf32>
          %le3A_461 = arith.cmpf ole, %div3A_459, %le3A_460 : vector<16xf32>
          %ne3A_462 = arith.constant -2147483648 : i32
          %ne3A_463 = vector.broadcast %ne3A_462 : i32 to vector<16xi32>
          %ne3A_464 = arith.cmpi ne, %get3A_428, %ne3A_463 : vector<16xi32>
          %and3A_465 = arith.andi %le3A_461, %ne3A_464 : vector<16xi1>
          %broadcast_in_dim3A_466 = vector.broadcast %while3A_124 : i32 to vector<16xi32>
          %broadcast_in_dim3A_467 = vector.broadcast %while3A_125 : i32 to vector<16xi32>
          %select_n3A_468 = arith.select %and3A_465, %broadcast_in_dim3A_466, %broadcast_in_dim3A_467 : vector<16xi1>, vector<16xi32>
          %broadcast_in_dim3A_469 = arith.constant true
          %broadcast_in_dim3A_470 = vector.broadcast %broadcast_in_dim3A_469 : i1 to vector<16xi1>
          %masked_cumsum3A_471 = tpu.scan <sum>, %select_n3A_468 masked %broadcast_in_dim3A_470 : vector<16xi32>, vector<16xi1> -> vector<16xi32>
          %add3A_472 = arith.addi %add3A_414, %masked_cumsum3A_471 : vector<16xi32>
          %sub3A_473 = arith.constant 1 : i32
          %sub3A_474 = vector.broadcast %sub3A_473 : i32 to vector<16xi32>
          %sub3A_475 = arith.subi %add3A_472, %sub3A_474 : vector<16xi32>
          tpu.vector_store_idx %arg14[%sub3A_475], %get3A_420 masked %and3A_465 : memref<9216xf32, #tpu.memory_space<vmem>>[vector<16xi32>], vector<16xf32>, vector<16xi1>
          tpu.vector_store_idx %arg15[%sub3A_475], %get3A_422 masked %and3A_465 : memref<9216xf32, #tpu.memory_space<vmem>>[vector<16xi32>], vector<16xf32>, vector<16xi1>
          tpu.vector_store_idx %arg16[%sub3A_475], %get3A_424 masked %and3A_465 : memref<9216xf32, #tpu.memory_space<vmem>>[vector<16xi32>], vector<16xf32>, vector<16xi1>
          tpu.vector_store_idx %arg17[%sub3A_475], %get3A_426 masked %and3A_465 : memref<9216xf32, #tpu.memory_space<vmem>>[vector<16xi32>], vector<16xf32>, vector<16xi1>
          tpu.vector_store_idx %arg19[%sub3A_475], %get3A_428 masked %and3A_465 : memref<9216xi32, #tpu.memory_space<vmem>>[vector<16xi32>], vector<16xi32>, vector<16xi1>
          %gt3A_476 = arith.cmpi sgt, %get3A_428, %select_n3A_411 : vector<16xi32>
          %and3A_477 = arith.andi %and3A_465, %gt3A_476 : vector<16xi1>
          %select_n3A_478 = arith.select %and3A_477, %get3A_428, %select_n3A_411 : vector<16xi1>, vector<16xi32>
          %select_n3A_479 = arith.select %and3A_477, %sub3A_475, %select_n3A_412 : vector<16xi1>, vector<16xi32>
          %all_reduce_population_count3A_480 = tpu.all_reduce %and3A_465 {dim = 0 : i64, kind = #tpu.reduction_kind<sum>} : vector<16xi1> -> vector<16xi32>
          %add3A_481 = arith.addi %add3A_414, %all_reduce_population_count3A_480 : vector<16xi32>
          %mul3A_482 = arith.constant 64 : i32
          %mul3A_483 = arith.muli %while3A_283, %mul3A_482 : i32
          %add3A_484 = arith.constant 48 : i32
          %add3A_485 = arith.addi %mul3A_483, %add3A_484 : i32
          %get3A_486 = arith.index_cast %add3A_485 : i32 to index
          %get3A_487 = tpu.vector_load %arg14[%get3A_486] {strides = array<i32>} : memref<9216xf32, #tpu.memory_space<vmem>>, vector<16xf32>,
          %get3A_488 = arith.index_cast %add3A_485 : i32 to index
          %get3A_489 = tpu.vector_load %arg15[%get3A_488] {strides = array<i32>} : memref<9216xf32, #tpu.memory_space<vmem>>, vector<16xf32>,
          %get3A_490 = arith.index_cast %add3A_485 : i32 to index
          %get3A_491 = tpu.vector_load %arg16[%get3A_490] {strides = array<i32>} : memref<9216xf32, #tpu.memory_space<vmem>>, vector<16xf32>,
          %get3A_492 = arith.index_cast %add3A_485 : i32 to index
          %get3A_493 = tpu.vector_load %arg17[%get3A_492] {strides = array<i32>} : memref<9216xf32, #tpu.memory_space<vmem>>, vector<16xf32>,
          %get3A_494 = arith.index_cast %add3A_485 : i32 to index
          %get3A_495 = tpu.vector_load %arg19[%get3A_494] {strides = array<i32>} : memref<9216xi32, #tpu.memory_space<vmem>>, vector<16xi32>,
          %sub3A_496 = arith.subf %get3A_491, %get3A_487 : vector<16xf32>
          %add3A_497 = arith.constant 1.000000e+00 : f32
          %add3A_498 = vector.broadcast %add3A_497 : f32 to vector<16xf32>
          %add3A_499 = arith.addf %sub3A_496, %add3A_498 : vector<16xf32>
          %sub3A_500 = arith.subf %get3A_493, %get3A_489 : vector<16xf32>
          %add3A_501 = arith.constant 1.000000e+00 : f32
          %add3A_502 = vector.broadcast %add3A_501 : f32 to vector<16xf32>
          %add3A_503 = arith.addf %sub3A_500, %add3A_502 : vector<16xf32>
          %mul3A_504 = arith.mulf %add3A_499, %add3A_503 : vector<16xf32>
          %min3A_505 = arith.minimumf %get3A_491, %gather3A_134 : vector<16xf32>
          %max3A_506 = arith.maximumf %get3A_487, %gather3A : vector<16xf32>
          %sub3A_507 = arith.subf %min3A_505, %max3A_506 : vector<16xf32>
          %add3A_508 = arith.constant 1.000000e+00 : f32
          %add3A_509 = vector.broadcast %add3A_508 : f32 to vector<16xf32>
          %add3A_510 = arith.addf %sub3A_507, %add3A_509 : vector<16xf32>
          %max3A_511 = arith.constant 0.000000e+00 : f32
          %max3A_512 = vector.broadcast %max3A_511 : f32 to vector<16xf32>
          %max3A_513 = arith.maximumf %max3A_512, %add3A_510 : vector<16xf32>
          %min3A_514 = arith.minimumf %get3A_493, %gather3A_135 : vector<16xf32>
          %max3A_515 = arith.maximumf %get3A_489, %gather3A_133 : vector<16xf32>
          %sub3A_516 = arith.subf %min3A_514, %max3A_515 : vector<16xf32>
          %add3A_517 = arith.constant 1.000000e+00 : f32
          %add3A_518 = vector.broadcast %add3A_517 : f32 to vector<16xf32>
          %add3A_519 = arith.addf %sub3A_516, %add3A_518 : vector<16xf32>
          %max3A_520 = arith.constant 0.000000e+00 : f32
          %max3A_521 = vector.broadcast %max3A_520 : f32 to vector<16xf32>
          %max3A_522 = arith.maximumf %max3A_521, %add3A_519 : vector<16xf32>
          %mul3A_523 = arith.mulf %max3A_513, %max3A_522 : vector<16xf32>
          %add3A_524 = arith.addf %mul3A_144, %mul3A_504 : vector<16xf32>
          %sub3A_525 = arith.subf %add3A_524, %mul3A_523 : vector<16xf32>
          %div3A_526 = arith.divf %mul3A_523, %sub3A_525 : vector<16xf32>
          %le3A_527 = vector.broadcast %while3A : f32 to vector<16xf32>
          %le3A_528 = arith.cmpf ole, %div3A_526, %le3A_527 : vector<16xf32>
          %ne3A_529 = arith.constant -2147483648 : i32
          %ne3A_530 = vector.broadcast %ne3A_529 : i32 to vector<16xi32>
          %ne3A_531 = arith.cmpi ne, %get3A_495, %ne3A_530 : vector<16xi32>
          %and3A_532 = arith.andi %le3A_528, %ne3A_531 : vector<16xi1>
          %broadcast_in_dim3A_533 = vector.broadcast %while3A_124 : i32 to vector<16xi32>
          %broadcast_in_dim3A_534 = vector.broadcast %while3A_125 : i32 to vector<16xi32>
          %select_n3A_535 = arith.select %and3A_532, %broadcast_in_dim3A_533, %broadcast_in_dim3A_534 : vector<16xi1>, vector<16xi32>
          %broadcast_in_dim3A_536 = arith.constant true
          %broadcast_in_dim3A_537 = vector.broadcast %broadcast_in_dim3A_536 : i1 to vector<16xi1>
          %masked_cumsum3A_538 = tpu.scan <sum>, %select_n3A_535 masked %broadcast_in_dim3A_537 : vector<16xi32>, vector<16xi1> -> vector<16xi32>
          %add3A_539 = arith.addi %add3A_481, %masked_cumsum3A_538 : vector<16xi32>
          %sub3A_540 = arith.constant 1 : i32
          %sub3A_541 = vector.broadcast %sub3A_540 : i32 to vector<16xi32>
          %sub3A_542 = arith.subi %add3A_539, %sub3A_541 : vector<16xi32>
          tpu.vector_store_idx %arg14[%sub3A_542], %get3A_487 masked %and3A_532 : memref<9216xf32, #tpu.memory_space<vmem>>[vector<16xi32>], vector<16xf32>, vector<16xi1>
          tpu.vector_store_idx %arg15[%sub3A_542], %get3A_489 masked %and3A_532 : memref<9216xf32, #tpu.memory_space<vmem>>[vector<16xi32>], vector<16xf32>, vector<16xi1>
          tpu.vector_store_idx %arg16[%sub3A_542], %get3A_491 masked %and3A_532 : memref<9216xf32, #tpu.memory_space<vmem>>[vector<16xi32>], vector<16xf32>, vector<16xi1>
          tpu.vector_store_idx %arg17[%sub3A_542], %get3A_493 masked %and3A_532 : memref<9216xf32, #tpu.memory_space<vmem>>[vector<16xi32>], vector<16xf32>, vector<16xi1>
          tpu.vector_store_idx %arg19[%sub3A_542], %get3A_495 masked %and3A_532 : memref<9216xi32, #tpu.memory_space<vmem>>[vector<16xi32>], vector<16xi32>, vector<16xi1>
          %gt3A_543 = arith.cmpi sgt, %get3A_495, %select_n3A_478 : vector<16xi32>
          %and3A_544 = arith.andi %and3A_532, %gt3A_543 : vector<16xi1>
          %select_n3A_545 = arith.select %and3A_544, %get3A_495, %select_n3A_478 : vector<16xi1>, vector<16xi32>
          %select_n3A_546 = arith.select %and3A_544, %sub3A_542, %select_n3A_479 : vector<16xi1>, vector<16xi32>
          %all_reduce_population_count3A_547 = tpu.all_reduce %and3A_532 {dim = 0 : i64, kind = #tpu.reduction_kind<sum>} : vector<16xi1> -> vector<16xi32>
          %add3A_548 = arith.addi %add3A_481, %all_reduce_population_count3A_547 : vector<16xi32>
          scf.yield %add3A_548, %select_n3A_545, %select_n3A_546 : vector<16xi32>, vector<16xi32>, vector<16xi32>
        }
        %while3A_206 = arith.constant 1 : i32
        %while3A_207:3 = scf.for %while3A_283 = %while3A_203 to %while3A_199 step %while3A_206 iter_args(%while3A_284 = %while3A_205#0, %while3A_285 = %while3A_205#1, %while3A_286 = %while3A_205#2) -> (vector<16xi32>, vector<16xi32>, vector<16xi32>)  : i32 {
          %mul3A_287 = arith.constant 64 : i32
          %mul3A_288 = arith.muli %while3A_283, %mul3A_287 : i32
          %add3A_289 = arith.constant 0 : i32
          %add3A_290 = arith.addi %mul3A_288, %add3A_289 : i32
          %get3A_291 = arith.index_cast %add3A_290 : i32 to index
          %get3A_292 = tpu.vector_load %arg14[%get3A_291] {strides = array<i32>} : memref<9216xf32, #tpu.memory_space<vmem>>, vector<16xf32>,
          %get3A_293 = arith.index_cast %add3A_290 : i32 to index
          %get3A_294 = tpu.vector_load %arg15[%get3A_293] {strides = array<i32>} : memref<9216xf32, #tpu.memory_space<vmem>>, vector<16xf32>,
          %get3A_295 = arith.index_cast %add3A_290 : i32 to index
          %get3A_296 = tpu.vector_load %arg16[%get3A_295] {strides = array<i32>} : memref<9216xf32, #tpu.memory_space<vmem>>, vector<16xf32>,
          %get3A_297 = arith.index_cast %add3A_290 : i32 to index
          %get3A_298 = tpu.vector_load %arg17[%get3A_297] {strides = array<i32>} : memref<9216xf32, #tpu.memory_space<vmem>>, vector<16xf32>,
          %get3A_299 = arith.index_cast %add3A_290 : i32 to index
          %get3A_300 = tpu.vector_load %arg19[%get3A_299] {strides = array<i32>} : memref<9216xi32, #tpu.memory_space<vmem>>, vector<16xi32>,
          %sub3A_301 = arith.subf %get3A_296, %get3A_292 : vector<16xf32>
          %add3A_302 = arith.constant 1.000000e+00 : f32
          %add3A_303 = vector.broadcast %add3A_302 : f32 to vector<16xf32>
          %add3A_304 = arith.addf %sub3A_301, %add3A_303 : vector<16xf32>
          %sub3A_305 = arith.subf %get3A_298, %get3A_294 : vector<16xf32>
          %add3A_306 = arith.constant 1.000000e+00 : f32
          %add3A_307 = vector.broadcast %add3A_306 : f32 to vector<16xf32>
          %add3A_308 = arith.addf %sub3A_305, %add3A_307 : vector<16xf32>
          %mul3A_309 = arith.mulf %add3A_304, %add3A_308 : vector<16xf32>
          %min3A = arith.minimumf %get3A_296, %gather3A_134 : vector<16xf32>
          %max3A = arith.maximumf %get3A_292, %gather3A : vector<16xf32>
          %sub3A_310 = arith.subf %min3A, %max3A : vector<16xf32>
          %add3A_311 = arith.constant 1.000000e+00 : f32
          %add3A_312 = vector.broadcast %add3A_311 : f32 to vector<16xf32>
          %add3A_313 = arith.addf %sub3A_310, %add3A_312 : vector<16xf32>
          %max3A_314 = arith.constant 0.000000e+00 : f32
          %max3A_315 = vector.broadcast %max3A_314 : f32 to vector<16xf32>
          %max3A_316 = arith.maximumf %max3A_315, %add3A_313 : vector<16xf32>
          %min3A_317 = arith.minimumf %get3A_298, %gather3A_135 : vector<16xf32>
          %max3A_318 = arith.maximumf %get3A_294, %gather3A_133 : vector<16xf32>
          %sub3A_319 = arith.subf %min3A_317, %max3A_318 : vector<16xf32>
          %add3A_320 = arith.constant 1.000000e+00 : f32
          %add3A_321 = vector.broadcast %add3A_320 : f32 to vector<16xf32>
          %add3A_322 = arith.addf %sub3A_319, %add3A_321 : vector<16xf32>
          %max3A_323 = arith.constant 0.000000e+00 : f32
          %max3A_324 = vector.broadcast %max3A_323 : f32 to vector<16xf32>
          %max3A_325 = arith.maximumf %max3A_324, %add3A_322 : vector<16xf32>
          %mul3A_326 = arith.mulf %max3A_316, %max3A_325 : vector<16xf32>
          %add3A_327 = arith.addf %mul3A_144, %mul3A_309 : vector<16xf32>
          %sub3A_328 = arith.subf %add3A_327, %mul3A_326 : vector<16xf32>
          %div3A_329 = arith.divf %mul3A_326, %sub3A_328 : vector<16xf32>
          %le3A = vector.broadcast %while3A : f32 to vector<16xf32>
          %le3A_330 = arith.cmpf ole, %div3A_329, %le3A : vector<16xf32>
          %ne3A_331 = arith.constant -2147483648 : i32
          %ne3A_332 = vector.broadcast %ne3A_331 : i32 to vector<16xi32>
          %ne3A_333 = arith.cmpi ne, %get3A_300, %ne3A_332 : vector<16xi32>
          %and3A_334 = arith.andi %le3A_330, %ne3A_333 : vector<16xi1>
          %broadcast_in_dim3A_335 = vector.broadcast %while3A_124 : i32 to vector<16xi32>
          %broadcast_in_dim3A_336 = vector.broadcast %while3A_125 : i32 to vector<16xi32>
          %select_n3A_337 = arith.select %and3A_334, %broadcast_in_dim3A_335, %broadcast_in_dim3A_336 : vector<16xi1>, vector<16xi32>
          %broadcast_in_dim3A_338 = arith.constant true
          %broadcast_in_dim3A_339 = vector.broadcast %broadcast_in_dim3A_338 : i1 to vector<16xi1>
          %masked_cumsum3A = tpu.scan <sum>, %select_n3A_337 masked %broadcast_in_dim3A_339 : vector<16xi32>, vector<16xi1> -> vector<16xi32>
          %add3A_340 = arith.addi %while3A_284, %masked_cumsum3A : vector<16xi32>
          %sub3A_341 = arith.constant 1 : i32
          %sub3A_342 = vector.broadcast %sub3A_341 : i32 to vector<16xi32>
          %sub3A_343 = arith.subi %add3A_340, %sub3A_342 : vector<16xi32>
          tpu.vector_store_idx %arg14[%sub3A_343], %get3A_292 masked %and3A_334 : memref<9216xf32, #tpu.memory_space<vmem>>[vector<16xi32>], vector<16xf32>, vector<16xi1>
          tpu.vector_store_idx %arg15[%sub3A_343], %get3A_294 masked %and3A_334 : memref<9216xf32, #tpu.memory_space<vmem>>[vector<16xi32>], vector<16xf32>, vector<16xi1>
          tpu.vector_store_idx %arg16[%sub3A_343], %get3A_296 masked %and3A_334 : memref<9216xf32, #tpu.memory_space<vmem>>[vector<16xi32>], vector<16xf32>, vector<16xi1>
          tpu.vector_store_idx %arg17[%sub3A_343], %get3A_298 masked %and3A_334 : memref<9216xf32, #tpu.memory_space<vmem>>[vector<16xi32>], vector<16xf32>, vector<16xi1>
          tpu.vector_store_idx %arg19[%sub3A_343], %get3A_300 masked %and3A_334 : memref<9216xi32, #tpu.memory_space<vmem>>[vector<16xi32>], vector<16xi32>, vector<16xi1>
          %gt3A = arith.cmpi sgt, %get3A_300, %while3A_285 : vector<16xi32>
          %and3A_344 = arith.andi %and3A_334, %gt3A : vector<16xi1>
          %select_n3A_345 = arith.select %and3A_344, %get3A_300, %while3A_285 : vector<16xi1>, vector<16xi32>
          %select_n3A_346 = arith.select %and3A_344, %sub3A_343, %while3A_286 : vector<16xi1>, vector<16xi32>
          %all_reduce_population_count3A = tpu.all_reduce %and3A_334 {dim = 0 : i64, kind = #tpu.reduction_kind<sum>} : vector<16xi1> -> vector<16xi32>
          %add3A_347 = arith.addi %while3A_284, %all_reduce_population_count3A : vector<16xi32>
          %mul3A_348 = arith.constant 64 : i32
          %mul3A_349 = arith.muli %while3A_283, %mul3A_348 : i32
          %add3A_350 = arith.constant 16 : i32
          %add3A_351 = arith.addi %mul3A_349, %add3A_350 : i32
          %get3A_352 = arith.index_cast %add3A_351 : i32 to index
          %get3A_353 = tpu.vector_load %arg14[%get3A_352] {strides = array<i32>} : memref<9216xf32, #tpu.memory_space<vmem>>, vector<16xf32>,
          %get3A_354 = arith.index_cast %add3A_351 : i32 to index
          %get3A_355 = tpu.vector_load %arg15[%get3A_354] {strides = array<i32>} : memref<9216xf32, #tpu.memory_space<vmem>>, vector<16xf32>,
          %get3A_356 = arith.index_cast %add3A_351 : i32 to index
          %get3A_357 = tpu.vector_load %arg16[%get3A_356] {strides = array<i32>} : memref<9216xf32, #tpu.memory_space<vmem>>, vector<16xf32>,
          %get3A_358 = arith.index_cast %add3A_351 : i32 to index
          %get3A_359 = tpu.vector_load %arg17[%get3A_358] {strides = array<i32>} : memref<9216xf32, #tpu.memory_space<vmem>>, vector<16xf32>,
          %get3A_360 = arith.index_cast %add3A_351 : i32 to index
          %get3A_361 = tpu.vector_load %arg19[%get3A_360] {strides = array<i32>} : memref<9216xi32, #tpu.memory_space<vmem>>, vector<16xi32>,
          %sub3A_362 = arith.subf %get3A_357, %get3A_353 : vector<16xf32>
          %add3A_363 = arith.constant 1.000000e+00 : f32
          %add3A_364 = vector.broadcast %add3A_363 : f32 to vector<16xf32>
          %add3A_365 = arith.addf %sub3A_362, %add3A_364 : vector<16xf32>
          %sub3A_366 = arith.subf %get3A_359, %get3A_355 : vector<16xf32>
          %add3A_367 = arith.constant 1.000000e+00 : f32
          %add3A_368 = vector.broadcast %add3A_367 : f32 to vector<16xf32>
          %add3A_369 = arith.addf %sub3A_366, %add3A_368 : vector<16xf32>
          %mul3A_370 = arith.mulf %add3A_365, %add3A_369 : vector<16xf32>
          %min3A_371 = arith.minimumf %get3A_357, %gather3A_134 : vector<16xf32>
          %max3A_372 = arith.maximumf %get3A_353, %gather3A : vector<16xf32>
          %sub3A_373 = arith.subf %min3A_371, %max3A_372 : vector<16xf32>
          %add3A_374 = arith.constant 1.000000e+00 : f32
          %add3A_375 = vector.broadcast %add3A_374 : f32 to vector<16xf32>
          %add3A_376 = arith.addf %sub3A_373, %add3A_375 : vector<16xf32>
          %max3A_377 = arith.constant 0.000000e+00 : f32
          %max3A_378 = vector.broadcast %max3A_377 : f32 to vector<16xf32>
          %max3A_379 = arith.maximumf %max3A_378, %add3A_376 : vector<16xf32>
          %min3A_380 = arith.minimumf %get3A_359, %gather3A_135 : vector<16xf32>
          %max3A_381 = arith.maximumf %get3A_355, %gather3A_133 : vector<16xf32>
          %sub3A_382 = arith.subf %min3A_380, %max3A_381 : vector<16xf32>
          %add3A_383 = arith.constant 1.000000e+00 : f32
          %add3A_384 = vector.broadcast %add3A_383 : f32 to vector<16xf32>
          %add3A_385 = arith.addf %sub3A_382, %add3A_384 : vector<16xf32>
          %max3A_386 = arith.constant 0.000000e+00 : f32
          %max3A_387 = vector.broadcast %max3A_386 : f32 to vector<16xf32>
          %max3A_388 = arith.maximumf %max3A_387, %add3A_385 : vector<16xf32>
          %mul3A_389 = arith.mulf %max3A_379, %max3A_388 : vector<16xf32>
          %add3A_390 = arith.addf %mul3A_144, %mul3A_370 : vector<16xf32>
          %sub3A_391 = arith.subf %add3A_390, %mul3A_389 : vector<16xf32>
          %div3A_392 = arith.divf %mul3A_389, %sub3A_391 : vector<16xf32>
          %le3A_393 = vector.broadcast %while3A : f32 to vector<16xf32>
          %le3A_394 = arith.cmpf ole, %div3A_392, %le3A_393 : vector<16xf32>
          %ne3A_395 = arith.constant -2147483648 : i32
          %ne3A_396 = vector.broadcast %ne3A_395 : i32 to vector<16xi32>
          %ne3A_397 = arith.cmpi ne, %get3A_361, %ne3A_396 : vector<16xi32>
          %and3A_398 = arith.andi %le3A_394, %ne3A_397 : vector<16xi1>
          %broadcast_in_dim3A_399 = vector.broadcast %while3A_124 : i32 to vector<16xi32>
          %broadcast_in_dim3A_400 = vector.broadcast %while3A_125 : i32 to vector<16xi32>
          %select_n3A_401 = arith.select %and3A_398, %broadcast_in_dim3A_399, %broadcast_in_dim3A_400 : vector<16xi1>, vector<16xi32>
          %broadcast_in_dim3A_402 = arith.constant true
          %broadcast_in_dim3A_403 = vector.broadcast %broadcast_in_dim3A_402 : i1 to vector<16xi1>
          %masked_cumsum3A_404 = tpu.scan <sum>, %select_n3A_401 masked %broadcast_in_dim3A_403 : vector<16xi32>, vector<16xi1> -> vector<16xi32>
          %add3A_405 = arith.addi %add3A_347, %masked_cumsum3A_404 : vector<16xi32>
          %sub3A_406 = arith.constant 1 : i32
          %sub3A_407 = vector.broadcast %sub3A_406 : i32 to vector<16xi32>
          %sub3A_408 = arith.subi %add3A_405, %sub3A_407 : vector<16xi32>
          tpu.vector_store_idx %arg14[%sub3A_408], %get3A_353 masked %and3A_398 : memref<9216xf32, #tpu.memory_space<vmem>>[vector<16xi32>], vector<16xf32>, vector<16xi1>
          tpu.vector_store_idx %arg15[%sub3A_408], %get3A_355 masked %and3A_398 : memref<9216xf32, #tpu.memory_space<vmem>>[vector<16xi32>], vector<16xf32>, vector<16xi1>
          tpu.vector_store_idx %arg16[%sub3A_408], %get3A_357 masked %and3A_398 : memref<9216xf32, #tpu.memory_space<vmem>>[vector<16xi32>], vector<16xf32>, vector<16xi1>
          tpu.vector_store_idx %arg17[%sub3A_408], %get3A_359 masked %and3A_398 : memref<9216xf32, #tpu.memory_space<vmem>>[vector<16xi32>], vector<16xf32>, vector<16xi1>
          tpu.vector_store_idx %arg19[%sub3A_408], %get3A_361 masked %and3A_398 : memref<9216xi32, #tpu.memory_space<vmem>>[vector<16xi32>], vector<16xi32>, vector<16xi1>
          %gt3A_409 = arith.cmpi sgt, %get3A_361, %select_n3A_345 : vector<16xi32>
          %and3A_410 = arith.andi %and3A_398, %gt3A_409 : vector<16xi1>
          %select_n3A_411 = arith.select %and3A_410, %get3A_361, %select_n3A_345 : vector<16xi1>, vector<16xi32>
          %select_n3A_412 = arith.select %and3A_410, %sub3A_408, %select_n3A_346 : vector<16xi1>, vector<16xi32>
          %all_reduce_population_count3A_413 = tpu.all_reduce %and3A_398 {dim = 0 : i64, kind = #tpu.reduction_kind<sum>} : vector<16xi1> -> vector<16xi32>
          %add3A_414 = arith.addi %add3A_347, %all_reduce_population_count3A_413 : vector<16xi32>
          %mul3A_415 = arith.constant 64 : i32
          %mul3A_416 = arith.muli %while3A_283, %mul3A_415 : i32
          %add3A_417 = arith.constant 32 : i32
          %add3A_418 = arith.addi %mul3A_416, %add3A_417 : i32
          %get3A_419 = arith.index_cast %add3A_418 : i32 to index
          %get3A_420 = tpu.vector_load %arg14[%get3A_419] {strides = array<i32>} : memref<9216xf32, #tpu.memory_space<vmem>>, vector<16xf32>,
          %get3A_421 = arith.index_cast %add3A_418 : i32 to index
          %get3A_422 = tpu.vector_load %arg15[%get3A_421] {strides = array<i32>} : memref<9216xf32, #tpu.memory_space<vmem>>, vector<16xf32>,
          %get3A_423 = arith.index_cast %add3A_418 : i32 to index
          %get3A_424 = tpu.vector_load %arg16[%get3A_423] {strides = array<i32>} : memref<9216xf32, #tpu.memory_space<vmem>>, vector<16xf32>,
          %get3A_425 = arith.index_cast %add3A_418 : i32 to index
          %get3A_426 = tpu.vector_load %arg17[%get3A_425] {strides = array<i32>} : memref<9216xf32, #tpu.memory_space<vmem>>, vector<16xf32>,
          %get3A_427 = arith.index_cast %add3A_418 : i32 to index
          %get3A_428 = tpu.vector_load %arg19[%get3A_427] {strides = array<i32>} : memref<9216xi32, #tpu.memory_space<vmem>>, vector<16xi32>,
          %sub3A_429 = arith.subf %get3A_424, %get3A_420 : vector<16xf32>
          %add3A_430 = arith.constant 1.000000e+00 : f32
          %add3A_431 = vector.broadcast %add3A_430 : f32 to vector<16xf32>
          %add3A_432 = arith.addf %sub3A_429, %add3A_431 : vector<16xf32>
          %sub3A_433 = arith.subf %get3A_426, %get3A_422 : vector<16xf32>
          %add3A_434 = arith.constant 1.000000e+00 : f32
          %add3A_435 = vector.broadcast %add3A_434 : f32 to vector<16xf32>
          %add3A_436 = arith.addf %sub3A_433, %add3A_435 : vector<16xf32>
          %mul3A_437 = arith.mulf %add3A_432, %add3A_436 : vector<16xf32>
          %min3A_438 = arith.minimumf %get3A_424, %gather3A_134 : vector<16xf32>
          %max3A_439 = arith.maximumf %get3A_420, %gather3A : vector<16xf32>
          %sub3A_440 = arith.subf %min3A_438, %max3A_439 : vector<16xf32>
          %add3A_441 = arith.constant 1.000000e+00 : f32
          %add3A_442 = vector.broadcast %add3A_441 : f32 to vector<16xf32>
          %add3A_443 = arith.addf %sub3A_440, %add3A_442 : vector<16xf32>
          %max3A_444 = arith.constant 0.000000e+00 : f32
          %max3A_445 = vector.broadcast %max3A_444 : f32 to vector<16xf32>
          %max3A_446 = arith.maximumf %max3A_445, %add3A_443 : vector<16xf32>
          %min3A_447 = arith.minimumf %get3A_426, %gather3A_135 : vector<16xf32>
          %max3A_448 = arith.maximumf %get3A_422, %gather3A_133 : vector<16xf32>
          %sub3A_449 = arith.subf %min3A_447, %max3A_448 : vector<16xf32>
          %add3A_450 = arith.constant 1.000000e+00 : f32
          %add3A_451 = vector.broadcast %add3A_450 : f32 to vector<16xf32>
          %add3A_452 = arith.addf %sub3A_449, %add3A_451 : vector<16xf32>
          %max3A_453 = arith.constant 0.000000e+00 : f32
          %max3A_454 = vector.broadcast %max3A_453 : f32 to vector<16xf32>
          %max3A_455 = arith.maximumf %max3A_454, %add3A_452 : vector<16xf32>
          %mul3A_456 = arith.mulf %max3A_446, %max3A_455 : vector<16xf32>
          %add3A_457 = arith.addf %mul3A_144, %mul3A_437 : vector<16xf32>
          %sub3A_458 = arith.subf %add3A_457, %mul3A_456 : vector<16xf32>
          %div3A_459 = arith.divf %mul3A_456, %sub3A_458 : vector<16xf32>
          %le3A_460 = vector.broadcast %while3A : f32 to vector<16xf32>
          %le3A_461 = arith.cmpf ole, %div3A_459, %le3A_460 : vector<16xf32>
          %ne3A_462 = arith.constant -2147483648 : i32
          %ne3A_463 = vector.broadcast %ne3A_462 : i32 to vector<16xi32>
          %ne3A_464 = arith.cmpi ne, %get3A_428, %ne3A_463 : vector<16xi32>
          %and3A_465 = arith.andi %le3A_461, %ne3A_464 : vector<16xi1>
          %broadcast_in_dim3A_466 = vector.broadcast %while3A_124 : i32 to vector<16xi32>
          %broadcast_in_dim3A_467 = vector.broadcast %while3A_125 : i32 to vector<16xi32>
          %select_n3A_468 = arith.select %and3A_465, %broadcast_in_dim3A_466, %broadcast_in_dim3A_467 : vector<16xi1>, vector<16xi32>
          %broadcast_in_dim3A_469 = arith.constant true
          %broadcast_in_dim3A_470 = vector.broadcast %broadcast_in_dim3A_469 : i1 to vector<16xi1>
          %masked_cumsum3A_471 = tpu.scan <sum>, %select_n3A_468 masked %broadcast_in_dim3A_470 : vector<16xi32>, vector<16xi1> -> vector<16xi32>
          %add3A_472 = arith.addi %add3A_414, %masked_cumsum3A_471 : vector<16xi32>
          %sub3A_473 = arith.constant 1 : i32
          %sub3A_474 = vector.broadcast %sub3A_473 : i32 to vector<16xi32>
          %sub3A_475 = arith.subi %add3A_472, %sub3A_474 : vector<16xi32>
          tpu.vector_store_idx %arg14[%sub3A_475], %get3A_420 masked %and3A_465 : memref<9216xf32, #tpu.memory_space<vmem>>[vector<16xi32>], vector<16xf32>, vector<16xi1>
          tpu.vector_store_idx %arg15[%sub3A_475], %get3A_422 masked %and3A_465 : memref<9216xf32, #tpu.memory_space<vmem>>[vector<16xi32>], vector<16xf32>, vector<16xi1>
          tpu.vector_store_idx %arg16[%sub3A_475], %get3A_424 masked %and3A_465 : memref<9216xf32, #tpu.memory_space<vmem>>[vector<16xi32>], vector<16xf32>, vector<16xi1>
          tpu.vector_store_idx %arg17[%sub3A_475], %get3A_426 masked %and3A_465 : memref<9216xf32, #tpu.memory_space<vmem>>[vector<16xi32>], vector<16xf32>, vector<16xi1>
          tpu.vector_store_idx %arg19[%sub3A_475], %get3A_428 masked %and3A_465 : memref<9216xi32, #tpu.memory_space<vmem>>[vector<16xi32>], vector<16xi32>, vector<16xi1>
          %gt3A_476 = arith.cmpi sgt, %get3A_428, %select_n3A_411 : vector<16xi32>
          %and3A_477 = arith.andi %and3A_465, %gt3A_476 : vector<16xi1>
          %select_n3A_478 = arith.select %and3A_477, %get3A_428, %select_n3A_411 : vector<16xi1>, vector<16xi32>
          %select_n3A_479 = arith.select %and3A_477, %sub3A_475, %select_n3A_412 : vector<16xi1>, vector<16xi32>
          %all_reduce_population_count3A_480 = tpu.all_reduce %and3A_465 {dim = 0 : i64, kind = #tpu.reduction_kind<sum>} : vector<16xi1> -> vector<16xi32>
          %add3A_481 = arith.addi %add3A_414, %all_reduce_population_count3A_480 : vector<16xi32>
          %mul3A_482 = arith.constant 64 : i32
          %mul3A_483 = arith.muli %while3A_283, %mul3A_482 : i32
          %add3A_484 = arith.constant 48 : i32
          %add3A_485 = arith.addi %mul3A_483, %add3A_484 : i32
          %get3A_486 = arith.index_cast %add3A_485 : i32 to index
          %get3A_487 = tpu.vector_load %arg14[%get3A_486] {strides = array<i32>} : memref<9216xf32, #tpu.memory_space<vmem>>, vector<16xf32>,
          %get3A_488 = arith.index_cast %add3A_485 : i32 to index
          %get3A_489 = tpu.vector_load %arg15[%get3A_488] {strides = array<i32>} : memref<9216xf32, #tpu.memory_space<vmem>>, vector<16xf32>,
          %get3A_490 = arith.index_cast %add3A_485 : i32 to index
          %get3A_491 = tpu.vector_load %arg16[%get3A_490] {strides = array<i32>} : memref<9216xf32, #tpu.memory_space<vmem>>, vector<16xf32>,
          %get3A_492 = arith.index_cast %add3A_485 : i32 to index
          %get3A_493 = tpu.vector_load %arg17[%get3A_492] {strides = array<i32>} : memref<9216xf32, #tpu.memory_space<vmem>>, vector<16xf32>,
          %get3A_494 = arith.index_cast %add3A_485 : i32 to index
          %get3A_495 = tpu.vector_load %arg19[%get3A_494] {strides = array<i32>} : memref<9216xi32, #tpu.memory_space<vmem>>, vector<16xi32>,
          %sub3A_496 = arith.subf %get3A_491, %get3A_487 : vector<16xf32>
          %add3A_497 = arith.constant 1.000000e+00 : f32
          %add3A_498 = vector.broadcast %add3A_497 : f32 to vector<16xf32>
          %add3A_499 = arith.addf %sub3A_496, %add3A_498 : vector<16xf32>
          %sub3A_500 = arith.subf %get3A_493, %get3A_489 : vector<16xf32>
          %add3A_501 = arith.constant 1.000000e+00 : f32
          %add3A_502 = vector.broadcast %add3A_501 : f32 to vector<16xf32>
          %add3A_503 = arith.addf %sub3A_500, %add3A_502 : vector<16xf32>
          %mul3A_504 = arith.mulf %add3A_499, %add3A_503 : vector<16xf32>
          %min3A_505 = arith.minimumf %get3A_491, %gather3A_134 : vector<16xf32>
          %max3A_506 = arith.maximumf %get3A_487, %gather3A : vector<16xf32>
          %sub3A_507 = arith.subf %min3A_505, %max3A_506 : vector<16xf32>
          %add3A_508 = arith.constant 1.000000e+00 : f32
          %add3A_509 = vector.broadcast %add3A_508 : f32 to vector<16xf32>
          %add3A_510 = arith.addf %sub3A_507, %add3A_509 : vector<16xf32>
          %max3A_511 = arith.constant 0.000000e+00 : f32
          %max3A_512 = vector.broadcast %max3A_511 : f32 to vector<16xf32>
          %max3A_513 = arith.maximumf %max3A_512, %add3A_510 : vector<16xf32>
          %min3A_514 = arith.minimumf %get3A_493, %gather3A_135 : vector<16xf32>
          %max3A_515 = arith.maximumf %get3A_489, %gather3A_133 : vector<16xf32>
          %sub3A_516 = arith.subf %min3A_514, %max3A_515 : vector<16xf32>
          %add3A_517 = arith.constant 1.000000e+00 : f32
          %add3A_518 = vector.broadcast %add3A_517 : f32 to vector<16xf32>
          %add3A_519 = arith.addf %sub3A_516, %add3A_518 : vector<16xf32>
          %max3A_520 = arith.constant 0.000000e+00 : f32
          %max3A_521 = vector.broadcast %max3A_520 : f32 to vector<16xf32>
          %max3A_522 = arith.maximumf %max3A_521, %add3A_519 : vector<16xf32>
          %mul3A_523 = arith.mulf %max3A_513, %max3A_522 : vector<16xf32>
          %add3A_524 = arith.addf %mul3A_144, %mul3A_504 : vector<16xf32>
          %sub3A_525 = arith.subf %add3A_524, %mul3A_523 : vector<16xf32>
          %div3A_526 = arith.divf %mul3A_523, %sub3A_525 : vector<16xf32>
          %le3A_527 = vector.broadcast %while3A : f32 to vector<16xf32>
          %le3A_528 = arith.cmpf ole, %div3A_526, %le3A_527 : vector<16xf32>
          %ne3A_529 = arith.constant -2147483648 : i32
          %ne3A_530 = vector.broadcast %ne3A_529 : i32 to vector<16xi32>
          %ne3A_531 = arith.cmpi ne, %get3A_495, %ne3A_530 : vector<16xi32>
          %and3A_532 = arith.andi %le3A_528, %ne3A_531 : vector<16xi1>
          %broadcast_in_dim3A_533 = vector.broadcast %while3A_124 : i32 to vector<16xi32>
          %broadcast_in_dim3A_534 = vector.broadcast %while3A_125 : i32 to vector<16xi32>
          %select_n3A_535 = arith.select %and3A_532, %broadcast_in_dim3A_533, %broadcast_in_dim3A_534 : vector<16xi1>, vector<16xi32>
          %broadcast_in_dim3A_536 = arith.constant true
          %broadcast_in_dim3A_537 = vector.broadcast %broadcast_in_dim3A_536 : i1 to vector<16xi1>
          %masked_cumsum3A_538 = tpu.scan <sum>, %select_n3A_535 masked %broadcast_in_dim3A_537 : vector<16xi32>, vector<16xi1> -> vector<16xi32>
          %add3A_539 = arith.addi %add3A_481, %masked_cumsum3A_538 : vector<16xi32>
          %sub3A_540 = arith.constant 1 : i32
          %sub3A_541 = vector.broadcast %sub3A_540 : i32 to vector<16xi32>
          %sub3A_542 = arith.subi %add3A_539, %sub3A_541 : vector<16xi32>
          tpu.vector_store_idx %arg14[%sub3A_542], %get3A_487 masked %and3A_532 : memref<9216xf32, #tpu.memory_space<vmem>>[vector<16xi32>], vector<16xf32>, vector<16xi1>
          tpu.vector_store_idx %arg15[%sub3A_542], %get3A_489 masked %and3A_532 : memref<9216xf32, #tpu.memory_space<vmem>>[vector<16xi32>], vector<16xf32>, vector<16xi1>
          tpu.vector_store_idx %arg16[%sub3A_542], %get3A_491 masked %and3A_532 : memref<9216xf32, #tpu.memory_space<vmem>>[vector<16xi32>], vector<16xf32>, vector<16xi1>
          tpu.vector_store_idx %arg17[%sub3A_542], %get3A_493 masked %and3A_532 : memref<9216xf32, #tpu.memory_space<vmem>>[vector<16xi32>], vector<16xf32>, vector<16xi1>
          tpu.vector_store_idx %arg19[%sub3A_542], %get3A_495 masked %and3A_532 : memref<9216xi32, #tpu.memory_space<vmem>>[vector<16xi32>], vector<16xi32>, vector<16xi1>
          %gt3A_543 = arith.cmpi sgt, %get3A_495, %select_n3A_478 : vector<16xi32>
          %and3A_544 = arith.andi %and3A_532, %gt3A_543 : vector<16xi1>
          %select_n3A_545 = arith.select %and3A_544, %get3A_495, %select_n3A_478 : vector<16xi1>, vector<16xi32>
          %select_n3A_546 = arith.select %and3A_544, %sub3A_542, %select_n3A_479 : vector<16xi1>, vector<16xi32>
          %all_reduce_population_count3A_547 = tpu.all_reduce %and3A_532 {dim = 0 : i64, kind = #tpu.reduction_kind<sum>} : vector<16xi1> -> vector<16xi32>
          %add3A_548 = arith.addi %add3A_481, %all_reduce_population_count3A_547 : vector<16xi32>
          scf.yield %add3A_548, %select_n3A_545, %select_n3A_546 : vector<16xi32>, vector<16xi32>, vector<16xi32>
        }
        %reduce_max3A_208 = arith.constant true
        %reduce_max3A_209 = vector.broadcast %reduce_max3A_208 : i1 to vector<16xi1>
        %reduce_max3A_210 = arith.constant -2147483648 : i32
        %reduce_max3A_211 = vector.broadcast %reduce_max3A_210 : i32 to vector<16xi32>
        %reduce_max3A_212 = arith.xori %while3A_207#0, %reduce_max3A_211 : vector<16xi32>
        %reduce_max3A_213 = tpu.scan <max>, %reduce_max3A_212 masked %reduce_max3A_209 : vector<16xi32>, vector<16xi1> -> vector<16xi32>
        %reduce_max3A_214 = arith.xori %reduce_max3A_213, %reduce_max3A_211 : vector<16xi32>
        %reduce_max3A_215 = vector.extract %reduce_max3A_214[15] : i32 from vector<16xi32>
        %add3A_216 = arith.constant 0 : i32
        %add3A_217 = arith.addi %reduce_max3A_215, %add3A_216 : i32
        %add3A_218 = vector.broadcast %add3A_217 : i32 to vector<16xi32>
        %add3A_219 = arith.addi %add3A_218, %iota3A : vector<16xi32>
        tpu.vector_store_idx %arg19[%add3A_219], %broadcast_in_dim3A_67 : memref<9216xi32, #tpu.memory_space<vmem>>[vector<16xi32>], vector<16xi32>,
        %add3A_220 = arith.constant 16 : i32
        %add3A_221 = arith.addi %reduce_max3A_215, %add3A_220 : i32
        %add3A_222 = vector.broadcast %add3A_221 : i32 to vector<16xi32>
        %add3A_223 = arith.addi %add3A_222, %iota3A : vector<16xi32>
        tpu.vector_store_idx %arg19[%add3A_223], %broadcast_in_dim3A_67 : memref<9216xi32, #tpu.memory_space<vmem>>[vector<16xi32>], vector<16xi32>,
        %add3A_224 = arith.constant 32 : i32
        %add3A_225 = arith.addi %reduce_max3A_215, %add3A_224 : i32
        %add3A_226 = vector.broadcast %add3A_225 : i32 to vector<16xi32>
        %add3A_227 = arith.addi %add3A_226, %iota3A : vector<16xi32>
        tpu.vector_store_idx %arg19[%add3A_227], %broadcast_in_dim3A_67 : memref<9216xi32, #tpu.memory_space<vmem>>[vector<16xi32>], vector<16xi32>,
        %add3A_228 = arith.constant 48 : i32
        %add3A_229 = arith.addi %reduce_max3A_215, %add3A_228 : i32
        %add3A_230 = vector.broadcast %add3A_229 : i32 to vector<16xi32>
        %add3A_231 = arith.addi %add3A_230, %iota3A : vector<16xi32>
        tpu.vector_store_idx %arg19[%add3A_231], %broadcast_in_dim3A_67 : memref<9216xi32, #tpu.memory_space<vmem>>[vector<16xi32>], vector<16xi32>,
        %add3A_232 = arith.constant 63 : i32
        %add3A_233 = arith.addi %reduce_max3A_215, %add3A_232 : i32
        %jit3A_234 = arith.constant 64 : i32
        %div3A_235 = arith.divsi %add3A_233, %jit3A_234 : i32
        %sign3A_236 = arith.constant 0 : i32
        %sign3A_237 = arith.cmpi sgt, %add3A_233, %sign3A_236 : i32
        %sign3A_238 = arith.extui %sign3A_237 : i1 to i32
        %sign3A_239 = arith.constant 0 : i32
        %sign3A_240 = arith.cmpi slt, %add3A_233, %sign3A_239 : i32
        %sign3A_241 = arith.extui %sign3A_240 : i1 to i32
        %sign3A_242 = arith.subi %sign3A_238, %sign3A_241 : i32
        %sign3A_243 = arith.constant 0 : i32
        %sign3A_244 = arith.cmpi sgt, %jit3A_234, %sign3A_243 : i32
        %sign3A_245 = arith.extui %sign3A_244 : i1 to i32
        %sign3A_246 = arith.constant 0 : i32
        %sign3A_247 = arith.cmpi slt, %jit3A_234, %sign3A_246 : i32
        %sign3A_248 = arith.extui %sign3A_247 : i1 to i32
        %sign3A_249 = arith.subi %sign3A_245, %sign3A_248 : i32
        %ne3A_250 = arith.cmpi ne, %sign3A_242, %sign3A_249 : i32
        %rem3A_251 = arith.remsi %add3A_233, %jit3A_234 : i32
        %ne3A_252 = arith.constant 0 : i32
        %ne3A_253 = arith.cmpi ne, %rem3A_251, %ne3A_252 : i32
        %and3A_254 = arith.andi %ne3A_250, %ne3A_253 : i1
        %sub3A_255 = arith.constant 1 : i32
        %sub3A_256 = arith.subi %div3A_235, %sub3A_255 : i32
        %select_n3A_257 = arith.select %and3A_254, %sub3A_256, %div3A_235 : i32
        %mul3A_258 = arith.constant 64 : i32
        %mul3A_259 = arith.muli %select_n3A_257, %mul3A_258 : i32
        %reduce_max3A_260 = arith.constant true
        %reduce_max3A_261 = vector.broadcast %reduce_max3A_260 : i1 to vector<16xi1>
        %reduce_max3A_262 = arith.constant -2147483648 : i32
        %reduce_max3A_263 = vector.broadcast %reduce_max3A_262 : i32 to vector<16xi32>
        %reduce_max3A_264 = arith.xori %while3A_207#1, %reduce_max3A_263 : vector<16xi32>
        %reduce_max3A_265 = tpu.scan <max>, %reduce_max3A_264 masked %reduce_max3A_261 : vector<16xi32>, vector<16xi1> -> vector<16xi32>
        %reduce_max3A_266 = arith.xori %reduce_max3A_265, %reduce_max3A_263 : vector<16xi32>
        %reduce_max3A_267 = vector.extract %reduce_max3A_266[15] : i32 from vector<16xi32>
        %eq3A_268 = vector.broadcast %reduce_max3A_267 : i32 to vector<16xi32>
        %eq3A_269 = arith.cmpi eq, %while3A_207#1, %eq3A_268 : vector<16xi32>
        %jit3A_270 = arith.constant 1073741824 : i32
        %broadcast_in_dim3A_271 = vector.broadcast %jit3A_270 : i32 to vector<16xi32>
        %select_n3A_272 = arith.select %eq3A_269, %while3A_207#2, %broadcast_in_dim3A_271 : vector<16xi1>, vector<16xi32>
        %reduce_min3A_273 = arith.constant true
        %reduce_min3A_274 = vector.broadcast %reduce_min3A_273 : i1 to vector<16xi1>
        %reduce_min3A_275 = arith.constant -2147483648 : i32
        %reduce_min3A_276 = vector.broadcast %reduce_min3A_275 : i32 to vector<16xi32>
        %reduce_min3A_277 = arith.xori %select_n3A_272, %reduce_min3A_276 : vector<16xi32>
        %reduce_min3A_278 = tpu.scan <min>, %reduce_min3A_277 masked %reduce_min3A_274 : vector<16xi32>, vector<16xi1> -> vector<16xi32>
        %reduce_min3A_279 = arith.xori %reduce_min3A_278, %reduce_min3A_276 : vector<16xi32>
        %reduce_min3A_280 = vector.extract %reduce_min3A_279[15] : i32 from vector<16xi32>
        %add3A_281 = arith.constant 1 : i32
        %add3A_282 = arith.addi %while3A_128, %add3A_281 : i32
        scf.yield %add3A_282, %mul3A_259, %reduce_max3A_267, %reduce_min3A_280 : i32, i32, i32, i32
      }
      "tpu.region"() ({
        %run_scoped3A = tpu.sem_alloc : memref<!tpu.dma_semaphore, #tpu.memory_space<semaphore_mem>>
        %dma_start3A = arith.constant 0 : i32
        %dma_start3A_128 = tpu.memref_slice %arg13[%add3A, %dma_start3A] : memref<4x1504xf32, #tpu.memory_space<hbm>> -> memref<1x1504xf32, #tpu.memory_space<hbm>>
        %dma_start3A_129 = tpu.memref_squeeze %dma_start3A_128 : memref<1x1504xf32, #tpu.memory_space<hbm>> -> memref<1504xf32, #tpu.memory_space<hbm>>
        %dma_start3A_130 = arith.constant 0 : i32
        %dma_start3A_131 = tpu.memref_slice %arg13[%add3A, %dma_start3A_130] : memref<4x1504xf32, #tpu.memory_space<hbm>> -> memref<1x1504xf32, #tpu.memory_space<hbm>>
        %dma_start3A_132 = tpu.memref_squeeze %dma_start3A_131 : memref<1x1504xf32, #tpu.memory_space<hbm>> -> memref<1504xf32, #tpu.memory_space<hbm>>
        tpu.enqueue_dma source(%arg20 : memref<1504xf32, #tpu.memory_space<vmem>>) target(%dma_start3A_132 : memref<1504xf32, #tpu.memory_space<hbm>>) target_semaphore(%run_scoped3A : memref<!tpu.dma_semaphore, #tpu.memory_space<semaphore_mem>>)
        %dma_wait3A = arith.constant 0 : i32
        %dma_wait3A_133 = tpu.memref_slice %arg13[%add3A, %dma_wait3A] : memref<4x1504xf32, #tpu.memory_space<hbm>> -> memref<1x1504xf32, #tpu.memory_space<hbm>>
        %dma_wait3A_134 = tpu.memref_squeeze %dma_wait3A_133 : memref<1x1504xf32, #tpu.memory_space<hbm>> -> memref<1504xf32, #tpu.memory_space<hbm>>
        %dma_wait3A_135 = arith.constant 0 : i32
        %dma_wait3A_136 = tpu.memref_slice %arg13[%add3A, %dma_wait3A_135] : memref<4x1504xf32, #tpu.memory_space<hbm>> -> memref<1x1504xf32, #tpu.memory_space<hbm>>
        %dma_wait3A_137 = tpu.memref_squeeze %dma_wait3A_136 : memref<1x1504xf32, #tpu.memory_space<hbm>> -> memref<1504xf32, #tpu.memory_space<hbm>>
        tpu.wait_dma2 semaphore(%run_scoped3A : memref<!tpu.dma_semaphore, #tpu.memory_space<semaphore_mem>>) src(%arg20 : memref<1504xf32, #tpu.memory_space<vmem>>) dst(%dma_wait3A_137 : memref<1504xf32, #tpu.memory_space<hbm>>)
        tpu.yield
      }) : () -> ()
    } else {
    }
    return
  }
}

</mosaic_0001>

<sc_bundles>
// kernel: rpn_proposal_sc.3.cloned.1.call-start
scs
__scs_entry_jumppad:
0x0: {  	(pc) =	sbr.rel $0x88, $3  }
0x1: {  	(tag) =	ssettag $0x0;
	lr =	simm.s32 $0x1  }
0x2: {  	[smem:$0x3F9E] =	sst lr;
	_ =	strace $0xD0000000  }
0x3: {  	_ = 	snop  }
0x4: {  	_ = 	snop  }
0x5: {  	_ = 	snop  }
0x6: {  	_ = 	snop  }
0x7: {  	_ = 	snop  }
__scs_overlays_trampoline_lowered:
0x8: {  	[smem:$0x3FAD] =	sst s0  }
0x9: {  	[smem:$0x3FAE] =	sst s1  }
0xa: {  	[smem:$0x3FAF] =	sst s2  }
0xb: {  	[smem:$0x3FB0] =	sst s3  }
0xc: {  	[smem:$0x3FB1] =	sst s4  }
0xd: {  	[smem:$0x3FB2] =	sst s5  }
0xe: {  	[smem:$0x3FB3] =	sst s6  }
0xf: {  	[smem:$0x3FB4] =	sst s7  }
0x10: {  	[smem:$0x3FB5] =	sst s8  }
0x11: {  	[smem:$0x3FB6] =	sst s9;
	s0 =	simm.s32 @!p0 $0x0  }
0x12: {  	s1 =	sld [smem:$0x3F9C];
	s0 =	simm.s32 @p0 $0x1  }
0x13: {  	[smem:$0x3FB7] =	sst s0;
	s0 =	simm.s32 @!p1 $0x0  }
0x14: {  	s2 =	sld [smem:$0x3F9B];
	s0 =	simm.s32 @p1 $0x1  }
0x15: {  	[smem:$0x3FB8] =	sst s0;
	s0 =	simm.s32 @!p2 $0x0  }
0x16: {  	s3 =	sld [smem:$0x3FDB];
	s0 =	simm.s32 @p2 $0x1  }
0x17: {  	s4 =	simm.s32 $0x1BF5;
	[smem:$0x3FBA] =	sst s0  }
0x18: {  	s0 =	sld [smem:$0x3F9D];
	_ =	swait.ge [sflag:s4], $0x0  }
0x19: {  	s7 =	sld [smem:$0x3F9E]  }
0x1a: {  	s8 =	sadd.s32 $0xFFFFE003, lr  }
0x1b: {  	s9 =	sadd.s32 $0xFFFFFEF7, lr;
	s5 =	simm.s32 $0xFFFFFFFF;
	p2 =	slt.u32 s8, $0xFFFFF086  }
0x1c: {  	p1 =	slt.u32 s9, $0xF7A;
	s5 =	simm.s32 @!p2 $0x0  }
0x1d: {  	s5 =	simm.s32 @p1 $0x1;
	p0 =	seq.s32 s7, s2  }
0x1e: {  	s7 =	smul.u32 @!p0 $0xF7A, s2;
	p2 =	seq.s32 @!p0 s5, $0x0  }
0x1f: {  	s9 =	smul.u32 $0xF7A, s1;
	s8 =	simm.s32 @!p0 $0x1BF5;
	p2 =	por !p2, p0  }
0x20: {  	[sflag:s8] =	ssyncset.s32 @!p0 $0xFFFFF086;
	s6 =	sadd.s32 @!p0 s3, s7;
	s7 =	simm.s32 @!p0 $0x108  }
0x21: {  	s3 =	sadd.s32 s3, s9;
	s6 =	sadd.s32 @!p0 $0x88, s6;
	s7 =	simm.s32 @p2 $0x1082  }
0x22: {  	[simem:s7], [sflag:s8] =	dma.local @!p0 [hbm:s6], $0xF7A  }
0x23: {  	s9 =	sor.u32 $0xD0000000, s2;
	s6 =	simm.s32 $0x108;
	_ =	swait.ge @!p0 [sflag:s8], $0x0  }
0x24: {  	s3 =	sadd.s32 $0x88, s3;
	s6 =	simm.s32 @!p1 $0x1082;
	[sflag:s4] =	ssyncset.s32 $0xFFFFF086  }
0x25: {  	[simem:s6], [sflag:s4] =	dma.local [hbm:s3], $0xF7A  }
0x26: {  	[smem:$0x3F9E] =	sst s1;
	(tag) =	ssettag s2;
	_ =	strace s9  }
0x27: {  	s1 =	sld [smem:$0x3FAE]  }
0x28: {  	s2 =	sld [smem:$0x3FAF]  }
0x29: {  	s4 =	sld [smem:$0x3FB1]  }
0x2a: {  	p0 =	seq.s32 s5, $0x0;
	s5 =	sld [smem:$0x3FB2]  }
0x2b: {  	s6 =	sld [smem:$0x3FB3]  }
0x2c: {  	s7 =	sld [smem:$0x3FB4]  }
0x2d: {  	s3 =	simm.s32 $0x108;
	s8 =	sld [smem:$0x3FB5]  }
0x2e: {  	s3 =	simm.s32 @!p0 $0x1082;
	s9 =	sld [smem:$0x3FB6]  }
0x2f: {  	lr =	sadd.s32 s0, s3;
	s0 =	sld [smem:$0x3FAD]  }
0x30: {  	s3 =	sld [smem:$0x3FB0]  }
0x31: {  	[smem:$0x3FB9] =	sst s10  }
0x32: {  	s10 =	sld [smem:$0x3FB7];
	_ =	sdelay $0x3  }
0x33: {  	p0 =	seq.s32 s10, $0x1;
	s10 =	sld [smem:$0x3FB9];
	_ =	sdelay $0x3  }
0x34: {  	[smem:$0x3FB9] =	sst s10  }
0x35: {  	s10 =	sld [smem:$0x3FB8];
	_ =	sdelay $0x3  }
0x36: {  	p1 =	seq.s32 s10, $0x1;
	s10 =	sld [smem:$0x3FB9];
	_ =	sdelay $0x3  }
0x37: {  	[smem:$0x3FB9] =	sst s10  }
0x38: {  	s10 =	sld [smem:$0x3FBA]  }
0x39: {  	_ = 	snop;
	(pc) =	sbr.ind lr, $3  }
0x3a: {  	_ = 	snop  }
0x3b: {  	_ = 	snop  }
0x3c: {  	p2 =	seq.s32 s10, $0x1;
	s10 =	sld [smem:$0x3FB9]  }
0x3d: {  	_ =	shalt  }
0x3e: {  	_ =	shalt  }
0x3f: {  	_ =	shalt  }
0x40: {  	_ =	shalt  }
0x41: {  	_ =	shalt  }
0x42: {  	_ =	shalt  }
0x43: {  	_ =	shalt  }
0x44: {  	_ =	shalt  }
0x45: {  	_ =	shalt  }
0x46: {  	_ =	shalt  }
0x47: {  	_ =	shalt  }
0x48: {  	_ =	shalt  }
0x49: {  	_ =	shalt  }
0x4a: {  	_ =	shalt  }
0x4b: {  	_ =	shalt  }
0x4c: {  	_ =	shalt  }
0x4d: {  	_ =	shalt  }
0x4e: {  	_ =	shalt  }
0x4f: {  	_ =	shalt  }
0x50: {  	_ =	shalt  }
0x51: {  	_ =	shalt  }
0x52: {  	_ =	shalt  }
0x53: {  	_ =	shalt  }
0x54: {  	_ =	shalt  }
0x55: {  	_ =	shalt  }
0x56: {  	_ =	shalt  }
0x57: {  	_ =	shalt  }
0x58: {  	_ =	shalt  }
0x59: {  	_ =	shalt  }
0x5a: {  	_ =	shalt  }
0x5b: {  	_ =	shalt  }
0x5c: {  	_ =	shalt  }
0x5d: {  	_ =	shalt  }
0x5e: {  	_ =	shalt  }
0x5f: {  	_ =	shalt  }
0x60: {  	_ =	shalt  }
0x61: {  	_ =	shalt  }
0x62: {  	_ =	shalt  }
0x63: {  	_ =	shalt  }
0x64: {  	_ =	shalt  }
0x65: {  	_ =	shalt  }
0x66: {  	_ =	shalt  }
0x67: {  	_ =	shalt  }
0x68: {  	_ =	shalt  }
0x69: {  	_ =	shalt  }
0x6a: {  	_ =	shalt  }
0x6b: {  	_ =	shalt  }
0x6c: {  	_ =	shalt  }
0x6d: {  	_ =	shalt  }
0x6e: {  	_ =	shalt  }
0x6f: {  	_ =	shalt  }
0x70: {  	_ =	shalt  }
0x71: {  	_ =	shalt  }
0x72: {  	_ =	shalt  }
0x73: {  	_ =	shalt  }
0x74: {  	_ =	shalt  }
0x75: {  	_ =	shalt  }
0x76: {  	_ =	shalt  }
0x77: {  	_ =	shalt  }
0x78: {  	_ =	shalt  }
0x79: {  	_ =	shalt  }
0x7a: {  	_ =	shalt  }
0x7b: {  	_ =	shalt  }
0x7c: {  	_ =	shalt  }
0x7d: {  	_ =	shalt  }
0x7e: {  	_ =	shalt  }
0x7f: {  	_ =	shalt  }
0x80: {  	_ =	shalt  }
0x81: {  	_ =	shalt  }
0x82: {  	_ =	shalt  }
0x83: {  	_ =	shalt  }
0x84: {  	_ =	shalt  }
0x85: {  	_ =	shalt  }
0x86: {  	_ =	shalt  }
0x87: {  	_ =	shalt  }
.Lfunc_end0:
.L_simem_size_0:
called_computation_lowered:
.L_overlay_start_0:
0x88: {  	s2 =	sld [smem:$0x3FD9]  }
0x89: {  	s3 =	sld [smem:$0x3FFE];
	_ =	sdelay $0x1  }
0x8a: {  	s1 =	srdreg.scid  }
0x8b: {  	s0 =	sand.u32 $0x1, s1  }
0x8c: {  	s17 =	sshll.u32 s0, $0xA;
	s2 =	sadd.s32 s3, s2  }
0x8d: {  	s2 =	sadd.s32 s2, s17  }
0x8e: {  	[smem:$0x3FC5] =	sst s2  }
0x8f: {  	_ = 	snop  }
0x90: {  	s2 =	sld [smem:$0x3FD0];
	(tm) =	ssettm $0x1  }
0x91: {  	s18 =	sld [smem:$0x3FFB];
	_ =	sdelay $0x3  }
0x92: {  	_ =	strace s18  }
0x93: {  	s3 =	sld [smem:$0x3FFC];
	_ =	sdelay $0x3  }
0x94: {  	_ =	strace s3  }
0x95: {  	s3 =	sld [smem:$0x3FFD];
	_ =	sdelay $0x3  }
0x96: {  	_ =	strace s3  }
0x97: {  	_ =	strace $0x8FFFFFFF  }
0x98: {  	s19 =	sld [smem:$0x3FDB];
	_ =	sdelay $0x1  }
0x99: {  	s4 =	simm.s32 $_scs_section_size  }
0x9a: {  	s5 =	simm.s32 $_size__tile_overlayer_lowered;
	s6 =	simm.s32 $_tile_overlayer_lowered  }
0x9b: {  	s22 =	simm.s32 $0x1BFF;
	s21 =	sshll.u32 s6, $0x1;
	s3 =	sadd.s32 s4, s19  }
0x9c: {  	s7 =	simm.s32 $0x0;
	s20 =	sshll.u32 s5, $0x1;
	s5 =	sadd.s32 s21, s3  }
0x9d: {  	[timem:s7], [sflag:s22] =	dma.local [hbm:s5], s20  }
0x9e: {  	_ =	swait.ge [sflag:s22], s20  }
0x9f: {  	s4 =	ssub.s32 $0x0, s20;
	[sflag:s22] =	ssyncset.done $0x0  }
0xa0: {  	[sflag:s22] =	ssyncadd.s32 s4;
	_ =	sdelay $0x1  }
0xa1: {  	s23 =	simm.s32 $0x1B8B  }
0xa2: {  	_ =	swait.ge [sflag:s23], $0x1  }
0xa3: {  	[sflag:s23] =	ssyncset.done $0x0  }
0xa4: {  	s25 =	simm.s32 $0x1B8E;
	s24 =	sld [smem:$0x3FFE];
	[sflag:s23] =	ssyncadd.s32 $0xFFFFFFFF  }
0xa5: {  	s26 =	simm.s32 $execute0_lowered;
	[smem:$0x3FD2] =	sst s25  }
0xa6: {  	s5 =	sshll.u32 s26, $0x1;
	_ =	strace $0x80000046;
	[dreg:$0x1] =	wrdreg $0xFFFFFFFF  }
0xa7: {  	s28 =	simm.s32 $_size_execute0_lowered;
	s3 =	sadd.s32 s3, s5;
	[dreg:$0x0] =	wrdreg $0x0  }
0xa8: {  	s5 =	sshll.u32 s28, $0x1;
	[dreg:$0x2] =	wrdreg s3  }
0xa9: {  	[dreg:$0x3] =	wrdreg s5  }
0xaa: {  	[dreg:$0x4] =	wrdreg $0xC0  }
0xab: {  	_ =	task [dreg:s7], $0x5FFFF  }
0xac: {  	[dreg:$0x1] =	wrdreg $0xFFFFFFFF  }
0xad: {  	[dreg:$0x0] =	wrdreg $0x60  }
0xae: {  	[dreg:$0x2] =	wrdreg s24  }
0xaf: {  	[dreg:$0x3] =	wrdreg s2  }
0xb0: {  	[dreg:$0x4] =	wrdreg $0x9  }
0xb1: {  	_ =	task.clear_ibuf [dreg:s7], $0x5FFFF;
	_ =	strace $0x90000046  }
0xb2: {  	s29 =	simm.s32 $0x9;
	_ =	strace $0x80000048  }
0xb3: {  	_ =	swait.ge [sflag:s29], $0x1  }
0xb4: {  	[sflag:s29] =	ssyncadd.s32 $0xFFFFFFFF  }
0xb5: {  	_ =	strace $0x90000048  }
0xb6: {  	_ =	sfence  }
0xb7: {  	s30 =	sld [smem:$0x0];
	_ =	sdelay $0x2  }
0xb8: {  	s31 =	sshll.u32 s1, $0xD;
	s1 =	sshrl.u32 s1, $0x2  }
0xb9: {  	s3 =	sand.u32 $0x4000, s31;
	s1 =	sadd.s32 s1, s30  }
0xba: {  	s0 =	sor.u32 s3, s0;
	s1 =	sshll.u32 s1, $0x11  }
0xbb: {  	s0 =	sor.u32 s1, s0  }
0xbc: {  	s0 =	sadd.s32 $0x8F2B, s0  }
0xbd: {  	[sflag:s0] =	ssyncadd.remote.s32 $0x1  }
0xbe: {  	_ =	sfence.sel $0xFFFF  }
0xbf: {  	[dreg:$0x0] =	wrdreg $0xFFFFFFFF;
	(pc) =	sbr.abs _section_cstart, $3  }
0xc0: {  	[dreg:$0x1] =	wrdreg $0xFFFFFFFF  }
0xc1: {  	_ =	task.clear_ibuf [dreg:s7], $0x2FFFF;
	_ =	strace $0x9FFFFFFF  }
0xc2: {  	(tm) =	ssettm $0x7FFFFFFF  }
0xc3: {  	_ =	shalt  }
tec
execute0_lowered:
.L_overlay_start_1:
0x0: {  	(tag) =	ssettag $0x1  }
0x1: {  	s3 =	stileid.u32  }
0x2: {  	p0 =	sgt.u32 s3, $0x1  }
.Ltmp0:
0x3: {  	_ = 	snop;
	(pc) =	sbr.rel @p0 .LBB2_23-.Ltmp0, $4  }
0x4: {  	_ = 	snop  }
0x5: {  	s1 =	rddreg [dreg:$0x0];
	s2 =	simm.s32 $0x0  }
0x6: {  	[smem:$0x7FF] =	sst s2  }
0x7: {  	s0 =	rddreg [dreg:$0x1];
	_ =	strace $0x80000047  }
0x8: {  	s3 =	srdreg.scid  }
0x9: {  	s4 =	stileid.u32;
	s7 =	sadd.s32 $0x5400, s1;
	s5 =	sadd.s32 $0x6A00, s1  }
0xa: {  	s22 =	sadd.s32 $0x6C00, s1;
	s16 =	simm.s32 $0x80;
	s17 =	simm.s32 $0x200  }
0xb: {  	s19 =	simm.s32 $0x1;
	s20 =	simm.s32 $0x2400;
	s21 =	simm.s32 $0x4800  }
0xc: {  	s28 =	simm.s32 $0xDF00;
	s29 =	simm.s32 $0xDF80;
	s30 =	simm.s32 $0x80000000  }
0xd: {  	s31 =	simm.s32 $0xB400;
	s3 =	sand.u32 $0x1, s3;
	[dreg:$0x3] =	wrdreg s5  }
0xe: {  	s4 =	sshll.u32 s4, $0x1;
	[dreg:$0x4] =	wrdreg s22;
	s5 =	sadd.s32 $0x6E00, s1  }
0xf: {  	s22 =	simm.s32 $0x6C00;
	s4 =	sor.u32 s3, s4;
	s25 =	ssub.s32 $0x2, s3  }
0x10: {  	s6 =	sshll.u32 s4, $0x4;
	s12 =	scvt.s32.f32 s4;
	s3 =	sshrl.u32 s25, $0x1  }
0x11: {  	s11 =	sadd.s32 s6, s1;
	s13 =	sadd.s32 s0, s6;
	s26 =	ssub.s32 s25, s3  }
.Ltmp1:
0x12: {  	s14 =	sadd.s32 s7, s6;
	s25 =	simm.s32 $0xDE00;
	(pc) =	sbr.rel .LBB2_2-.Ltmp1, $4  }
0x13: {  	s0 =	simm.s32 $0xD800;
	s1 =	simm.s32 $0x0;
	s23 =	sadd.s32 $0x241E00, s11  }
0x14: {  	v1 =	vlaneseq.u32;
	s24 =	sadd.s32 $0x1E00, s11;
	s8 =	sadd.s32 $0x3000, s11;
	s9 =	sadd.s32 $0x4200, s11  }
0x15: {  	v2 =	vimm.s32 $0x0;
	v3 =	vimm.s32 $0x80000000;
	vm0 =	vcmask $0x3F10;
	s10 =	sadd.s32 $0x6600, s11;
	s11 =	sadd.s32 $0x6800, s11;
	[dreg:$0x5] =	wrdreg s23  }
0x16: {  	vm1 =	vcmask $0x3F0C;
	vm2 =	vcmask $0x3F08;
	s15 =	smax.u32 s26, $0x1;
	v0 =	vmov s12;
	s26 =	simm.s32 $0xDE80;
	[dreg:$0x6] =	wrdreg s24  }
.LBB2_22:
0x17: {  	s1 =	sadd.s32 $0x1, s1  }
0x18: {  	p0 =	sne.s32 s1, s15  }
.Ltmp2:
0x19: {  	_ = 	snop;
	(pc) =	sbr.rel @!p0 .LBB2_23-.Ltmp2, $4  }
0x1a: {  	[hbm4b:s13+s16] =	stream.strided.scatter [tilespmem:s0], [sflag:$0x1], $0x600, s17, s16, $0x38;
	[tilespmem:$0xE100] =	vst v63  }
0x1b: {  	_ =	swait.ge [sflag:s19], $0x600  }
0x1c: {  	[sflag:s19] =	ssyncset.done $0x0  }
0x1d: {  	[sflag:s19] =	ssyncadd.s32 $0xFFFFFA00  }
.LBB2_2:
0x1e: {  	s3 =	simm.s32 $0x9000  }
0x1f: {  	[tilespmem:s3], [sflag:$0x1] =	stream.strided.gather [hbm4b:s14+s16], $0x2400, s17, s16, $0x38;
	[tilespmem:$0xE100] =	vst v63  }
0x20: {  	_ =	swait.ge [sflag:s19], $0x2400  }
0x21: {  	[sflag:s19] =	ssyncset.done $0x0  }
0x22: {  	s18 =	simm.s32 $0x0;
	s24 =	rddreg [dreg:$0x5];
	[sflag:s19] =	ssyncadd.s32 $0xFFFFDC00  }
0x23: {  	[tilespmem:s18], [sflag:$0x1] =	stream.strided.gather [hbm4b:s24+s16], $0x2400, s17, s16, $0x38;
	[tilespmem:$0xE100] =	vst v63  }
0x24: {  	_ =	swait.ge [sflag:s19], $0x2400  }
0x25: {  	[sflag:s19] =	ssyncset.done $0x0  }
0x26: {  	s4 =	rddreg [dreg:$0x6];
	[sflag:s19] =	ssyncadd.s32 $0xFFFFDC00  }
0x27: {  	[tilespmem:s20], [sflag:$0x1] =	stream.strided.gather [hbm4b:s4+s16], $0x2400, s17, s16, $0x38;
	[tilespmem:$0xE100] =	vst v63  }
0x28: {  	_ =	swait.ge [sflag:s19], $0x2400  }
0x29: {  	[sflag:s19] =	ssyncset.done $0x0  }
0x2a: {  	[sflag:s19] =	ssyncadd.s32 $0xFFFFDC00  }
0x2b: {  	[tilespmem:s21], [sflag:$0x1] =	stream.strided.gather [hbm4b:s8+s16], $0x2400, s17, s16, $0x38;
	[tilespmem:$0xE100] =	vst v63  }
0x2c: {  	_ =	swait.ge [sflag:s19], $0x2400  }
0x2d: {  	[sflag:s19] =	ssyncset.done $0x0  }
0x2e: {  	[sflag:s19] =	ssyncadd.s32 $0xFFFFDC00  }
0x2f: {  	[tilespmem:s22], [sflag:$0x1] =	stream.strided.gather [hbm4b:s9+s16], $0x2400, s17, s16, $0x38;
	[tilespmem:$0xE100] =	vst v63  }
0x30: {  	_ =	swait.ge [sflag:s19], $0x2400  }
0x31: {  	[sflag:s19] =	ssyncset.done $0x0  }
0x32: {  	s6 =	simm.s32 $0xE000;
	[sflag:s19] =	ssyncadd.s32 $0xFFFFDC00  }
0x33: {  	[tilespmem:s6], [sflag:$0x1] =	stream.linear.gather [hbm4b:s10+s18], $0x80, $0x38;
	[tilespmem:$0xE100] =	vst v63  }
0x34: {  	_ =	swait.ge [sflag:s19], $0x80  }
0x35: {  	[sflag:s19] =	ssyncset.done $0x0  }
0x36: {  	s7 =	simm.s32 $0xE080;
	[sflag:s19] =	ssyncadd.s32 $0xFFFFFF80  }
0x37: {  	[tilespmem:s7], [sflag:$0x1] =	stream.linear.gather [hbm4b:s11+s18], $0x80, $0x38;
	[tilespmem:$0xE100] =	vst v63  }
0x38: {  	_ =	swait.ge [sflag:s19], $0x80  }
0x39: {  	[sflag:s19] =	ssyncset.done $0x0  }
0x3a: {  	s23 =	rddreg [dreg:$0x3];
	[sflag:s19] =	ssyncadd.s32 $0xFFFFFF80  }
0x3b: {  	[tilespmem:s25], [sflag:$0x1] =	stream.linear.gather [hbm4b:s23+s18], $0x80, $0x38;
	[tilespmem:$0xE100] =	vst v63  }
0x3c: {  	_ =	swait.ge [sflag:s19], $0x80  }
0x3d: {  	[sflag:s19] =	ssyncset.done $0x0  }
0x3e: {  	s24 =	rddreg [dreg:$0x4];
	[sflag:s19] =	ssyncadd.s32 $0xFFFFFF80  }
0x3f: {  	[tilespmem:s26], [sflag:$0x1] =	stream.linear.gather [hbm4b:s24+s18], $0x80, $0x38;
	[tilespmem:$0xE100] =	vst v63  }
0x40: {  	_ =	swait.ge [sflag:s19], $0x80  }
0x41: {  	[sflag:s19] =	ssyncset.done $0x0  }
0x42: {  	[sflag:s19] =	ssyncadd.s32 $0xFFFFFF80  }
0x43: {  	[tilespmem:s28], [sflag:$0x1] =	stream.linear.gather [hbm4b:s5+s18], $0x80, $0x38;
	[tilespmem:$0xE100] =	vst v63  }
0x44: {  	_ =	swait.ge [sflag:s19], $0x80  }
0x45: {  	[sflag:s19] =	ssyncset.done $0x0  }
0x46: {  	[sflag:s19] =	ssyncadd.s32 $0xFFFFFF80  }
0x47: {  	v6 =	vor.u32 s18, v1;
	[tilespmem:s29], [sflag:$0x1] =	stream.linear.gather [hbm4b:s5+s18], $0x80, $0x38;
	[tilespmem:$0xE100] =	vst v63  }
0x48: {  	v4 =	vmul.u32 $0xCCCCCCCD, v6;
	_ =	swait.ge [sflag:s19], $0x80  }
0x49: {  	[sflag:s19] =	ssyncset.done $0x0  }
0x4a: {  	vm4 =	vlt.u32 v6, $0x5DC;
	vm3 =	vle.u32 v4, $0x33333333;
	[sflag:s19] =	ssyncadd.s32 $0xFFFFFF80  }
0x4b: {  	vm3 =	vmand vm4, vm3;
	v4 =	vld [tilespmem:$0xE000]  }
0x4c: {  	s3 =	simm.s32 $0xD800;
	v7 =	vnsel vm3, $0x0, v0;
	s4 =	simm.s32 $0x10;
	v5 =	vld [tilespmem:$0xE080]  }
.LBB2_3:
0x4d: {  	v8 =	vor.u32 s4, v1;
	p0 =	sne.s32 s4, $0x5D0;
	s4 =	sadd.s32 $0x10, s4;
	[tilespmem:s3+$0x0] =	vst v7  }
.Ltmp3:
0x4e: {  	v7 =	vmul.u32 $0xCCCCCCCD, v8;
	(pc) =	sbr.rel @p0 .LBB2_3-.Ltmp3, $4  }
0x4f: {  	_ = 	snop  }
0x50: {  	vm4 =	vlt.u32 v8, $0x5DC;
	vm3 =	vle.u32 v7, $0x33333333  }
0x51: {  	vm3 =	vmand vm4, vm3  }
0x52: {  	s3 =	sadd.s32 $0x10, s3;
	v7 =	vnsel vm3, $0x0, v0  }
0x53: {  	v8 =	vmulhi.u32 $0x38E38E39, v6;
	_ =	sdelay $0x1  }
0x54: {  	v8 =	vshrl.u32 v8, $0x1  }
0x55: {  	v9 =	vmul.u32 $0xFFFFFFF7, v8;
	_ =	sdelay $0x1  }
0x56: {  	v10 =	vmov s18;
	v6 =	vadd.s32 v6, v9  }
0x57: {  	vm4 =	veq.s32 v10, v1;
	vm3 =	vne.s32 v6, $0x0  }
0x58: {  	vm3 =	vmand vm4, vm3  }
0x59: {  	v9 =	vsel vm3, $0xFFFFFFFF, v2  }
0x5a: {  	[tilespmem:s3+$0x0] =	vst v7;
	s23 =	simm.s32 $0x0;
	v8 =	vadd.s32 v9, v8  }
0x5b: {  	v10 =	vld [tilespmem:s23+$0x2400];
	v7 =	vshra.s32 v8, $0x1F  }
0x5c: {  	v9 =	vld [tilespmem:s23+$0x4800];
	v7 =	vshrl.u32 v7, $0x1B  }
0x5d: {  	v13 =	vld.idx.msk [tilespmem:v6+s28+$0x0], $0xffff;
	v7 =	vadd.s32 v7, v8  }
0x5e: {  	v14 =	vld.idx.msk [tilespmem:v6+s26+$0x0], $0xffff;
	v7 =	vshra.s32 v7, $0x5  }
0x5f: {  	v15 =	vld.idx.msk [tilespmem:v6+s29+$0x0], $0xffff;
	v12 =	vshll.u32 v7, $0x5  }
0x60: {  	vm3 =	vlt.s32 v8, $0x1;
	v6 =	vld.idx.msk [tilespmem:v6+s25+$0x0], $0xffff;
	vm14 =	vne.s32 v8, v12  }
0x61: {  	v8 =	vsub.s32 v8, v12;
	v12 =	vld [tilespmem:s23+$0x0];
	vm3 =	vmand vm3, vm14  }
0x62: {  	v11 =	vld [tilespmem:s23+$0x6C00];
	v8 =	vshll.u32 v8, $0x4;
	v16 =	vsel vm3, $0xFFFFFFFF, v2  }
0x63: {  	v8 =	vand.u32 $0x1F0, v8;
	v7 =	vadd.s32 v16, v7  }
0x64: {  	v8 =	vcvt.s32.f32 v8;
	v7 =	vshll.u32 v7, $0x4  }
0x65: {  	v7 =	vcvt.s32.f32 v7  }
0x66: {  	v8 =	vadd.f32 v8, v13;
	v13 =	vmul.f32 v12, v6;
	v6 =	vmul.f32 v9, v6  }
0x67: {  	s7 =	simm.s32 $0x10;
	v11 =	vmul.f32 v11, v14;
	v10 =	vmul.f32 v10, v14;
	v16 =	vld [tilespmem:s23+$0x9000];
	v7 =	vadd.f32 v7, v15  }
0x68: {  	v9 =	vor.u32 s7, v1;
	v8 =	vadd.f32 v13, v8;
	v6 =	vmul.f32 $5.000000000e-01, v6  }
0x69: {  	v17 =	vmulhi.u32 $0x38E38E39, v9;
	v7 =	vadd.f32 v10, v7;
	v10 =	vmul.f32 $5.000000000e-01, v11  }
0x6a: {  	v19 =	vsub.f32 v8, v6;
	v6 =	vadd.f32 v6, v8  }
0x6b: {  	v13 =	vsub.f32 v7, v10;
	v7 =	vadd.f32 v10, v7;
	v10 =	vshrl.u32 v17, $0x1  }
0x6c: {  	v15 =	vxor.u32 $0x7FFFFFFF, v16;
	vm3 =	vlt.s32 v16, $0x0;
	v10 =	vmul.u32 $0xFFFFFFF7, v10  }
0x6d: {  	v15 =	vsel vm3, v15, v16;
	v6 =	vmax.f32 v6, $0.0e+00  }
0x6e: {  	v18 =	vld [tilespmem:s23+$0x9030];
	[tilespmem:s23+$0xB400] =	vst v15;
	v6 =	vmin.f32 v6, v4;
	v13 =	vmax.f32 v13, $0.0e+00;
	v9 =	vadd.s32 v9, v10  }
0x6f: {  	v22 =	vld [tilespmem:s23+$0x4810];
	v7 =	vmax.f32 v7, $0.0e+00;
	[tilespmem:s23+$0x4800] =	vst v6;
	v8 =	vmin.f32 v13, v5  }
0x70: {  	v55 =	vld [tilespmem:s23+$0x2410];
	v7 =	vmin.f32 v7, v5;
	v10 =	vmax.f32 v19, $0.0e+00;
	[tilespmem:s23+$0x2400] =	vst v8  }
0x71: {  	v14 =	vld [tilespmem:s23+$0x9010];
	v8 =	vmin.f32 v10, v4;
	[tilespmem:s23+$0x6C00] =	vst v7  }
0x72: {  	v21 =	vmov s7;
	v10 =	vld [tilespmem:s23+$0x10];
	[tilespmem:s23+$0x0] =	vst v8  }
0x73: {  	s24 =	simm.s32 $0x20;
	v21 =	vmulhi.u32 $0x38E38E39, v21;
	v13 =	vld.idx.msk [tilespmem:v9+s29+$0x0], $0xffff  }
0x74: {  	v57 =	vor.u32 s24, v1;
	v15 =	vld.idx.msk [tilespmem:v9+s25+$0x0], $0xffff  }
0x75: {  	s4 =	simm.s32 $0x30;
	v59 =	vmov s24;
	v60 =	vmulhi.u32 $0x38E38E39, v57;
	v21 =	vshrl.u32 v21, $0x2;
	v54 =	vld.idx.msk [tilespmem:v9+s28+$0x0], $0xffff  }
0x76: {  	v21 =	vand.u32 $0x3FFFFFF0, v21;
	v17 =	vshll.u32 v17, $0x3;
	v6 =	vor.u32 s4, v1;
	v23 =	vld.idx.msk [tilespmem:v9+s26+$0x0], $0xffff  }
0x77: {  	v21 =	vcvt.s32.f32 v21;
	v16 =	vld [tilespmem:s23+$0x6C10];
	v17 =	vand.u32 $0x1F0, v17;
	v7 =	vmulhi.u32 $0x38E38E39, v6  }
0x78: {  	v56 =	vxor.u32 $0x7FFFFFFF, v18;
	v24 =	vxor.u32 $0x7FFFFFFF, v14;
	v17 =	vcvt.s32.f32 v17  }
0x79: {  	vm3 =	vlt.s32 v14, $0x0;
	v8 =	vmov s4;
	v20 =	vshrl.u32 v7, $0x1  }
0x7a: {  	v17 =	vadd.f32 v17, v54;
	v10 =	vmul.f32 v10, v15;
	v15 =	vmul.f32 v22, v15  }
0x7b: {  	v9 =	vmul.u32 $0xFFFFFFF7, v20;
	v13 =	vadd.f32 v21, v13;
	v20 =	vmul.f32 v55, v23  }
0x7c: {  	v16 =	vmul.f32 v16, v23;
	v17 =	vadd.f32 v10, v17;
	v15 =	vmul.f32 $5.000000000e-01, v15  }
0x7d: {  	vm15 =	vlt.s32 v18, $0x0;
	v14 =	vsel vm3, v24, v14;
	v8 =	vmulhi.u32 $0x38E38E39, v8  }
0x7e: {  	v13 =	vadd.f32 v20, v13;
	v16 =	vmul.f32 $5.000000000e-01, v16;
	v58 =	vsub.f32 v17, v15  }
0x7f: {  	v7 =	vshll.u32 v7, $0x3;
	v8 =	vshrl.u32 v8, $0x2;
	v15 =	vadd.f32 v15, v17  }
0x80: {  	v61 =	vsub.f32 v13, v16;
	v13 =	vadd.f32 v16, v13;
	v19 =	vmax.f32 v58, $0.0e+00  }
0x81: {  	[tilespmem:s23+$0xB410] =	vst v14;
	v16 =	vshrl.u32 v60, $0x1;
	v14 =	vmax.f32 v15, $0.0e+00;
	v15 =	vmin.f32 v19, v4  }
0x82: {  	v7 =	vand.u32 $0x1F0, v7;
	v8 =	vand.u32 $0x3FFFFFF0, v8;
	[tilespmem:s23+$0x10] =	vst v15;
	v15 =	vmul.u32 $0xFFFFFFF7, v16  }
0x83: {  	v17 =	vmulhi.u32 $0x38E38E39, v59;
	v13 =	vmax.f32 v13, $0.0e+00;
	v14 =	vmin.f32 v14, v4  }
0x84: {  	v62 =	vmax.f32 v61, $0.0e+00;
	v63 =	vmin.f32 v13, v5;
	[tilespmem:s23+$0x4810] =	vst v14;
	v15 =	vadd.s32 v57, v15  }
0x85: {  	v12 =	vld [tilespmem:s23+$0x9020];
	v17 =	vshrl.u32 v17, $0x2;
	v16 =	vmin.f32 v62, v5;
	v14 =	vshll.u32 v60, $0x3;
	[tilespmem:s23+$0x6C10] =	vst v63  }
0x86: {  	s24 =	simm.s32 $0x100;
	v11 =	vld [tilespmem:s23+$0x4820];
	v10 =	vsel vm15, v56, v18;
	[tilespmem:s23+$0x2410] =	vst v16;
	v13 =	vand.u32 $0x1F0, v14;
	v14 =	vand.u32 $0x3FFFFFF0, v17  }
.LBB2_5:
0x87: {  	p0 =	sne.s32 s24, $0x8F00  }
0x88: {  	v16 =	vld [tilespmem:s23+$0x6C20];
	s18 =	sadd.s32 $0x40, s18;
	s3 =	smov.u32 s24;
	s24 =	sadd.s32 $0x100, s24  }
0x89: {  	s4 =	sadd.s32 $0x30, s18;
	v17 =	vld.idx.msk [tilespmem:v15+s29+$0x0], $0xffff  }
0x8a: {  	v18 =	vmov s4;
	v19 =	vor.u32 s4, v1;
	v20 =	vld.idx.msk [tilespmem:v15+s25+$0x0], $0xffff  }
0x8b: {  	v21 =	vmulhi.u32 $0x38E38E39, v19;
	v22 =	vld [tilespmem:s23+$0x20]  }
0x8c: {  	v24 =	vxor.u32 $0x7FFFFFFF, v12;
	vm3 =	vlt.s32 v12, $0x0;
	v18 =	vmulhi.u32 $0x38E38E39, v18;
	v23 =	vld.idx.msk [tilespmem:v15+s28+$0x0], $0xffff  }
0x8d: {  	v12 =	vsel vm3, v24, v12;
	v25 =	vshrl.u32 v21, $0x1;
	v21 =	vshll.u32 v21, $0x3;
	v15 =	vld.idx.msk [tilespmem:v15+s26+$0x0], $0xffff  }
0x8e: {  	v18 =	vshrl.u32 v18, $0x2;
	v24 =	vmul.u32 $0xFFFFFFF7, v25;
	v21 =	vand.u32 $0x1F0, v21;
	v25 =	vld [tilespmem:s23+$0x2420];
	[tilespmem:s23+$0xB420] =	vst v12  }
0x8f: {  	v14 =	vcvt.s32.f32 v14;
	v12 =	vand.u32 $0x3FFFFFF0, v18  }
0x90: {  	v13 =	vcvt.s32.f32 v13;
	v11 =	vmul.f32 v11, v20  }
0x91: {  	v18 =	vor.u32 s18, v1;
	v14 =	vadd.f32 v14, v17;
	v17 =	vmul.f32 v22, v20  }
0x92: {  	v20 =	vmulhi.u32 $0x38E38E39, v18;
	v13 =	vadd.f32 v13, v23;
	v11 =	vmul.f32 $5.000000000e-01, v11  }
0x93: {  	v22 =	vmov s18;
	v23 =	vmul.f32 v25, v15;
	v15 =	vmul.f32 v16, v15  }
0x94: {  	v16 =	vshrl.u32 v20, $0x1;
	v13 =	vadd.f32 v17, v13  }
0x95: {  	v17 =	vmul.u32 $0xFFFFFFF7, v16;
	v14 =	vadd.f32 v23, v14;
	v15 =	vmul.f32 $5.000000000e-01, v15  }
0x96: {  	v20 =	vsub.f32 v13, v11;
	v11 =	vadd.f32 v11, v13;
	v23 =	vadd.s32 v6, v9;
	v6 =	vmovc v19  }
0x97: {  	v9 =	vmovc v24;
	v13 =	vadd.s32 v18, v17;
	v17 =	vsub.f32 v14, v15;
	v14 =	vadd.f32 v15, v14  }
0x98: {  	vm4 =	veq.s32 v22, v1;
	vm3 =	vne.s32 v13, $0x0;
	v15 =	vmax.f32 v20, $0.0e+00  }
0x99: {  	vm3 =	vmand vm4, vm3;
	v17 =	vmax.f32 v17, $0.0e+00;
	v14 =	vmax.f32 v14, $0.0e+00;
	v18 =	vld [tilespmem:s23+$0x6C30]  }
0x9a: {  	v19 =	vsel vm3, $0xFFFFFFFF, v2;
	v17 =	vmin.f32 v17, v5;
	v14 =	vmin.f32 v14, v5;
	v20 =	vld [tilespmem:s23+$0x2430]  }
0x9b: {  	v11 =	vmax.f32 v11, $0.0e+00;
	v15 =	vmin.f32 v15, v4;
	v16 =	vadd.s32 v19, v16;
	[tilespmem:s23+$0x6C20] =	vst v14;
	v14 =	vld [tilespmem:s23+$0x30]  }
0x9c: {  	v11 =	vmin.f32 v11, v4;
	v19 =	vshra.s32 v16, $0x1F;
	[tilespmem:s23+$0x20] =	vst v15  }
0x9d: {  	v15 =	vshrl.u32 v19, $0x1B;
	[tilespmem:s23+$0x4820] =	vst v11  }
0x9e: {  	v11 =	vadd.s32 v15, v16;
	[tilespmem:s23+$0x2420] =	vst v17;
	v15 =	vld [tilespmem:s23+$0x4830]  }
0x9f: {  	vm3 =	vlt.s32 v16, $0x1;
	v11 =	vshra.s32 v11, $0x5;
	v17 =	vld.idx.msk [tilespmem:v23+s28+$0x0], $0xffff  }
0xa0: {  	s3 =	sshra.s32 s3, $0x2;
	v19 =	vshll.u32 v11, $0x5;
	v22 =	vld.idx.msk [tilespmem:v23+s26+$0x0], $0xffff  }
0xa1: {  	v24 =	vsub.s32 v16, v19;
	vm4 =	vne.s32 v16, v19;
	v16 =	vld.idx.msk [tilespmem:v23+s29+$0x0], $0xffff  }
0xa2: {  	v19 =	vshll.u32 v24, $0x4;
	vm3 =	vmand vm3, vm4;
	v23 =	vld.idx.msk [tilespmem:v23+s25+$0x0], $0xffff  }
0xa3: {  	v19 =	vand.u32 $0x1F0, v19;
	v24 =	vsel vm3, $0xFFFFFFFF, v2;
	v25 =	vld [tilespmem:s3+$0x9010];
	[tilespmem:s23+$0xB430] =	vst v10  }
0xa4: {  	v19 =	vcvt.s32.f32 v19;
	v10 =	vadd.s32 v24, v11;
	v11 =	vld [tilespmem:s3+$0x4820]  }
0xa5: {  	v26 =	vcvt.s32.f32 v8;
	v8 =	vmov v12;
	v10 =	vshll.u32 v10, $0x4;
	v24 =	vld [tilespmem:s3+$0x9000]  }
0xa6: {  	v27 =	vcvt.s32.f32 v10;
	v10 =	vmul.f32 v20, v22;
	v12 =	vld [tilespmem:s3+$0x9020]  }
0xa7: {  	v28 =	vcvt.s32.f32 v7;
	v7 =	vmovc v21;
	v18 =	vmul.f32 v18, v22;
	v16 =	vadd.f32 v26, v16;
	v20 =	vld [tilespmem:s3+$0x9030]  }
0xa8: {  	v14 =	vmul.f32 v14, v23;
	v15 =	vmul.f32 v15, v23;
	vm3 =	vlt.s32 v25, $0x0  }
0xa9: {  	v17 =	vadd.f32 v28, v17;
	v10 =	vadd.f32 v10, v16;
	v16 =	vmul.f32 $5.000000000e-01, v18  }
0xaa: {  	v15 =	vmul.f32 $5.000000000e-01, v15;
	v18 =	vxor.u32 $0x7FFFFFFF, v24;
	vm4 =	vlt.s32 v24, $0x0  }
0xab: {  	v14 =	vadd.f32 v14, v17;
	v17 =	vsub.f32 v10, v16;
	v18 =	vsel vm4, v18, v24  }
0xac: {  	v21 =	vxor.u32 $0x7FFFFFFF, v25;
	v10 =	vadd.f32 v16, v10;
	v22 =	vxor.u32 $0x7FFFFFFF, v20  }
0xad: {  	v23 =	vsub.f32 v14, v15;
	v14 =	vadd.f32 v15, v14;
	v17 =	vmax.f32 v17, $0.0e+00;
	v16 =	vld [tilespmem:s3+$0x4800]  }
0xae: {  	v21 =	vsel vm3, v21, v25;
	v10 =	vmax.f32 v10, $0.0e+00;
	v17 =	vmin.f32 v17, v5;
	v15 =	vld [tilespmem:s3+$0x2400]  }
0xaf: {  	v23 =	vmax.f32 v23, $0.0e+00;
	v14 =	vmax.f32 v14, $0.0e+00;
	v10 =	vmin.f32 v10, v5;
	v24 =	vld [tilespmem:s3+$0x6C00];
	[tilespmem:s23+$0x2430] =	vst v17  }
0xb0: {  	vm3 =	vlt.s32 v20, $0x0;
	v23 =	vmin.f32 v23, v4;
	v14 =	vmin.f32 v14, v4;
	v17 =	vld [tilespmem:s3+$0x6C10];
	[tilespmem:s23+$0x6C30] =	vst v10  }
0xb1: {  	v10 =	vsel vm3, v22, v20;
	[tilespmem:s23+$0x30] =	vst v23  }
0xb2: {  	[tilespmem:s23+$0x4830] =	vst v14;
	s23 =	smov.u32 s3  }
0xb3: {  	v14 =	vld.idx.msk [tilespmem:v13+s28+$0x0], $0xffff  }
0xb4: {  	v20 =	vld.idx.msk [tilespmem:v13+s26+$0x0], $0xffff  }
0xb5: {  	v22 =	vld.idx.msk [tilespmem:v13+s29+$0x0], $0xffff  }
0xb6: {  	v13 =	vld.idx.msk [tilespmem:v13+s25+$0x0], $0xffff  }
0xb7: {  	v23 =	vld [tilespmem:s23+$0x0];
	[tilespmem:s23+$0xB400] =	vst v18;
	_ =	sdelay $0x1  }
0xb8: {  	v14 =	vadd.f32 v19, v14  }
0xb9: {  	v18 =	vmul.f32 v24, v20  }
0xba: {  	s3 =	sadd.s32 $0x10, s18;
	v15 =	vmul.f32 v15, v20;
	v19 =	vadd.f32 v27, v22  }
0xbb: {  	v20 =	vmul.f32 v23, v13;
	v13 =	vmul.f32 v16, v13;
	v16 =	vor.u32 s3, v1  }
0xbc: {  	v18 =	vmul.f32 $5.000000000e-01, v18;
	v15 =	vadd.f32 v15, v19;
	v19 =	vmulhi.u32 $0x38E38E39, v16  }
0xbd: {  	v14 =	vadd.f32 v20, v14;
	v13 =	vmul.f32 $5.000000000e-01, v13;
	v20 =	vmov s3  }
0xbe: {  	v22 =	vsub.f32 v15, v18;
	v15 =	vadd.f32 v18, v15;
	v18 =	vshrl.u32 v19, $0x1  }
0xbf: {  	v23 =	vsub.f32 v14, v13;
	v13 =	vadd.f32 v13, v14;
	v14 =	vmul.u32 $0xFFFFFFF7, v18  }
0xc0: {  	v19 =	vshll.u32 v19, $0x3;
	v18 =	vmax.f32 v22, $0.0e+00;
	v15 =	vmax.f32 v15, $0.0e+00  }
0xc1: {  	v18 =	vmin.f32 v18, v5;
	v15 =	vmin.f32 v15, v5;
	v14 =	vadd.s32 v16, v14  }
0xc2: {  	v16 =	vmax.f32 v23, $0.0e+00;
	v13 =	vmax.f32 v13, $0.0e+00;
	[tilespmem:s23+$0x2400] =	vst v18;
	v18 =	vand.u32 $0x1F0, v19  }
0xc3: {  	v16 =	vmin.f32 v16, v4;
	v13 =	vmin.f32 v13, v4;
	[tilespmem:s23+$0x6C00] =	vst v15;
	v15 =	vmulhi.u32 $0x38E38E39, v20  }
0xc4: {  	[tilespmem:s23+$0x0] =	vst v16  }
0xc5: {  	[tilespmem:s23+$0x4800] =	vst v13;
	v13 =	vshrl.u32 v15, $0x2;
	v15 =	vld [tilespmem:s23+$0x10]  }
0xc6: {  	v13 =	vand.u32 $0x3FFFFFF0, v13;
	v16 =	vld.idx.msk [tilespmem:v14+s29+$0x0], $0xffff  }
0xc7: {  	v19 =	vld.idx.msk [tilespmem:v14+s25+$0x0], $0xffff  }
0xc8: {  	v20 =	vld.idx.msk [tilespmem:v14+s28+$0x0], $0xffff  }
0xc9: {  	v22 =	vld [tilespmem:s23+$0x4810]  }
0xca: {  	v14 =	vld.idx.msk [tilespmem:v14+s26+$0x0], $0xffff  }
0xcb: {  	v23 =	vld [tilespmem:s23+$0x2410];
	[tilespmem:s23+$0xB410] =	vst v21  }
0xcc: {  	v18 =	vcvt.s32.f32 v18  }
0xcd: {  	v13 =	vcvt.s32.f32 v13;
	v15 =	vmul.f32 v15, v19  }
0xce: {  	v18 =	vadd.f32 v18, v20;
	v19 =	vmul.f32 v22, v19  }
0xcf: {  	s3 =	sadd.s32 $0x20, s18;
	v13 =	vadd.f32 v13, v16  }
0xd0: {  	v15 =	vadd.f32 v15, v18;
	v16 =	vmul.f32 v23, v14;
	v18 =	vmul.f32 $5.000000000e-01, v19  }
0xd1: {  	v14 =	vmul.f32 v17, v14;
	v17 =	vmov s3;
	v19 =	vor.u32 s3, v1  }
0xd2: {  	v20 =	vmulhi.u32 $0x38E38E39, v19;
	v13 =	vadd.f32 v16, v13;
	v16 =	vsub.f32 v15, v18  }
0xd3: {  	v17 =	vmulhi.u32 $0x38E38E39, v17;
	v14 =	vmul.f32 $5.000000000e-01, v14;
	v15 =	vadd.f32 v18, v15  }
0xd4: {  	v18 =	vshrl.u32 v20, $0x1;
	v20 =	vshll.u32 v20, $0x3;
	v16 =	vmax.f32 v16, $0.0e+00  }
0xd5: {  	v21 =	vsub.f32 v13, v14;
	v15 =	vmax.f32 v15, $0.0e+00;
	v13 =	vadd.f32 v14, v13  }
0xd6: {  	v14 =	vmin.f32 v16, v4;
	v15 =	vmin.f32 v15, v4;
	v16 =	vmul.u32 $0xFFFFFFF7, v18  }
.Ltmp4:
0xd7: {  	v18 =	vmax.f32 v21, $0.0e+00;
	v13 =	vmax.f32 v13, $0.0e+00;
	[tilespmem:s23+$0x10] =	vst v14;
	v14 =	vshrl.u32 v17, $0x2;
	(pc) =	sbr.rel @p0 .LBB2_5-.Ltmp4, $4  }
0xd8: {  	v17 =	vmin.f32 v18, v5;
	v18 =	vmin.f32 v13, v5;
	[tilespmem:s23+$0x4810] =	vst v15;
	v15 =	vadd.s32 v19, v16  }
0xd9: {  	v13 =	vand.u32 $0x1F0, v20;
	v14 =	vand.u32 $0x3FFFFFF0, v14;
	[tilespmem:s23+$0x2410] =	vst v17  }
0xda: {  	[tilespmem:s23+$0x6C10] =	vst v18  }
0xdb: {  	s3 =	simm.s32 $0x0  }
0xdc: {  	_ =	sdelay $0x2  }
0xdd: {  	v16 =	vld [tilespmem:s23+$0x6C20]  }
0xde: {  	v17 =	vld.idx.msk [tilespmem:v15+s29+$0x0], $0xffff  }
0xdf: {  	v18 =	vld.idx.msk [tilespmem:v15+s25+$0x0], $0xffff  }
0xe0: {  	v19 =	vld.idx.msk [tilespmem:v15+s26+$0x0], $0xffff  }
0xe1: {  	v20 =	vld [tilespmem:s23+$0x2420]  }
0xe2: {  	v21 =	vld [tilespmem:s23+$0x20]  }
0xe3: {  	v44 =	vld.idx.msk [tilespmem:v15+s28+$0x0], $0xffff;
	_ =	sdelay $0x1  }
0xe4: {  	v14 =	vcvt.s32.f32 v14  }
0xe5: {  	v13 =	vcvt.s32.f32 v13  }
0xe6: {  	v14 =	vadd.f32 v14, v17;
	v20 =	vmul.f32 v20, v19;
	v16 =	vmul.f32 v16, v19  }
0xe7: {  	v11 =	vmul.f32 v11, v18;
	v18 =	vmul.f32 v21, v18;
	v13 =	vadd.f32 v13, v44  }
0xe8: {  	v14 =	vadd.f32 v20, v14;
	v46 =	vmul.f32 $5.000000000e-01, v16  }
0xe9: {  	v11 =	vmul.f32 $5.000000000e-01, v11;
	v13 =	vadd.f32 v18, v13  }
0xea: {  	v45 =	vxor.u32 $0x7FFFFFFF, v12;
	v16 =	vadd.f32 v46, v14  }
0xeb: {  	vm3 =	vlt.s32 v12, $0x0;
	v6 =	vadd.s32 v6, v9;
	v47 =	vsub.f32 v13, v11  }
0xec: {  	v12 =	vsel vm3, v45, v12;
	v11 =	vadd.f32 v11, v13;
	v16 =	vmax.f32 v16, $0.0e+00  }
0xed: {  	[tilespmem:s23+$0xB420] =	vst v12;
	v14 =	vsub.f32 v14, v46;
	v12 =	vmax.f32 v47, $0.0e+00;
	v49 =	vmin.f32 v16, v5  }
0xee: {  	v48 =	vld [tilespmem:s23+$0x6C30];
	v11 =	vmax.f32 v11, $0.0e+00;
	v51 =	vmin.f32 v12, v4;
	[tilespmem:s23+$0x6C20] =	vst v49  }
0xef: {  	v50 =	vld [tilespmem:s23+$0x2430];
	v53 =	vmax.f32 v14, $0.0e+00;
	v11 =	vmin.f32 v11, v4;
	[tilespmem:s23+$0x20] =	vst v51  }
0xf0: {  	v52 =	vld [tilespmem:s23+$0x30];
	v54 =	vmin.f32 v53, v5;
	[tilespmem:s23+$0x4820] =	vst v11  }
0xf1: {  	v55 =	vld [tilespmem:s23+$0x4830];
	[tilespmem:s23+$0x2420] =	vst v54  }
0xf2: {  	v11 =	vld.idx.msk [tilespmem:v6+s26+$0x0], $0xffff  }
0xf3: {  	v56 =	vld.idx.msk [tilespmem:v6+s29+$0x0], $0xffff  }
0xf4: {  	v57 =	vld.idx.msk [tilespmem:v6+s25+$0x0], $0xffff  }
0xf5: {  	v6 =	vld.idx.msk [tilespmem:v6+s28+$0x0], $0xffff  }
0xf6: {  	v8 =	vcvt.s32.f32 v8  }
0xf7: {  	v7 =	vcvt.s32.f32 v7  }
0xf8: {  	v58 =	vmul.f32 v50, v11;
	v8 =	vadd.f32 v8, v56;
	v11 =	vmul.f32 v48, v11  }
0xf9: {  	v12 =	vmul.f32 v52, v57;
	v9 =	vmul.f32 v55, v57  }
0xfa: {  	v6 =	vadd.f32 v7, v6;
	v59 =	vadd.f32 v58, v8;
	v60 =	vmul.f32 $5.000000000e-01, v11;
	_ =	sdelay $0x1  }
0xfb: {  	v9 =	vmul.f32 $5.000000000e-01, v9;
	v6 =	vadd.f32 v12, v6;
	v11 =	vsub.f32 v59, v60  }
0xfc: {  	v7 =	vadd.f32 v60, v59  }
0xfd: {  	v61 =	vsub.f32 v6, v9;
	v11 =	vmax.f32 v11, $0.0e+00  }
0xfe: {  	[tilespmem:s23+$0xB430] =	vst v10;
	v6 =	vadd.f32 v9, v6;
	v7 =	vmax.f32 v7, $0.0e+00;
	v62 =	vmin.f32 v11, v5  }
0xff: {  	v8 =	vmax.f32 v61, $0.0e+00;
	v5 =	vmin.f32 v7, v5;
	[tilespmem:s23+$0x2430] =	vst v62  }
0x100: {  	v6 =	vmax.f32 v6, $0.0e+00;
	v63 =	vmin.f32 v8, v4;
	[tilespmem:s23+$0x6C30] =	vst v5  }
0x101: {  	v4 =	vmin.f32 v6, v4;
	[tilespmem:s23+$0x30] =	vst v63  }
0x102: {  	s4 =	simm.s32 $0x0;
	[tilespmem:s23+$0x4830] =	vst v4  }
.LBB2_7:
0x103: {  	s18 =	simm.s32 $0x0  }
0x104: {  	v6 =	vld [tilespmem:s18+$0xB400]  }
0x105: {  	s6 =	sshrl.u32 s30, s4;
	v7 =	vld [tilespmem:s18+$0xB410]  }
0x106: {  	s6 =	sor.u32 s6, s3;
	v5 =	vld [tilespmem:s18+$0xB420]  }
0x107: {  	v8 =	vld [tilespmem:s18+$0xB430];
	s7 =	sxor.u32 $0x80000000, s6  }
0x108: {  	v9 =	vimm.s32 $0x0;
	v4 =	vmov s7;
	s7 =	simm.s32 $0x100  }
.LBB2_8:
0x109: {  	s18 =	sshra.s32 s7, $0x2;
	p0 =	sne.s32 s7, $0x8F00;
	s7 =	sadd.s32 $0x100, s7;
	vm3 =	vge.s32 v6, v4  }
.Ltmp5:
0x10a: {  	v6 =	vld [tilespmem:s18+$0xB400];
	v10 =	vsel vm3, $0x1, v2;
	vm3 =	vge.s32 v7, v4;
	(pc) =	sbr.rel @p0 .LBB2_8-.Ltmp5, $4  }
0x10b: {  	v7 =	vld [tilespmem:s18+$0xB410];
	v9 =	vadd.s32 v10, v9;
	v10 =	vsel vm3, $0x1, v2;
	vm3 =	vge.s32 v5, v4  }
0x10c: {  	v5 =	vld [tilespmem:s18+$0xB420];
	v9 =	vadd.s32 v10, v9;
	v10 =	vsel vm3, $0x1, v2;
	vm3 =	vge.s32 v8, v4  }
0x10d: {  	v8 =	vld [tilespmem:s18+$0xB430];
	v9 =	vadd.s32 v10, v9;
	v10 =	vsel vm3, $0x1, v2  }
0x10e: {  	v9 =	vadd.s32 v10, v9  }
0x10f: {  	vm3 =	vge.s32 v6, v4  }
0x110: {  	v6 =	vsel vm3, $0x1, v2;
	vm3 =	vge.s32 v7, v4  }
0x111: {  	v6 =	vadd.s32 v6, v9;
	v7 =	vsel vm3, $0x1, v2;
	vm3 =	vge.s32 v5, v4  }
0x112: {  	v5 =	vadd.s32 v7, v6;
	v63 =	vsel vm3, $0x1, v2;
	vm3 =	vge.s32 v8, v4  }
0x113: {  	v4 =	vadd.s32 v63, v5;
	v5 =	vsel vm3, $0x1, v2  }
0x114: {  	v4 =	vadd.s32 v5, v4  }
0x115: {  	(xrf0) =	vadd.scan.msk.s32 $0xffff, v4;
	_ =	sdelay $0x5  }
0x116: {  	v4, _, _ =	vpop (xrf0)  }
0x117: {  	(v2sf) =	vpush v4, $0xF;
	_ =	sdelay $0xa  }
0x118: {  	s4 =	sadd.s32 $0x1, s4  }
0x119: {  	p1 =	sne.s32 s4, $0x20  }
.Ltmp6:
0x11a: {  	_ = 	snop;
	(pc) =	sbr.rel @p1 .LBB2_7-.Ltmp6, $4  }
0x11b: {  	_ = 	snop  }
0x11c: {  	s7 =	spop (v2sf)  }
0x11d: {  	p0 =	sgt.s32 s7, $0x176F  }
0x11e: {  	s3 =	smov.u32 @p0 s6  }
0x11f: {  	s4 =	simm.s32 $0x0  }
0x120: {  	v8 =	vld [tilespmem:s4+$0xB400]  }
0x121: {  	v6 =	vld [tilespmem:s4+$0xB410]  }
0x122: {  	v5 =	vld [tilespmem:s4+$0xB420]  }
0x123: {  	s3 =	sxor.u32 $0x80000000, s3;
	v7 =	vld [tilespmem:s4+$0xB430]  }
0x124: {  	v9 =	vimm.s32 $0x0;
	v4 =	vmov s3;
	s3 =	simm.s32 $0x100  }
.LBB2_11:
0x125: {  	s4 =	sshra.s32 s3, $0x2;
	p0 =	sne.s32 s3, $0x8F00;
	s3 =	sadd.s32 $0x100, s3;
	vm3 =	vgt.s32 v8, v4  }
.Ltmp7:
0x126: {  	v8 =	vld [tilespmem:s4+$0xB400];
	v10 =	vsel vm3, $0x1, v2;
	vm3 =	vgt.s32 v6, v4;
	(pc) =	sbr.rel @p0 .LBB2_11-.Ltmp7, $4  }
0x127: {  	v6 =	vld [tilespmem:s4+$0xB410];
	v9 =	vadd.s32 v10, v9;
	v10 =	vsel vm3, $0x1, v2;
	vm3 =	vgt.s32 v5, v4  }
0x128: {  	v5 =	vld [tilespmem:s4+$0xB420];
	v9 =	vadd.s32 v10, v9;
	v10 =	vsel vm3, $0x1, v2;
	vm3 =	vgt.s32 v7, v4  }
0x129: {  	v7 =	vld [tilespmem:s4+$0xB430];
	v9 =	vadd.s32 v10, v9;
	v10 =	vsel vm3, $0x1, v2  }
0x12a: {  	v9 =	vadd.s32 v10, v9  }
0x12b: {  	vm3 =	vgt.s32 v8, v4  }
0x12c: {  	v8 =	vsel vm3, $0x1, v2;
	vm3 =	vgt.s32 v6, v4  }
0x12d: {  	v6 =	vadd.s32 v8, v9;
	v8 =	vsel vm3, $0x1, v2;
	vm3 =	vgt.s32 v5, v4  }
0x12e: {  	v5 =	vadd.s32 v8, v6;
	v6 =	vsel vm3, $0x1, v2;
	vm3 =	vgt.s32 v7, v4  }
0x12f: {  	v5 =	vadd.s32 v6, v5;
	v6 =	vsel vm3, $0x1, v2  }
0x130: {  	v5 =	vadd.s32 v6, v5  }
0x131: {  	(xrf0) =	vadd.scan.msk.s32 $0xffff, v5;
	_ =	sdelay $0x5  }
0x132: {  	v5, _, _ =	vpop (xrf0)  }
0x133: {  	(v2sf) =	vpush v5, $0xF;
	_ =	sdelay $0xe  }
0x134: {  	s3 =	spop (v2sf)  }
0x135: {  	v9 =	vimm.s32 $0x0;
	v8 =	vimm.s32 $0x0;
	s3 =	ssub.s32 $0x1770, s3  }
0x136: {  	v6 =	vimm.s32 $0x80000000;
	v5 =	vimm.s32 $0x40000000;
	v7 =	vmov s3;
	s3 =	simm.s32 $0x0  }
.LBB2_13:
0x137: {  	s4 =	sshra.s32 s3, $0x2  }
0x138: {  	v10 =	vld [tilespmem:s4+$0xB400];
	_ =	sdelay $0x4  }
0x139: {  	vm4 =	veq.s32 v10, v4  }
0x13a: {  	v11 =	vsel vm4, $0x1, v2  }
0x13b: {  	(xrf0) =	vadd.scan.msk.s32 $0xffff, v11;
	_ =	sdelay $0x5  }
0x13c: {  	v11, _, _ =	vpop (xrf0)  }
0x13d: {  	v11 =	vadd.s32 v9, v11  }
0x13e: {  	vm3 =	vle.s32 v11, v7  }
0x13f: {  	vm5 =	vgt.s32 v10, v4;
	vm3 =	vmand vm4, vm3  }
0x140: {  	vm3 =	vmor vm5, vm3  }
0x141: {  	v11 =	vsel vm3, $0x1, v2  }
0x142: {  	(xrf0) =	vadd.scan.msk.s32 $0xffff, v11;
	_ =	sdelay $0x5  }
0x143: {  	v11, _, _ =	vpop (xrf0)  }
0x144: {  	v11 =	vadd.s32 v11, v8  }
0x145: {  	v12 =	vld [tilespmem:s4+$0x0];
	v11 =	vadd.s32 $0xFFFFFFFF, v11;
	_ =	sdelay $0x4  }
0x146: {  	[tilespmem:v11+s2+$0x0] =	vst.idx.msk vm3, v12  }
0x147: {  	v12 =	vld [tilespmem:s4+$0x2400];
	_ =	sdelay $0x4  }
0x148: {  	[tilespmem:v11+s20+$0x0] =	vst.idx.msk vm3, v12  }
0x149: {  	v12 =	vld [tilespmem:s4+$0x4800];
	_ =	sdelay $0x4  }
0x14a: {  	[tilespmem:v11+s21+$0x0] =	vst.idx.msk vm3, v12  }
0x14b: {  	v12 =	vld [tilespmem:s4+$0x6C00];
	_ =	sdelay $0x4  }
0x14c: {  	[tilespmem:v11+s22+$0x0] =	vst.idx.msk vm3, v12  }
0x14d: {  	[tilespmem:v11+s31+$0x0] =	vst.idx.msk vm3, v10  }
0x14e: {  	v12 =	vld [tilespmem:s4+$0xB410];
	_ =	sdelay $0x4  }
0x14f: {  	vm15 =	veq.s32 v12, v4  }
0x150: {  	v13 =	vsel vm15, $0x1, v2  }
0x151: {  	(xrf0) =	vadd.scan.msk.s32 $0xffff, v13;
	_ =	sdelay $0x3  }
0x152: {  	v49 =	vmpcnt.ones.xlane vm4;
	_ =	sdelay $0x1  }
0x153: {  	v9 =	vadd.s32 v9, v49;
	v50, _, _ =	vpop (xrf0)  }
0x154: {  	v13 =	vadd.s32 v9, v50  }
0x155: {  	vm9 =	vle.s32 v13, v7  }
0x156: {  	vm6 =	vgt.s32 v12, v4;
	vm4 =	vmand vm15, vm9  }
0x157: {  	vm4 =	vmor vm6, vm4  }
0x158: {  	v51 =	vsel vm4, $0x1, v2  }
0x159: {  	(xrf0) =	vadd.scan.msk.s32 $0xffff, v51;
	_ =	sdelay $0x3  }
0x15a: {  	v52 =	vmpcnt.ones.xlane vm3;
	_ =	sdelay $0x1  }
0x15b: {  	v8 =	vadd.s32 v8, v52;
	v53, _, _ =	vpop (xrf0)  }
0x15c: {  	v13 =	vadd.s32 v53, v8  }
0x15d: {  	v14 =	vld [tilespmem:s4+$0x10];
	v13 =	vadd.s32 $0xFFFFFFFF, v13;
	_ =	sdelay $0x4  }
0x15e: {  	[tilespmem:v13+s2+$0x0] =	vst.idx.msk vm4, v14  }
0x15f: {  	v14 =	vld [tilespmem:s4+$0x2410];
	_ =	sdelay $0x4  }
0x160: {  	[tilespmem:v13+s20+$0x0] =	vst.idx.msk vm4, v14  }
0x161: {  	v14 =	vld [tilespmem:s4+$0x4810];
	_ =	sdelay $0x4  }
0x162: {  	[tilespmem:v13+s21+$0x0] =	vst.idx.msk vm4, v14  }
0x163: {  	v14 =	vld [tilespmem:s4+$0x6C10];
	_ =	sdelay $0x4  }
0x164: {  	[tilespmem:v13+s22+$0x0] =	vst.idx.msk vm4, v14  }
0x165: {  	[tilespmem:v13+s31+$0x0] =	vst.idx.msk vm4, v12  }
0x166: {  	v14 =	vld [tilespmem:s4+$0xB420];
	_ =	sdelay $0x4  }
0x167: {  	vm7 =	veq.s32 v14, v4  }
0x168: {  	v15 =	vsel vm7, $0x1, v2  }
0x169: {  	(xrf0) =	vadd.scan.msk.s32 $0xffff, v15;
	_ =	sdelay $0x3  }
0x16a: {  	v54 =	vmpcnt.ones.xlane vm15;
	_ =	sdelay $0x1  }
0x16b: {  	v9 =	vadd.s32 v9, v54;
	v55, _, _ =	vpop (xrf0)  }
0x16c: {  	v15 =	vadd.s32 v9, v55  }
0x16d: {  	vm10 =	vle.s32 v15, v7  }
0x16e: {  	vm11 =	vgt.s32 v14, v4;
	vm5 =	vmand vm7, vm10  }
0x16f: {  	vm5 =	vmor vm11, vm5  }
0x170: {  	v56 =	vsel vm5, $0x1, v2  }
0x171: {  	(xrf0) =	vadd.scan.msk.s32 $0xffff, v56;
	_ =	sdelay $0x3  }
0x172: {  	v57 =	vmpcnt.ones.xlane vm4;
	_ =	sdelay $0x1  }
0x173: {  	v8 =	vadd.s32 v8, v57;
	v58, _, _ =	vpop (xrf0)  }
0x174: {  	v15 =	vadd.s32 v58, v8  }
0x175: {  	v16 =	vld [tilespmem:s4+$0x20];
	v15 =	vadd.s32 $0xFFFFFFFF, v15;
	_ =	sdelay $0x4  }
0x176: {  	[tilespmem:v15+s2+$0x0] =	vst.idx.msk vm5, v16  }
0x177: {  	v16 =	vld [tilespmem:s4+$0x2420];
	_ =	sdelay $0x4  }
0x178: {  	[tilespmem:v15+s20+$0x0] =	vst.idx.msk vm5, v16  }
0x179: {  	v16 =	vld [tilespmem:s4+$0x4820];
	_ =	sdelay $0x4  }
0x17a: {  	[tilespmem:v15+s21+$0x0] =	vst.idx.msk vm5, v16  }
0x17b: {  	v16 =	vld [tilespmem:s4+$0x6C20];
	_ =	sdelay $0x4  }
0x17c: {  	[tilespmem:v15+s22+$0x0] =	vst.idx.msk vm5, v16  }
0x17d: {  	[tilespmem:v15+s31+$0x0] =	vst.idx.msk vm5, v14  }
0x17e: {  	v16 =	vld [tilespmem:s4+$0xB430];
	_ =	sdelay $0x4  }
0x17f: {  	vm6 =	veq.s32 v16, v4  }
0x180: {  	v17 =	vsel vm6, $0x1, v2  }
0x181: {  	(xrf0) =	vadd.scan.msk.s32 $0xffff, v17;
	_ =	sdelay $0x3  }
0x182: {  	v59 =	vmpcnt.ones.xlane vm7;
	_ =	sdelay $0x1  }
0x183: {  	v9 =	vadd.s32 v9, v59;
	v60, _, _ =	vpop (xrf0)  }
0x184: {  	v17 =	vadd.s32 v9, v60  }
0x185: {  	vm12 =	vle.s32 v17, v7  }
0x186: {  	vm8 =	vgt.s32 v16, v4;
	vm7 =	vmand vm6, vm12  }
0x187: {  	vm7 =	vmor vm8, vm7  }
0x188: {  	v61 =	vsel vm7, $0x1, v2  }
0x189: {  	(xrf0) =	vadd.scan.msk.s32 $0xffff, v61;
	_ =	sdelay $0x3  }
0x18a: {  	v62 =	vmpcnt.ones.xlane vm5;
	_ =	sdelay $0x1  }
0x18b: {  	v8 =	vadd.s32 v8, v62;
	v63, _, _ =	vpop (xrf0)  }
0x18c: {  	v17 =	vadd.s32 v63, v8  }
0x18d: {  	v18 =	vld [tilespmem:s4+$0x30];
	v17 =	vadd.s32 $0xFFFFFFFF, v17;
	_ =	sdelay $0x4  }
0x18e: {  	[tilespmem:v17+s2+$0x0] =	vst.idx.msk vm7, v18  }
0x18f: {  	v18 =	vld [tilespmem:s4+$0x2430];
	_ =	sdelay $0x4  }
0x190: {  	[tilespmem:v17+s20+$0x0] =	vst.idx.msk vm7, v18  }
0x191: {  	v18 =	vld [tilespmem:s4+$0x4830]  }
0x192: {  	vm13 =	vgt.s32 v10, v6  }
0x193: {  	vm3 =	vmand vm13, vm3  }
0x194: {  	v6 =	vsel vm3, v10, v6  }
0x195: {  	vm14 =	vgt.s32 v12, v6  }
0x196: {  	vm4 =	vmand vm14, vm4;
	[tilespmem:v17+s21+$0x0] =	vst.idx.msk vm7, v18  }
0x197: {  	v6 =	vsel vm4, v12, v6;
	v10 =	vld [tilespmem:s4+$0x6C30]  }
0x198: {  	vm15 =	vgt.s32 v14, v6  }
0x199: {  	p0 =	sne.s32 s3, $0x8F00;
	vm5 =	vmand vm15, vm5  }
.Ltmp8:
0x19a: {  	v6 =	vsel vm5, v14, v6;
	(pc) =	sbr.rel @p0 .LBB2_13-.Ltmp8, $4  }
0x19b: {  	v5 =	vsel vm3, v11, v5;
	vm3 =	vgt.s32 v16, v6;
	v11 =	vmpcnt.ones.xlane vm6  }
0x19c: {  	v5 =	vsel vm4, v13, v5;
	vm3 =	vmand vm3, vm7;
	[tilespmem:v17+s22+$0x0] =	vst.idx.msk vm7, v10;
	v10 =	vmpcnt.ones.xlane vm7  }
0x19d: {  	v5 =	vsel vm5, v15, v5;
	v9 =	vadd.s32 v9, v11;
	v6 =	vsel vm3, v16, v6  }
0x19e: {  	s3 =	sadd.s32 $0x100, s3;
	v5 =	vsel vm3, v17, v5;
	[tilespmem:v17+s31+$0x0] =	vst.idx.msk vm7, v16;
	v8 =	vadd.s32 v8, v10  }
0x19f: {  	v4 =	vxor.u32 $0x80000000, v8  }
0x1a0: {  	(xrf0) =	vmax.scan.msk.u32 $0xffff, v4;
	_ =	sdelay $0x5  }
0x1a1: {  	v4, _, _ =	vpop (xrf0)  }
0x1a2: {  	(v2sf) =	vpush v4, $0xF;
	v4 =	vxor.u32 $0x80000000, v6  }
0x1a3: {  	(xrf0) =	vmax.scan.msk.u32 $0xffff, v4;
	_ =	sdelay $0x5  }
0x1a4: {  	v4, _, _ =	vpop (xrf0)  }
0x1a5: {  	(v2sf) =	vpush v4, $0xF;
	_ =	sdelay $0xa  }
0x1a6: {  	s3 =	spop (v2sf)  }
0x1a7: {  	s4 =	sxor.u32 $0x80000000, s3  }
0x1a8: {  	s18 =	sadd.s32 $0x80000010, s3;
	v4 =	vadd.s32 s4, v1  }
0x1a9: {  	s23 =	sadd.s32 $0x80000020, s3;
	v7 =	vadd.s32 s18, v1  }
0x1aa: {  	s24 =	sadd.s32 $0x80000030, s3;
	v8 =	vadd.s32 s23, v1;
	s4 =	spop (v2sf)  }
0x1ab: {  	v9 =	vadd.s32 s24, v1;
	p0 =	seq.s32 s4, $0x0  }
.Ltmp9:
0x1ac: {  	_ = 	snop;
	(pc) =	sbr.rel @p0 .LBB2_22-.Ltmp9, $4  }
0x1ad: {  	[tilespmem:v4+s31+$0x0] =	vst.idx.msk $0xffff, v3  }
0x1ae: {  	[tilespmem:v7+s31+$0x0] =	vst.idx.msk $0xffff, v3  }
0x1af: {  	[tilespmem:v8+s31+$0x0] =	vst.idx.msk $0xffff, v3  }
0x1b0: {  	[tilespmem:v9+s31+$0x0] =	vst.idx.msk $0xffff, v3  }
0x1b1: {  	s4 =	sxor.u32 $0x80000000, s4  }
0x1b2: {  	v4 =	vxor.u32 $0x80000000, v5;
	vm3 =	veq.s32 v6, s4  }
0x1b3: {  	v4 =	vnsel vm3, $0xC0000000, v4  }
0x1b4: {  	(xrf0) =	vmin.scan.msk.u32 $0xffff, v4;
	_ =	sdelay $0x5  }
0x1b5: {  	v4, _, _ =	vpop (xrf0)  }
0x1b6: {  	(v2sf) =	vpush v4, $0xF;
	_ =	sdelay $0x8  }
0x1b7: {  	s3 =	sadd.s32 $0x8000003F, s3  }
0x1b8: {  	s23 =	sand.u32 $0x3F, s3;
	s6 =	sshra.s32 s3, $0x1F  }
.Ltmp10:
0x1b9: {  	p0 =	slt.s32 s3, $0x1;
	p1 =	sne.s32 s23, $0x0;
	(pc) =	sbr.rel .LBB2_16-.Ltmp10, $4  }
0x1ba: {  	s24 =	sshrl.u32 s6, $0x1A;
	p0 =	por !p0, !p1  }
0x1bb: {  	s6 =	simm.s32 $0x1;
	s3 =	sadd.s32 s24, s3;
	p0 =	por !p0, !p0  }
0x1bc: {  	s3 =	sshra.s32 s3, $0x6;
	s6 =	simm.s32 @!p0 $0x0  }
0x1bd: {  	s18 =	simm.s32 $0x0;
	s3 =	ssub.s32 s3, s6;
	s4 =	spop (v2sf)  }
.LBB2_17:
0x1be: {  	v4 =	vimm.s32 $0xC0000000;
	v9 =	vimm.s32 $0x80000000  }
.LBB2_21:
0x1bf: {  	(xrf0) =	vmax.scan.msk.u32 $0xffff, v8;
	v5 =	vxor.u32 $0x80000000, v9  }
0x1c0: {  	(xrf0) =	vmax.scan.msk.u32 $0xffff, v5;
	_ =	sdelay $0x4  }
0x1c1: {  	v5, _, _ =	vpop (xrf0)  }
0x1c2: {  	(v2sf) =	vpush v5, $0xF;
	v5, _, _ =	vpop (xrf0)  }
0x1c3: {  	(v2sf) =	vpush v5, $0xF;
	_ =	sdelay $0xd  }
0x1c4: {  	s3 =	spop (v2sf)  }
0x1c5: {  	s4 =	spop (v2sf)  }
0x1c6: {  	s6 =	sxor.u32 $0x80000000, s4  }
0x1c7: {  	vm3 =	veq.s32 v9, s6  }
0x1c8: {  	v4 =	vnsel vm3, $0xC0000000, v4  }
0x1c9: {  	(xrf0) =	vmin.scan.msk.u32 $0xffff, v4;
	_ =	sdelay $0x5  }
0x1ca: {  	v4, _, _ =	vpop (xrf0)  }
0x1cb: {  	(v2sf) =	vpush v4, $0xF;
	_ =	sdelay $0x2  }
0x1cc: {  	s7 =	sxor.u32 $0x80000000, s3  }
0x1cd: {  	s23 =	sadd.s32 $0x80000010, s3;
	v4 =	vadd.s32 s7, v1;
	s7 =	sadd.s32 $0x8000003F, s3  }
0x1ce: {  	v5 =	vadd.s32 s23, v1;
	s23 =	sand.u32 $0x3F, s7  }
0x1cf: {  	p0 =	slt.s32 s7, $0x1;
	p1 =	sne.s32 s23, $0x0  }
0x1d0: {  	s24 =	sadd.s32 $0x80000020, s3;
	p0 =	por !p0, !p1  }
0x1d1: {  	s6 =	simm.s32 $0x1;
	p1 =	sgt.u32 s18, $0x12A;
	p0 =	por !p0, !p0  }
0x1d2: {  	v6 =	vadd.s32 s24, v1;
	s3 =	sadd.s32 $0x80000030, s3;
	s6 =	simm.s32 @!p0 $0x0;
	p0 =	sne.s32 @!p1 s4, $0x0  }
0x1d3: {  	v7 =	vadd.s32 s3, v1;
	p0 =	por p1, !p0  }
.Ltmp11:
0x1d4: {  	s24 =	sshra.s32 s7, $0x1F;
	(pc) =	sbr.rel @p0 .LBB2_22-.Ltmp11, $4  }
0x1d5: {  	s3 =	sshrl.u32 s24, $0x1A;
	[tilespmem:v4+s31+$0x0] =	vst.idx.msk $0xffff, v3  }
0x1d6: {  	s3 =	sadd.s32 s3, s7;
	[tilespmem:v5+s31+$0x0] =	vst.idx.msk $0xffff, v3  }
0x1d7: {  	s3 =	sshra.s32 s3, $0x6;
	[tilespmem:v6+s31+$0x0] =	vst.idx.msk $0xffff, v3  }
0x1d8: {  	s18 =	sadd.s32 $0x1, s18;
	s3 =	ssub.s32 s3, s6;
	[tilespmem:v7+s31+$0x0] =	vst.idx.msk $0xffff, v3;
	s4 =	spop (v2sf)  }
.LBB2_16:
0x1d9: {  	s4 =	sxor.u32 $0x80000000, s4  }
0x1da: {  	v7 =	vmov s4;
	_ =	sdelay $0x4  }
0x1db: {  	v4 =	vld.idx.msk [tilespmem:v7+s21+$0x0], $0xffff  }
0x1dc: {  	v5 =	vld.idx.msk [tilespmem:v7+s22+$0x0], $0xffff  }
0x1dd: {  	v6 =	vld.idx.msk [tilespmem:v7+s20+$0x0], $0xffff  }
0x1de: {  	s24 =	smul.u32 $0x5, s18;
	s3 =	sshll.u32 s3, $0x6;
	v7 =	vld.idx.msk [tilespmem:v7+s2+$0x0], $0xffff  }
0x1df: {  	s23 =	sshra.s32 s3, $0x6  }
0x1e0: {  	v8 =	vadd.s32 s24, v1;
	p0 =	slt.s32 s23, $0x1  }
.Ltmp12:
0x1e1: {  	v9 =	vsel vm0, v5, v4;
	(pc) =	sbr.rel @p0 .LBB2_17-.Ltmp12, $4  }
0x1e2: {  	v9 =	vsel vm1, v9, v6  }
0x1e3: {  	vm3 =	veq.s32 v1, $0x0;
	v9 =	vsel vm2, v9, v7  }
0x1e4: {  	v9 =	vsel vm3, s12, v9  }
0x1e5: {  	[tilespmem:v8+s0+$0x0] =	vst.idx.msk $0x1f, v9;
	v8 =	vimm.s32 $0x80000000  }
0x1e6: {  	v8 =	vsub.f32 v4, v7;
	v9 =	vsub.f32 v5, v6;
	_ =	sdelay $0x1  }
0x1e7: {  	v8 =	vadd.f32 $1.000000000e+00, v8;
	v9 =	vadd.f32 $1.000000000e+00, v9  }
0x1e8: {  	s24 =	simm.s32 $0xB420;
	s3 =	simm.s32 $0x6C20;
	v13 =	vimm.s32 $0x0  }
0x1e9: {  	v10 =	vimm.s32 $0x40000000;
	s4 =	simm.s32 $0x4820;
	s6 =	simm.s32 $0x2420;
	s7 =	simm.s32 $0x20;
	v8 =	vmul.f32 v9, v8;
	v9 =	vimm.s32 $0x80000000  }
.LBB2_19:
0x1ea: {  	v14 =	vld [tilespmem:s7+$0xFFFFFFE0]  }
0x1eb: {  	v15 =	vld [tilespmem:s6+$0xFFFFFFE0]  }
0x1ec: {  	v16 =	vld [tilespmem:s4+$0xFFFFFFE0]  }
0x1ed: {  	v17 =	vld [tilespmem:s3+$0xFFFFFFE0];
	_ =	sdelay $0x4  }
0x1ee: {  	v11 =	vsub.f32 v16, v14;
	v12 =	vsub.f32 v17, v15;
	v18 =	vmin.f32 v16, v4  }
0x1ef: {  	v19 =	vmax.f32 v14, v7;
	v20 =	vmin.f32 v17, v5;
	v21 =	vmax.f32 v15, v6  }
0x1f0: {  	v18 =	vsub.f32 v18, v19;
	v25 =	vsub.f32 v20, v21  }
0x1f1: {  	v11 =	vadd.f32 $1.000000000e+00, v11;
	v12 =	vadd.f32 $1.000000000e+00, v12  }
0x1f2: {  	v18 =	vadd.f32 $1.000000000e+00, v18;
	v19 =	vadd.f32 $1.000000000e+00, v25  }
0x1f3: {  	v11 =	vmul.f32 v12, v11  }
0x1f4: {  	v12 =	vmax.f32 v18, $0.0e+00;
	v26 =	vmax.f32 v19, $0.0e+00  }
0x1f5: {  	v12 =	vmul.f32 v26, v12;
	v11 =	vadd.f32 v11, v8;
	_ =	sdelay $0x1  }
0x1f6: {  	v11 =	vsub.f32 v11, v12;
	_ =	sdelay $0x1  }
0x1f7: {  	(erf) = vrcp.f32 v11;
	_ =	sdelay $0x6  }
0x1f8: {  	v11 =	vld [tilespmem:s24+$0xFFFFFFE0];
	_ =	sdelay $0x1  }
0x1f9: {  	v27 =	vpop (erf)  }
0x1fa: {  	v12 =	vmul.f32 v27, v12;
	_ =	sdelay $0x1  }
0x1fb: {  	vm4 =	vne.s32 v11, $0x80000000;
	vm3 =	vle.f32 v12, $6.999999880e-01  }
0x1fc: {  	vm5 =	vmand vm4, vm3  }
0x1fd: {  	v12 =	vsel vm5, $0x1, v2  }
0x1fe: {  	(xrf0) =	vadd.scan.msk.s32 $0xffff, v12;
	_ =	sdelay $0x5  }
0x1ff: {  	v12, _, _ =	vpop (xrf0)  }
0x200: {  	v12 =	vadd.s32 v12, v13  }
0x201: {  	v12 =	vadd.s32 $0xFFFFFFFF, v12;
	_ =	sdelay $0x4  }
0x202: {  	[tilespmem:v12+s2+$0x0] =	vst.idx.msk vm5, v14  }
0x203: {  	[tilespmem:v12+s20+$0x0] =	vst.idx.msk vm5, v15  }
0x204: {  	[tilespmem:v12+s21+$0x0] =	vst.idx.msk vm5, v16  }
0x205: {  	[tilespmem:v12+s22+$0x0] =	vst.idx.msk vm5, v17  }
0x206: {  	[tilespmem:v12+s31+$0x0] =	vst.idx.msk vm5, v11  }
0x207: {  	v14 =	vld [tilespmem:s7+$0xFFFFFFF0]  }
0x208: {  	v15 =	vld [tilespmem:s6+$0xFFFFFFF0]  }
0x209: {  	v16 =	vld [tilespmem:s4+$0xFFFFFFF0]  }
0x20a: {  	v17 =	vld [tilespmem:s3+$0xFFFFFFF0];
	_ =	sdelay $0x4  }
0x20b: {  	v28 =	vsub.f32 v16, v14;
	v29 =	vsub.f32 v17, v15;
	v30 =	vmin.f32 v16, v4  }
0x20c: {  	v31 =	vmax.f32 v14, v7;
	v22 =	vmin.f32 v17, v5;
	v23 =	vmax.f32 v15, v6  }
0x20d: {  	v20 =	vsub.f32 v30, v31;
	v32 =	vsub.f32 v22, v23  }
0x20e: {  	v18 =	vadd.f32 $1.000000000e+00, v28;
	v19 =	vadd.f32 $1.000000000e+00, v29  }
0x20f: {  	v20 =	vadd.f32 $1.000000000e+00, v20;
	v21 =	vadd.f32 $1.000000000e+00, v32  }
0x210: {  	v18 =	vmul.f32 v19, v18  }
0x211: {  	v33 =	vmax.f32 v20, $0.0e+00;
	v34 =	vmax.f32 v21, $0.0e+00  }
0x212: {  	v19 =	vmul.f32 v34, v33;
	v18 =	vadd.f32 v18, v8;
	_ =	sdelay $0x1  }
0x213: {  	v18 =	vsub.f32 v18, v19;
	_ =	sdelay $0x1  }
0x214: {  	(erf) = vrcp.f32 v18;
	_ =	sdelay $0x6  }
0x215: {  	v35 =	vld [tilespmem:s24+$0xFFFFFFF0];
	_ =	sdelay $0x1  }
0x216: {  	v36 =	vpop (erf)  }
0x217: {  	v19 =	vmul.f32 v36, v19;
	_ =	sdelay $0x1  }
0x218: {  	vm6 =	vne.s32 v35, $0x80000000;
	vm15 =	vle.f32 v19, $6.999999880e-01  }
0x219: {  	vm6 =	vmand vm6, vm15  }
0x21a: {  	v37 =	vsel vm6, $0x1, v2  }
0x21b: {  	(xrf0) =	vadd.scan.msk.s32 $0xffff, v37;
	_ =	sdelay $0x3  }
0x21c: {  	v38 =	vmpcnt.ones.xlane vm5;
	_ =	sdelay $0x1  }
0x21d: {  	v13 =	vadd.s32 v13, v38;
	v39, _, _ =	vpop (xrf0)  }
0x21e: {  	v19 =	vadd.s32 v39, v13  }
0x21f: {  	v19 =	vadd.s32 $0xFFFFFFFF, v19;
	_ =	sdelay $0x4  }
0x220: {  	[tilespmem:v19+s2+$0x0] =	vst.idx.msk vm6, v14  }
0x221: {  	[tilespmem:v19+s20+$0x0] =	vst.idx.msk vm6, v15  }
0x222: {  	[tilespmem:v19+s21+$0x0] =	vst.idx.msk vm6, v16  }
0x223: {  	[tilespmem:v19+s22+$0x0] =	vst.idx.msk vm6, v17  }
0x224: {  	[tilespmem:v19+s31+$0x0] =	vst.idx.msk vm6, v35  }
0x225: {  	v14 =	vld [tilespmem:s7+$0x0]  }
0x226: {  	v15 =	vld [tilespmem:s6+$0x0]  }
0x227: {  	v16 =	vld [tilespmem:s4+$0x0]  }
0x228: {  	v17 =	vld [tilespmem:s3+$0x0];
	_ =	sdelay $0x4  }
0x229: {  	v40 =	vsub.f32 v16, v14;
	v41 =	vsub.f32 v17, v15;
	v42 =	vmin.f32 v16, v4  }
0x22a: {  	v43 =	vmax.f32 v14, v7;
	v24 =	vmin.f32 v17, v5;
	v25 =	vmax.f32 v15, v6  }
0x22b: {  	v22 =	vsub.f32 v42, v43;
	v44 =	vsub.f32 v24, v25  }
0x22c: {  	v20 =	vadd.f32 $1.000000000e+00, v40;
	v21 =	vadd.f32 $1.000000000e+00, v41  }
0x22d: {  	v22 =	vadd.f32 $1.000000000e+00, v22;
	v23 =	vadd.f32 $1.000000000e+00, v44  }
0x22e: {  	v20 =	vmul.f32 v21, v20  }
0x22f: {  	v45 =	vmax.f32 v22, $0.0e+00;
	v46 =	vmax.f32 v23, $0.0e+00  }
0x230: {  	v21 =	vmul.f32 v46, v45;
	v20 =	vadd.f32 v20, v8;
	_ =	sdelay $0x1  }
0x231: {  	v20 =	vsub.f32 v20, v21;
	_ =	sdelay $0x1  }
0x232: {  	(erf) = vrcp.f32 v20;
	_ =	sdelay $0x6  }
0x233: {  	v47 =	vld [tilespmem:s24+$0x0];
	_ =	sdelay $0x1  }
0x234: {  	v48 =	vpop (erf)  }
0x235: {  	v21 =	vmul.f32 v48, v21;
	_ =	sdelay $0x1  }
0x236: {  	vm7 =	vne.s32 v47, $0x80000000;
	vm5 =	vle.f32 v21, $6.999999880e-01  }
0x237: {  	vm7 =	vmand vm7, vm5  }
0x238: {  	v49 =	vsel vm7, $0x1, v2  }
0x239: {  	(xrf0) =	vadd.scan.msk.s32 $0xffff, v49;
	_ =	sdelay $0x3  }
0x23a: {  	v50 =	vmpcnt.ones.xlane vm6;
	_ =	sdelay $0x1  }
0x23b: {  	v13 =	vadd.s32 v13, v50;
	v51, _, _ =	vpop (xrf0)  }
0x23c: {  	v21 =	vadd.s32 v51, v13  }
0x23d: {  	v21 =	vadd.s32 $0xFFFFFFFF, v21;
	_ =	sdelay $0x4  }
0x23e: {  	[tilespmem:v21+s2+$0x0] =	vst.idx.msk vm7, v14  }
0x23f: {  	[tilespmem:v21+s20+$0x0] =	vst.idx.msk vm7, v15  }
0x240: {  	[tilespmem:v21+s21+$0x0] =	vst.idx.msk vm7, v16  }
0x241: {  	[tilespmem:v21+s22+$0x0] =	vst.idx.msk vm7, v17  }
0x242: {  	[tilespmem:v21+s31+$0x0] =	vst.idx.msk vm7, v47  }
0x243: {  	v14 =	vld [tilespmem:s7+$0x10]  }
0x244: {  	v15 =	vld [tilespmem:s6+$0x10]  }
0x245: {  	v16 =	vld [tilespmem:s4+$0x10]  }
0x246: {  	v17 =	vld [tilespmem:s3+$0x10];
	_ =	sdelay $0x4  }
0x247: {  	v52 =	vsub.f32 v16, v14;
	v53 =	vsub.f32 v17, v15;
	v54 =	vmin.f32 v16, v4  }
0x248: {  	v55 =	vmax.f32 v14, v7;
	v26 =	vmin.f32 v17, v5;
	v27 =	vmax.f32 v15, v6  }
0x249: {  	v24 =	vsub.f32 v54, v55;
	v56 =	vsub.f32 v26, v27  }
0x24a: {  	v22 =	vadd.f32 $1.000000000e+00, v52;
	v23 =	vadd.f32 $1.000000000e+00, v53  }
0x24b: {  	v24 =	vadd.f32 $1.000000000e+00, v24;
	v25 =	vadd.f32 $1.000000000e+00, v56  }
0x24c: {  	v22 =	vmul.f32 v23, v22  }
0x24d: {  	v57 =	vmax.f32 v24, $0.0e+00;
	v58 =	vmax.f32 v25, $0.0e+00  }
0x24e: {  	v23 =	vmul.f32 v58, v57;
	v22 =	vadd.f32 v22, v8;
	_ =	sdelay $0x1  }
0x24f: {  	v22 =	vsub.f32 v22, v23;
	_ =	sdelay $0x1  }
0x250: {  	(erf) = vrcp.f32 v22;
	_ =	sdelay $0x6  }
0x251: {  	v59 =	vld [tilespmem:s24+$0x10];
	_ =	sdelay $0x1  }
0x252: {  	v60 =	vpop (erf)  }
0x253: {  	v23 =	vmul.f32 v60, v23;
	_ =	sdelay $0x1  }
0x254: {  	vm8 =	vne.s32 v59, $0x80000000;
	vm12 =	vle.f32 v23, $6.999999880e-01  }
0x255: {  	vm8 =	vmand vm8, vm12  }
0x256: {  	v61 =	vsel vm8, $0x1, v2  }
0x257: {  	(xrf0) =	vadd.scan.msk.s32 $0xffff, v61;
	_ =	sdelay $0x3  }
0x258: {  	v62 =	vmpcnt.ones.xlane vm7  }
0x259: {  	vm13 =	vgt.s32 v11, v9  }
0x25a: {  	vm3 =	vmand vm13, vm3;
	v13 =	vadd.s32 v13, v62;
	v63, _, _ =	vpop (xrf0)  }
0x25b: {  	v9 =	vsel vm3, v11, v9;
	v23 =	vadd.s32 v63, v13  }
0x25c: {  	vm14 =	vgt.s32 v35, v9;
	v23 =	vadd.s32 $0xFFFFFFFF, v23  }
0x25d: {  	vm4 =	vmand vm14, vm15  }
0x25e: {  	v9 =	vsel vm4, v35, v9  }
0x25f: {  	vm15 =	vgt.s32 v47, v9  }
0x260: {  	p0 =	sne.s32 s23, $0x1;
	vm5 =	vmand vm15, vm5  }
.Ltmp13:
0x261: {  	v9 =	vsel vm5, v47, v9;
	[tilespmem:v23+s2+$0x0] =	vst.idx.msk vm8, v14;
	(pc) =	sbr.rel @p0 .LBB2_19-.Ltmp13, $4  }
0x262: {  	v10 =	vsel vm3, v12, v10;
	vm3 =	vgt.s32 v59, v9;
	[tilespmem:v23+s20+$0x0] =	vst.idx.msk vm8, v15  }
0x263: {  	v10 =	vsel vm4, v19, v10;
	vm3 =	vmand vm3, vm12;
	v11 =	vmpcnt.ones.xlane vm8;
	[tilespmem:v23+s21+$0x0] =	vst.idx.msk vm8, v16  }
0x264: {  	s23 =	sadd.s32 $0xFFFFFFFF, s23;
	v10 =	vsel vm5, v21, v10;
	s24 =	sadd.s32 $0x40, s24;
	s3 =	sadd.s32 $0x40, s3;
	v9 =	vsel vm3, v59, v9;
	[tilespmem:v23+s22+$0x0] =	vst.idx.msk vm8, v17  }
0x265: {  	s4 =	sadd.s32 $0x40, s4;
	s6 =	sadd.s32 $0x40, s6;
	s7 =	sadd.s32 $0x40, s7;
	v13 =	vadd.s32 v13, v11;
	v10 =	vsel vm3, v23, v10;
	[tilespmem:v23+s31+$0x0] =	vst.idx.msk vm8, v59  }
.Ltmp14:
0x266: {  	(pc) =	sbr.rel .LBB2_21-.Ltmp14, $2  }
0x267: {  	_ =	sdelay $0x2  }
0x268: {  	v8 =	vxor.u32 $0x80000000, v13;
	v4 =	vxor.u32 $0x80000000, v10  }
.LBB2_23:
0x269: {  	_ =	sfence.sel $0x180000  }
0x26a: {  	[bflag:$0x0] =	sbarrier.arrive $0xFFFF  }
0x26b: {  	_ =	strace $0x90000047  }
0x26c: {  	s0 =	stileid.u32;
	[bflag:$0x2] =	sbarrier.arrive $0xFFFF  }
0x26d: {  	p0 =	sne.s32 s0, $0x0;
	s0 =	rddreg [dreg:$0x2]  }
0x26e: {  	s0 =	sadd.s32 @!p0 $0x100000, s0  }
0x26f: {  	[sflag:s0] =	ssyncadd.tile.s32 @!p0 $0x1;
	_ =	shalt  }
.Lfunc_end2:
_tile_overlayer_lowered:
.L_overlay_start_2:
0x270: {  	(tag) =	ssettag $0x2  }
0x271: {  	s0 =	rddreg [dreg:$0x0];
	s2 =	stileid.u32  }
0x272: {  	s1 =	rddreg [dreg:$0x1];
	p0 =	sne.s32 s2, $0x0  }
0x273: {  	s3 =	rddreg [dreg:$0x2];
	[bflag:$0x3] =	sbarrier.arrive $0xFFFF;
	s2 =	simm.s32 @!p0 $0x1C01  }
0x274: {  	[timem:s3], [sflag:s2] =	dma.local @!p0 [hbm:s0], s1  }
0x275: {  	s0 =	simm.s32 @!p0 $0x1  }
0x276: {  	_ =	swait.ge @!p0 [sflag:s0], s1  }
0x277: {  	s1 =	ssub.s32 @!p0 $0x0, s1;
	[sflag:s0] =	ssyncset.done @!p0 $0x0  }
0x278: {  	[sflag:s0] =	ssyncadd.s32 @!p0 s1  }
0x279: {  	[bflag:$0x3] =	sbarrier.arrive $0xFFFF  }
0x27a: {  	_ =	shalt  }

</sc_bundles>
